<compile_context>
chip_gen: v7x
topology: tpu7x:2x2x1
jax: 0.10.2.dev20260603
libtpu: 0.0.44.dev20260713+nightly
codegen_flags: <defaults>
</compile_context>

<pallas_src>
import functools

import jax
import jax.numpy as jnp
from jax import lax
from jax.experimental import pallas as pl
from jax.experimental.pallas import tpu as pltpu
from jax.experimental.pallas import tpu_sc as plsc

N = 10000
E = 320000
D_IN = 128
H = 128
H2 = 64

NC = 2
NS = 16
NW = NC * NS
EPW = E // NW
B = 125
NB = EPW // B

HALF = 5120
JUNK = 512
ACC1 = HALF + JUNK
ZPT = ACC1 // NS
CPT = HALF // NS
N_OUT = 2 * HALF

ACC2 = HALF

_MESH = plsc.VectorSubcoreMesh(core_axis_name="c", subcore_axis_name="s")


HC = CPT // 2


@functools.partial(
    pl.kernel,
    out_type=jax.ShapeDtypeStruct((NC * N_OUT, H), jnp.float32),
    mesh=_MESH,
    scratch_types=[
        pltpu.VMEM((NB, B), jnp.int32),
        pltpu.VMEM((B, H), jnp.float32),
        pltpu.VMEM((ZPT // 2, H), jnp.float32),
        pltpu.VMEM_SHARED((ACC1, H), jnp.float32),
    ],
)
def _deg_sc(ones_hbm, dst_hbm, zeros_hbm, out_hbm, didx, rows, zbuf, acc):
    c = lax.axis_index("c")
    s = lax.axis_index("s")
    wid = c * NS + s
    pltpu.sync_copy(ones_hbm, rows)
    for p in range(2):
        if p > 0:
            plsc.subcore_barrier()
        pltpu.sync_copy(zeros_hbm, zbuf)
        for j in range(2):
            pltpu.sync_copy(
                zbuf, acc.at[pl.ds(s * ZPT + j * (ZPT // 2), ZPT // 2)])
        pltpu.sync_copy(dst_hbm.at[p * NW + wid], didx)
        plsc.subcore_barrier()

        def blk(k, carry):
            pltpu.sync_copy(rows, acc.at[didx.at[k]], add=True)
            return carry

        lax.fori_loop(0, NB, blk, 0)
        plsc.subcore_barrier()
        for j in range(2):
            pltpu.sync_copy(acc.at[pl.ds(s * CPT + j * HC, HC)],
                            zbuf.at[pl.ds(0, HC)])
            pltpu.sync_copy(
                zbuf.at[pl.ds(0, HC)],
                out_hbm.at[pl.ds(c * N_OUT + p * HALF + s * CPT + j * HC, HC)])


@functools.partial(
    pl.kernel,
    out_type=jax.ShapeDtypeStruct((NC * N_OUT, H), jnp.float32),
    mesh=_MESH,
    scratch_types=[
        pltpu.VMEM((NB, B), jnp.int32),
        pltpu.VMEM((NB, B), jnp.int32),
        pltpu.VMEM((2, B, H), jnp.float32),
        pltpu.VMEM((ZPT // 2, H), jnp.float32),
        pltpu.VMEM_SHARED((ACC1, H), jnp.float32),
        pltpu.SemaphoreType.DMA,
    ],
)
def _prop1(h_hbm, src_hbm, dst_hbm, zeros_hbm, out_hbm,
           sidx, didx, rows, zbuf, acc, sem):
    c = lax.axis_index("c")
    s = lax.axis_index("s")
    wid = c * NS + s
    pltpu.sync_copy(src_hbm.at[wid], sidx)
    for p in range(2):
        if p > 0:
            plsc.subcore_barrier()
        pltpu.sync_copy(zeros_hbm, zbuf)
        for j in range(2):
            pltpu.sync_copy(
                zbuf, acc.at[pl.ds(s * ZPT + j * (ZPT // 2), ZPT // 2)])
        pltpu.sync_copy(dst_hbm.at[p * NW + wid], didx)
        plsc.subcore_barrier()
        pltpu.async_copy(h_hbm.at[sidx.at[0]], rows.at[0], sem)

        def blk(k, carry):
            buf = lax.rem(k, 2)
            pltpu.make_async_copy(h_hbm.at[sidx.at[k]], rows.at[buf],
                                  sem).wait()

            @pl.when(k + 1 < NB)
            def _():
                pltpu.async_copy(h_hbm.at[sidx.at[k + 1]],
                                 rows.at[1 - buf], sem)

            pltpu.sync_copy(rows.at[buf], acc.at[didx.at[k]], add=True)
            return carry

        lax.fori_loop(0, NB, blk, 0)
        plsc.subcore_barrier()
        for j in range(2):
            pltpu.sync_copy(acc.at[pl.ds(s * CPT + j * HC, HC)],
                            zbuf.at[pl.ds(0, HC)])
            pltpu.sync_copy(
                zbuf.at[pl.ds(0, HC)],
                out_hbm.at[pl.ds(c * N_OUT + p * HALF + s * CPT + j * HC, HC)])


@functools.partial(
    pl.kernel,
    out_type=jax.ShapeDtypeStruct((NC * ACC2, H), jnp.float32),
    mesh=_MESH,
    scratch_types=[
        pltpu.VMEM((NB, B), jnp.int32),
        pltpu.VMEM((NB, B), jnp.int32),
        pltpu.VMEM((2, B, H), jnp.float32),
        pltpu.VMEM((ZPT // 2, H), jnp.float32),
        pltpu.VMEM_SHARED((ACC2, H), jnp.float32),
        pltpu.SemaphoreType.DMA,
    ],
)
def _prop2(h_hbm, src_hbm, dst_hbm, zeros_hbm, out_hbm,
           sidx, didx, rows, zbuf, acc, sem):
    c = lax.axis_index("c")
    s = lax.axis_index("s")
    wid = c * NS + s
    pltpu.sync_copy(src_hbm.at[wid], sidx)
    pltpu.sync_copy(dst_hbm.at[wid], didx)
    pltpu.sync_copy(zeros_hbm, zbuf)
    for j in range(2):
        pltpu.sync_copy(zbuf.at[pl.ds(0, HC)],
                        acc.at[pl.ds(s * CPT + j * HC, HC)])
    plsc.subcore_barrier()
    pltpu.async_copy(h_hbm.at[sidx.at[0]], rows.at[0], sem)

    def blk(k, carry):
        buf = lax.rem(k, 2)
        pltpu.make_async_copy(h_hbm.at[sidx.at[k]], rows.at[buf],
                              sem).wait()

        @pl.when(k + 1 < NB)
        def _():
            pltpu.async_copy(h_hbm.at[sidx.at[k + 1]], rows.at[1 - buf], sem)

        pltpu.sync_copy(rows.at[buf], acc.at[didx.at[k]], add=True)
        return carry

    lax.fori_loop(0, NB, blk, 0)
    plsc.subcore_barrier()
    for j in range(2):
        pltpu.sync_copy(acc.at[pl.ds(s * CPT + j * HC, HC)],
                        zbuf.at[pl.ds(0, HC)])
        pltpu.sync_copy(
            zbuf.at[pl.ds(0, HC)],
            out_hbm.at[pl.ds(c * ACC2 + s * CPT + j * HC, HC)])


_R = 1024


def _k2_body(x_ref, w_ref, dp_ref, h1s_ref, dinv_ref):
    deg = dp_ref[0, :, 0:1] + dp_ref[1, :, 0:1] + 1.0
    dinv = lax.rsqrt(deg)
    h1 = jnp.dot(x_ref[...].astype(jnp.bfloat16),
                 w_ref[...].astype(jnp.bfloat16),
                 preferred_element_type=jnp.float32)
    h1s_ref[...] = h1 * dinv
    dinv_ref[...] = dinv


_k2 = pl.pallas_call(
    _k2_body,
    grid=(pl.cdiv(N, _R),),
    in_specs=[
        pl.BlockSpec((_R, D_IN), lambda i: (i, 0)),
        pl.BlockSpec((D_IN, H), lambda i: (0, 0)),
        pl.BlockSpec((2, _R, H), lambda i: (0, i, 0)),
    ],
    out_specs=[
        pl.BlockSpec((_R, H), lambda i: (i, 0)),
        pl.BlockSpec((_R, 1), lambda i: (i, 0)),
    ],
    out_shape=[
        jax.ShapeDtypeStruct((N, H), jnp.float32),
        jax.ShapeDtypeStruct((N, 1), jnp.float32),
    ],
)


def _k4_body(p_ref, h1s_ref, dinv_ref, a_ref, d_ref, w2_ref, t2_ref, h2s_ref):
    dinv = dinv_ref[...]
    ssum = p_ref[0] + p_ref[1] + h1s_ref[...]
    z = jnp.maximum(dinv * ssum * a_ref[...] + d_ref[...], 0.0)
    h2 = jnp.dot(z.astype(jnp.bfloat16), w2_ref[...].astype(jnp.bfloat16),
                 preferred_element_type=jnp.float32) * dinv
    zero = jnp.zeros_like(h2)
    h2s_ref[...] = h2
    t2_ref[:, 0, :H2] = h2
    t2_ref[:, 0, H2:] = zero
    t2_ref[:, 1, :H2] = zero
    t2_ref[:, 1, H2:] = h2


_k4 = pl.pallas_call(
    _k4_body,
    grid=(pl.cdiv(N, _R),),
    in_specs=[
        pl.BlockSpec((2, _R, H), lambda i: (0, i, 0)),
        pl.BlockSpec((_R, H), lambda i: (i, 0)),
        pl.BlockSpec((_R, 1), lambda i: (i, 0)),
        pl.BlockSpec((1, H), lambda i: (0, 0)),
        pl.BlockSpec((1, H), lambda i: (0, 0)),
        pl.BlockSpec((H, H2), lambda i: (0, 0)),
    ],
    out_specs=[
        pl.BlockSpec((_R, 2, H), lambda i: (i, 0, 0)),
        pl.BlockSpec((_R, H2), lambda i: (i, 0)),
    ],
    out_shape=[
        jax.ShapeDtypeStruct((N, 2, H), jnp.float32),
        jax.ShapeDtypeStruct((N, H2), jnp.float32),
    ],
)


def _k6_body(p_ref, h2s_ref, dinv_ref, a_ref, d_ref, wl_ref, bl_ref, out_ref):
    dinv = dinv_ref[...]
    ssum = p_ref[0] + p_ref[1] + h2s_ref[...]
    z = jnp.maximum(dinv * ssum * a_ref[...] + d_ref[...], 0.0)
    zq = z.astype(jnp.bfloat16).astype(jnp.float32)
    wq = wl_ref[...].astype(jnp.bfloat16).astype(jnp.float32)
    out_ref[...] = jnp.sum(zq * wq, axis=1, keepdims=True) + bl_ref[...]


_k6 = pl.pallas_call(
    _k6_body,
    grid=(pl.cdiv(N, _R),),
    in_specs=[
        pl.BlockSpec((2, _R, H2), lambda i: (0, i, 0)),
        pl.BlockSpec((_R, H2), lambda i: (i, 0)),
        pl.BlockSpec((_R, 1), lambda i: (i, 0)),
        pl.BlockSpec((1, H2), lambda i: (0, 0)),
        pl.BlockSpec((1, H2), lambda i: (0, 0)),
        pl.BlockSpec((1, H2), lambda i: (0, 0)),
        pl.BlockSpec((1, 1), lambda i: (0, 0)),
    ],
    out_specs=pl.BlockSpec((_R, 1), lambda i: (i, 0)),
    out_shape=jax.ShapeDtypeStruct((N, 1), jnp.float32),
)


def kernel(x, edge_index, W1, b1, g1, be1, m1, v1, W2, b2, g2, be2, m2, v2,
           Wl, bl):
    ei = edge_index.astype(jnp.int32)
    src = ei[0]
    dst = ei[1]

    src3d = src.reshape(NW, NB, B)
    junk = HALF + (dst & (JUNK - 1))
    dst_lo = jnp.where(dst < HALF, dst, junk)
    dst_hi = jnp.where(dst >= HALF, dst - HALF, junk)
    dst_lh = jnp.stack([dst_lo, dst_hi]).reshape(2 * NW, NB, B)
    src_pk = (2 * src + (dst & 1)).reshape(NW, NB, B)
    dst_pk = (dst >> 1).reshape(NW, NB, B)
    ones128 = jnp.ones((B, H), jnp.float32)
    zeros128 = jnp.zeros((ZPT // 2, H), jnp.float32)

    degp = _deg_sc(ones128, dst_lh, zeros128).reshape(NC, N_OUT, H)[:, :N]
    h1s, dinv = _k2(x, W1, degp)

    p1 = _prop1(h1s, src3d, dst_lh, zeros128).reshape(NC, N_OUT, H)[:, :N]

    eps = 1e-5
    a1 = g1 * lax.rsqrt(v1 + eps)
    d1 = (b1 - m1) * a1 + be1
    t2, h2s = _k4(p1, h1s, dinv, a1.reshape(1, H), d1.reshape(1, H), W2)

    p2 = _prop2(t2.reshape(2 * N, H), src_pk, dst_pk, zeros128)
    p2 = p2.reshape(NC, ACC2, 2, H2).reshape(NC, N_OUT, H2)[:, :N]

    a2 = g2 * lax.rsqrt(v2 + eps)
    d2 = (b2 - m2) * a2 + be2
    logits = _k6(p2, h2s, dinv, a2.reshape(1, H2), d2.reshape(1, H2),
                 Wl.reshape(1, H2), bl.reshape(1, 1))
    return logits[:, 0]

# --- scband reference (transcript-rebuilt; emitter-appended) ---
"""Pipeline reference for scband-gcnnet-36481452212881 (READ-ONLY COPY).

The authoritative reference and input builder live on the scoring server;
editing this copy changes nothing except your own understanding.
"""

import jax, jax.numpy as jnp
import numpy as np

N = 10000
E = 320000
D_IN = 128
H = 128
H2 = 64


def setup_inputs(seed: int = 0) -> dict:
    key = jax.random.key(seed)
    ks = jax.random.split(key, 16)
    x = jax.random.normal(ks[0], (N, D_IN), dtype=jnp.float32)
    edge_index = jax.random.randint(ks[1], (2, E), 0, N, dtype=jnp.int32).astype(jnp.int64)
    W1 = jax.random.normal(ks[2], (D_IN, H), dtype=jnp.float32) * (1.0 / np.sqrt(D_IN))
    b1 = jnp.zeros((H,), dtype=jnp.float32)
    g1 = 1.0 + 0.1 * jax.random.normal(ks[3], (H,), dtype=jnp.float32)
    be1 = 0.1 * jax.random.normal(ks[4], (H,), dtype=jnp.float32)
    m1 = 0.1 * jax.random.normal(ks[5], (H,), dtype=jnp.float32)
    v1 = jax.random.uniform(ks[6], (H,), dtype=jnp.float32, minval=0.5, maxval=1.5)
    W2 = jax.random.normal(ks[7], (H, H2), dtype=jnp.float32) * (1.0 / np.sqrt(H))
    b2 = jnp.zeros((H2,), dtype=jnp.float32)
    g2 = 1.0 + 0.1 * jax.random.normal(ks[8], (H2,), dtype=jnp.float32)
    be2 = 0.1 * jax.random.normal(ks[9], (H2,), dtype=jnp.float32)
    m2 = 0.1 * jax.random.normal(ks[10], (H2,), dtype=jnp.float32)
    v2 = jax.random.uniform(ks[11], (H2,), dtype=jnp.float32, minval=0.5, maxval=1.5)
    Wl = jax.random.normal(ks[12], (H2, 1), dtype=jnp.float32) * (1.0 / np.sqrt(H2))
    bl = jnp.zeros((1,), dtype=jnp.float32)
    return {"x": x, "edge_index": edge_index, "W1": W1, "b1": b1, "g1": g1, "be1": be1,
            "m1": m1, "v1": v1, "W2": W2, "b2": b2, "g2": g2, "be2": be2, "m2": m2,
            "v2": v2, "Wl": Wl, "bl": bl}


def gcn_conv(x, edge_index, W, b):
    # PyG GCNConv: add self-loops, symmetric normalization deg^-1/2 A_hat deg^-1/2
    src = edge_index[0]
    dst = edge_index[1]
    loop = jnp.arange(N, dtype=edge_index.dtype)
    src = jnp.concatenate([src, loop])
    dst = jnp.concatenate([dst, loop])
    h = x @ W
    ones = jnp.ones(src.shape[0], dtype=h.dtype)
    deg = jax.ops.segment_sum(ones, dst, num_segments=N)
    dinv = jnp.where(deg > 0, jax.lax.rsqrt(jnp.maximum(deg, 1e-12)), 0.0)
    norm = dinv[src] * dinv[dst]
    msg = h[src] * norm[:, None]
    out = jax.ops.segment_sum(msg, dst, num_segments=N)
    return out + b


def batch_norm(x, gamma, beta, mean, var, eps=1e-5):
    # eval-mode BatchNorm1d with running statistics
    return (x - mean) * jax.lax.rsqrt(var + eps) * gamma + beta


def reference(x, edge_index, W1, b1, g1, be1, m1, v1, W2, b2, g2, be2, m2, v2, Wl, bl):
    h = gcn_conv(x, edge_index, W1, b1)
    h = batch_norm(h, g1, be1, m1, v1)
    h = jax.nn.relu(h)
    # dropout is identity in eval mode
    h = gcn_conv(h, edge_index, W2, b2)
    h = batch_norm(h, g2, be2, m2, v2)
    h = jax.nn.relu(h)
    logits = (h @ Wl + bl)[:, 0]
    return logits

if __name__ == "__main__":
    import jax
    _d = setup_inputs()
    print(jax.jit(kernel)(*tuple(_d.values())))

</pallas_src>

<mosaic_0001>
#map = affine_map<(d0, d1) -> (0, 0)>
#map1 = affine_map<(d0, d1) -> (0, 0, 0)>
module attributes {stable_mosaic.version = 14 : i64} {
  func.func @_prop2(%arg0: i32, %arg1: i32, %arg2: memref<20000x128xf32, #tpu.memory_space<hbm>>, %arg3: memref<32x80x125xi32, #tpu.memory_space<hbm>>, %arg4: memref<32x80x125xi32, #tpu.memory_space<hbm>>, %arg5: memref<176x128xf32, #tpu.memory_space<hbm>>, %arg6: memref<10240x128xf32, #tpu.memory_space<hbm>>, %arg7: memref<80x125xi32, #tpu.memory_space<vmem>>, %arg8: memref<80x125xi32, #tpu.memory_space<vmem>>, %arg9: memref<2x125x128xf32, #tpu.memory_space<vmem>>, %arg10: memref<176x128xf32, #tpu.memory_space<vmem>>, %arg11: memref<5120x128xf32, #tpu.memory_space<vmem_shared>>, %arg12: memref<!tpu.dma_semaphore, #tpu.memory_space<semaphore_mem>>) attributes {dimension_semantics = [#tpu.dimension_semantics<core_parallel>, #tpu.dimension_semantics<subcore_parallel>], iteration_bounds = array<i64: 2, 16>, scalar_prefetch = 0 : i64, scratch_operands = 6 : i64, tpu.core_type = #tpu.core_type<sc_vector_subcore>, window_params = [{transform_indices = #map}, {transform_indices = #map1}, {transform_indices = #map1}, {transform_indices = #map}, {transform_indices = #map}]} {
    %mul3A = arith.constant 16 : i32
    %mul3A_0 = arith.muli %arg0, %mul3A : i32
    %add3A = arith.addi %mul3A_0, %arg1 : i32
    "tpu.region"() ({
      %run_scoped3A = tpu.sem_alloc : memref<!tpu.dma_semaphore, #tpu.memory_space<semaphore_mem>>
      %dma_start3A_48 = arith.constant 0 : i32
      %dma_start3A_49 = arith.constant 0 : i32
      %dma_start3A_50 = tpu.memref_slice %arg3[%add3A, %dma_start3A_48, %dma_start3A_49] : memref<32x80x125xi32, #tpu.memory_space<hbm>> -> memref<1x80x125xi32, #tpu.memory_space<hbm>>
      %dma_start3A_51 = tpu.memref_squeeze %dma_start3A_50 : memref<1x80x125xi32, #tpu.memory_space<hbm>> -> memref<80x125xi32, #tpu.memory_space<hbm>>
      %dma_start3A_52 = arith.constant 0 : i32
      %dma_start3A_53 = arith.constant 0 : i32
      %dma_start3A_54 = tpu.memref_slice %arg3[%add3A, %dma_start3A_52, %dma_start3A_53] : memref<32x80x125xi32, #tpu.memory_space<hbm>> -> memref<1x80x125xi32, #tpu.memory_space<hbm>>
      %dma_start3A_55 = tpu.memref_squeeze %dma_start3A_54 : memref<1x80x125xi32, #tpu.memory_space<hbm>> -> memref<80x125xi32, #tpu.memory_space<hbm>>
      tpu.enqueue_dma source(%dma_start3A_55 : memref<80x125xi32, #tpu.memory_space<hbm>>) target(%arg7 : memref<80x125xi32, #tpu.memory_space<vmem>>) target_semaphore(%run_scoped3A : memref<!tpu.dma_semaphore, #tpu.memory_space<semaphore_mem>>)
      %dma_wait3A = arith.constant 0 : i32
      %dma_wait3A_56 = arith.constant 0 : i32
      %dma_wait3A_57 = tpu.memref_slice %arg3[%add3A, %dma_wait3A, %dma_wait3A_56] : memref<32x80x125xi32, #tpu.memory_space<hbm>> -> memref<1x80x125xi32, #tpu.memory_space<hbm>>
      %dma_wait3A_58 = tpu.memref_squeeze %dma_wait3A_57 : memref<1x80x125xi32, #tpu.memory_space<hbm>> -> memref<80x125xi32, #tpu.memory_space<hbm>>
      %dma_wait3A_59 = arith.constant 0 : i32
      %dma_wait3A_60 = arith.constant 0 : i32
      %dma_wait3A_61 = tpu.memref_slice %arg3[%add3A, %dma_wait3A_59, %dma_wait3A_60] : memref<32x80x125xi32, #tpu.memory_space<hbm>> -> memref<1x80x125xi32, #tpu.memory_space<hbm>>
      %dma_wait3A_62 = tpu.memref_squeeze %dma_wait3A_61 : memref<1x80x125xi32, #tpu.memory_space<hbm>> -> memref<80x125xi32, #tpu.memory_space<hbm>>
      tpu.wait_dma2 semaphore(%run_scoped3A : memref<!tpu.dma_semaphore, #tpu.memory_space<semaphore_mem>>) src(%dma_wait3A_62 : memref<80x125xi32, #tpu.memory_space<hbm>>) dst(%arg7 : memref<80x125xi32, #tpu.memory_space<vmem>>)
      tpu.yield
    }) : () -> ()
    "tpu.region"() ({
      %run_scoped3A = tpu.sem_alloc : memref<!tpu.dma_semaphore, #tpu.memory_space<semaphore_mem>>
      %dma_start3A_48 = arith.constant 0 : i32
      %dma_start3A_49 = arith.constant 0 : i32
      %dma_start3A_50 = tpu.memref_slice %arg4[%add3A, %dma_start3A_48, %dma_start3A_49] : memref<32x80x125xi32, #tpu.memory_space<hbm>> -> memref<1x80x125xi32, #tpu.memory_space<hbm>>
      %dma_start3A_51 = tpu.memref_squeeze %dma_start3A_50 : memref<1x80x125xi32, #tpu.memory_space<hbm>> -> memref<80x125xi32, #tpu.memory_space<hbm>>
      %dma_start3A_52 = arith.constant 0 : i32
      %dma_start3A_53 = arith.constant 0 : i32
      %dma_start3A_54 = tpu.memref_slice %arg4[%add3A, %dma_start3A_52, %dma_start3A_53] : memref<32x80x125xi32, #tpu.memory_space<hbm>> -> memref<1x80x125xi32, #tpu.memory_space<hbm>>
      %dma_start3A_55 = tpu.memref_squeeze %dma_start3A_54 : memref<1x80x125xi32, #tpu.memory_space<hbm>> -> memref<80x125xi32, #tpu.memory_space<hbm>>
      tpu.enqueue_dma source(%dma_start3A_55 : memref<80x125xi32, #tpu.memory_space<hbm>>) target(%arg8 : memref<80x125xi32, #tpu.memory_space<vmem>>) target_semaphore(%run_scoped3A : memref<!tpu.dma_semaphore, #tpu.memory_space<semaphore_mem>>)
      %dma_wait3A = arith.constant 0 : i32
      %dma_wait3A_56 = arith.constant 0 : i32
      %dma_wait3A_57 = tpu.memref_slice %arg4[%add3A, %dma_wait3A, %dma_wait3A_56] : memref<32x80x125xi32, #tpu.memory_space<hbm>> -> memref<1x80x125xi32, #tpu.memory_space<hbm>>
      %dma_wait3A_58 = tpu.memref_squeeze %dma_wait3A_57 : memref<1x80x125xi32, #tpu.memory_space<hbm>> -> memref<80x125xi32, #tpu.memory_space<hbm>>
      %dma_wait3A_59 = arith.constant 0 : i32
      %dma_wait3A_60 = arith.constant 0 : i32
      %dma_wait3A_61 = tpu.memref_slice %arg4[%add3A, %dma_wait3A_59, %dma_wait3A_60] : memref<32x80x125xi32, #tpu.memory_space<hbm>> -> memref<1x80x125xi32, #tpu.memory_space<hbm>>
      %dma_wait3A_62 = tpu.memref_squeeze %dma_wait3A_61 : memref<1x80x125xi32, #tpu.memory_space<hbm>> -> memref<80x125xi32, #tpu.memory_space<hbm>>
      tpu.wait_dma2 semaphore(%run_scoped3A : memref<!tpu.dma_semaphore, #tpu.memory_space<semaphore_mem>>) src(%dma_wait3A_62 : memref<80x125xi32, #tpu.memory_space<hbm>>) dst(%arg8 : memref<80x125xi32, #tpu.memory_space<vmem>>)
      tpu.yield
    }) : () -> ()
    "tpu.region"() ({
      %run_scoped3A = tpu.sem_alloc : memref<!tpu.dma_semaphore, #tpu.memory_space<semaphore_mem>>
      tpu.enqueue_dma source(%arg5 : memref<176x128xf32, #tpu.memory_space<hbm>>) target(%arg10 : memref<176x128xf32, #tpu.memory_space<vmem>>) target_semaphore(%run_scoped3A : memref<!tpu.dma_semaphore, #tpu.memory_space<semaphore_mem>>)
      tpu.wait_dma2 semaphore(%run_scoped3A : memref<!tpu.dma_semaphore, #tpu.memory_space<semaphore_mem>>) src(%arg5 : memref<176x128xf32, #tpu.memory_space<hbm>>) dst(%arg10 : memref<176x128xf32, #tpu.memory_space<vmem>>)
      tpu.yield
    }) : () -> ()
    %mul3A_1 = arith.constant 320 : i32
    %mul3A_2 = arith.muli %arg1, %mul3A_1 : i32
    %add3A_3 = arith.constant 0 : i32
    %add3A_4 = arith.addi %mul3A_2, %add3A_3 : i32
    "tpu.region"() ({
      %run_scoped3A = tpu.sem_alloc : memref<!tpu.dma_semaphore, #tpu.memory_space<semaphore_mem>>
      %dma_start3A_48 = arith.constant 0 : i32
      %dma_start3A_49 = arith.constant 0 : i32
      %dma_start3A_50 = tpu.memref_slice %arg10[%dma_start3A_48, %dma_start3A_49] : memref<176x128xf32, #tpu.memory_space<vmem>> -> memref<160x128xf32, #tpu.memory_space<vmem>>
      %dma_start3A_51 = arith.constant 0 : i32
      %dma_start3A_52 = tpu.memref_slice %arg11[%add3A_4, %dma_start3A_51] : memref<5120x128xf32, #tpu.memory_space<vmem_shared>> -> memref<160x128xf32, #tpu.memory_space<vmem_shared>>
      %dma_start3A_53 = arith.constant 0 : i32
      %dma_start3A_54 = tpu.memref_slice %arg11[%add3A_4, %dma_start3A_53] : memref<5120x128xf32, #tpu.memory_space<vmem_shared>> -> memref<160x128xf32, #tpu.memory_space<vmem_shared>>
      %dma_start3A_55 = arith.constant 0 : i32
      %dma_start3A_56 = arith.constant 0 : i32
      %dma_start3A_57 = tpu.memref_slice %arg10[%dma_start3A_55, %dma_start3A_56] : memref<176x128xf32, #tpu.memory_space<vmem>> -> memref<160x128xf32, #tpu.memory_space<vmem>>
      tpu.enqueue_dma source(%dma_start3A_57 : memref<160x128xf32, #tpu.memory_space<vmem>>) target(%dma_start3A_54 : memref<160x128xf32, #tpu.memory_space<vmem_shared>>) target_semaphore(%run_scoped3A : memref<!tpu.dma_semaphore, #tpu.memory_space<semaphore_mem>>)
      %dma_wait3A = arith.constant 0 : i32
      %dma_wait3A_58 = arith.constant 0 : i32
      %dma_wait3A_59 = tpu.memref_slice %arg10[%dma_wait3A, %dma_wait3A_58] : memref<176x128xf32, #tpu.memory_space<vmem>> -> memref<160x128xf32, #tpu.memory_space<vmem>>
      %dma_wait3A_60 = arith.constant 0 : i32
      %dma_wait3A_61 = tpu.memref_slice %arg11[%add3A_4, %dma_wait3A_60] : memref<5120x128xf32, #tpu.memory_space<vmem_shared>> -> memref<160x128xf32, #tpu.memory_space<vmem_shared>>
      %dma_wait3A_62 = arith.constant 0 : i32
      %dma_wait3A_63 = tpu.memref_slice %arg11[%add3A_4, %dma_wait3A_62] : memref<5120x128xf32, #tpu.memory_space<vmem_shared>> -> memref<160x128xf32, #tpu.memory_space<vmem_shared>>
      %dma_wait3A_64 = arith.constant 0 : i32
      %dma_wait3A_65 = arith.constant 0 : i32
      %dma_wait3A_66 = tpu.memref_slice %arg10[%dma_wait3A_64, %dma_wait3A_65] : memref<176x128xf32, #tpu.memory_space<vmem>> -> memref<160x128xf32, #tpu.memory_space<vmem>>
      tpu.wait_dma2 semaphore(%run_scoped3A : memref<!tpu.dma_semaphore, #tpu.memory_space<semaphore_mem>>) src(%dma_wait3A_66 : memref<160x128xf32, #tpu.memory_space<vmem>>) dst(%dma_wait3A_63 : memref<160x128xf32, #tpu.memory_space<vmem_shared>>)
      tpu.yield
    }) : () -> ()
    %mul3A_5 = arith.constant 320 : i32
    %mul3A_6 = arith.muli %arg1, %mul3A_5 : i32
    %add3A_7 = arith.constant 160 : i32
    %add3A_8 = arith.addi %mul3A_6, %add3A_7 : i32
    "tpu.region"() ({
      %run_scoped3A = tpu.sem_alloc : memref<!tpu.dma_semaphore, #tpu.memory_space<semaphore_mem>>
      %dma_start3A_48 = arith.constant 0 : i32
      %dma_start3A_49 = arith.constant 0 : i32
      %dma_start3A_50 = tpu.memref_slice %arg10[%dma_start3A_48, %dma_start3A_49] : memref<176x128xf32, #tpu.memory_space<vmem>> -> memref<160x128xf32, #tpu.memory_space<vmem>>
      %dma_start3A_51 = arith.constant 0 : i32
      %dma_start3A_52 = tpu.memref_slice %arg11[%add3A_8, %dma_start3A_51] : memref<5120x128xf32, #tpu.memory_space<vmem_shared>> -> memref<160x128xf32, #tpu.memory_space<vmem_shared>>
      %dma_start3A_53 = arith.constant 0 : i32
      %dma_start3A_54 = tpu.memref_slice %arg11[%add3A_8, %dma_start3A_53] : memref<5120x128xf32, #tpu.memory_space<vmem_shared>> -> memref<160x128xf32, #tpu.memory_space<vmem_shared>>
      %dma_start3A_55 = arith.constant 0 : i32
      %dma_start3A_56 = arith.constant 0 : i32
      %dma_start3A_57 = tpu.memref_slice %arg10[%dma_start3A_55, %dma_start3A_56] : memref<176x128xf32, #tpu.memory_space<vmem>> -> memref<160x128xf32, #tpu.memory_space<vmem>>
      tpu.enqueue_dma source(%dma_start3A_57 : memref<160x128xf32, #tpu.memory_space<vmem>>) target(%dma_start3A_54 : memref<160x128xf32, #tpu.memory_space<vmem_shared>>) target_semaphore(%run_scoped3A : memref<!tpu.dma_semaphore, #tpu.memory_space<semaphore_mem>>)
      %dma_wait3A = arith.constant 0 : i32
      %dma_wait3A_58 = arith.constant 0 : i32
      %dma_wait3A_59 = tpu.memref_slice %arg10[%dma_wait3A, %dma_wait3A_58] : memref<176x128xf32, #tpu.memory_space<vmem>> -> memref<160x128xf32, #tpu.memory_space<vmem>>
      %dma_wait3A_60 = arith.constant 0 : i32
      %dma_wait3A_61 = tpu.memref_slice %arg11[%add3A_8, %dma_wait3A_60] : memref<5120x128xf32, #tpu.memory_space<vmem_shared>> -> memref<160x128xf32, #tpu.memory_space<vmem_shared>>
      %dma_wait3A_62 = arith.constant 0 : i32
      %dma_wait3A_63 = tpu.memref_slice %arg11[%add3A_8, %dma_wait3A_62] : memref<5120x128xf32, #tpu.memory_space<vmem_shared>> -> memref<160x128xf32, #tpu.memory_space<vmem_shared>>
      %dma_wait3A_64 = arith.constant 0 : i32
      %dma_wait3A_65 = arith.constant 0 : i32
      %dma_wait3A_66 = tpu.memref_slice %arg10[%dma_wait3A_64, %dma_wait3A_65] : memref<176x128xf32, #tpu.memory_space<vmem>> -> memref<160x128xf32, #tpu.memory_space<vmem>>
      tpu.wait_dma2 semaphore(%run_scoped3A : memref<!tpu.dma_semaphore, #tpu.memory_space<semaphore_mem>>) src(%dma_wait3A_66 : memref<160x128xf32, #tpu.memory_space<vmem>>) dst(%dma_wait3A_63 : memref<160x128xf32, #tpu.memory_space<vmem_shared>>)
      tpu.yield
    }) : () -> ()
    %barrier3A = arith.constant 0 : index
    tpu.barrier barrier_id(%barrier3A)
    %dma_start3A = arith.constant 0 : i32
    %dma_start3A_9 = arith.constant 0 : i32
    %dma_start3A_10 = arith.constant 0 : i32
    %dma_start3A_11 = arith.constant 0 : i32
    %dma_start3A_12 = tpu.memref_slice %arg9[%dma_start3A_9, %dma_start3A_10, %dma_start3A_11] : memref<2x125x128xf32, #tpu.memory_space<vmem>> -> memref<1x125x128xf32, #tpu.memory_space<vmem>>
    %dma_start3A_13 = tpu.memref_squeeze %dma_start3A_12 : memref<1x125x128xf32, #tpu.memory_space<vmem>> -> memref<125x128xf32, #tpu.memory_space<vmem>>
    %dma_start3A_14 = arith.constant 0 : i32
    %dma_start3A_15 = tpu.memref_slice %arg7[%dma_start3A, %dma_start3A_14] : memref<80x125xi32, #tpu.memory_space<vmem>> -> memref<1x125xi32, #tpu.memory_space<vmem>>
    %dma_start3A_16 = tpu.memref_squeeze %dma_start3A_15 : memref<1x125xi32, #tpu.memory_space<vmem>> -> memref<125xi32, #tpu.memory_space<vmem>>
    %dma_start3A_17 = arith.constant 0 : i32
    %dma_start3A_18 = arith.constant 0 : i32
    %dma_start3A_19 = tpu.memref_slice %arg2[%dma_start3A_17, %dma_start3A_18] : memref<20000x128xf32, #tpu.memory_space<hbm>> -> memref<20000x128xf32, #tpu.memory_space<hbm>>
    tpu.enqueue_indirect_dma source(%dma_start3A_19 : memref<20000x128xf32, #tpu.memory_space<hbm>>) target(%dma_start3A_13 : memref<125x128xf32, #tpu.memory_space<vmem>>) offsets(%dma_start3A_16 : memref<125xi32, #tpu.memory_space<vmem>>) semaphore(%arg12 : memref<!tpu.dma_semaphore, #tpu.memory_space<semaphore_mem>>)
    %scan3A = arith.constant 0 : i32
    %scan3A_20 = arith.constant 0 : i32
    %scan3A_21 = arith.constant 80 : i32
    %scan3A_22 = arith.addi %scan3A_20, %scan3A_21 : i32
    %scan3A_23 = arith.constant 1 : i32
    scf.for %scan3A_48 = %scan3A_20 to %scan3A_22 step %scan3A_23  : i32 {
      %rem3A = arith.constant 2 : i32
      %rem3A_49 = arith.remsi %scan3A_48, %rem3A : i32
      %dma_wait3A = arith.constant 0 : i32
      %dma_wait3A_50 = arith.constant 0 : i32
      %dma_wait3A_51 = tpu.memref_slice %arg9[%rem3A_49, %dma_wait3A, %dma_wait3A_50] : memref<2x125x128xf32, #tpu.memory_space<vmem>> -> memref<1x125x128xf32, #tpu.memory_space<vmem>>
      %dma_wait3A_52 = tpu.memref_squeeze %dma_wait3A_51 : memref<1x125x128xf32, #tpu.memory_space<vmem>> -> memref<125x128xf32, #tpu.memory_space<vmem>>
      %dma_wait3A_53 = arith.constant 0 : i32
      %dma_wait3A_54 = tpu.memref_slice %arg7[%scan3A_48, %dma_wait3A_53] : memref<80x125xi32, #tpu.memory_space<vmem>> -> memref<1x125xi32, #tpu.memory_space<vmem>>
      %dma_wait3A_55 = tpu.memref_squeeze %dma_wait3A_54 : memref<1x125xi32, #tpu.memory_space<vmem>> -> memref<125xi32, #tpu.memory_space<vmem>>
      %dma_wait3A_56 = arith.constant 0 : i32
      %dma_wait3A_57 = arith.constant 0 : i32
      %dma_wait3A_58 = tpu.memref_slice %arg2[%dma_wait3A_56, %dma_wait3A_57] : memref<20000x128xf32, #tpu.memory_space<hbm>> -> memref<20000x128xf32, #tpu.memory_space<hbm>>
      tpu.wait_indirect_dma semaphore(%arg12 : memref<!tpu.dma_semaphore, #tpu.memory_space<semaphore_mem>>) src(%dma_wait3A_58 : memref<20000x128xf32, #tpu.memory_space<hbm>>) dst(%dma_wait3A_52 : memref<125x128xf32, #tpu.memory_space<vmem>>)
      %add3A_59 = arith.constant 1 : i32
      %add3A_60 = arith.addi %scan3A_48, %add3A_59 : i32
      %lt3A = arith.constant 80 : i32
      %lt3A_61 = arith.cmpi slt, %add3A_60, %lt3A : i32
      %convert_element_type3A = arith.extui %lt3A_61 : i1 to i32
      %cond3A = arith.constant 0 : i32
      %cond3A_62 = arith.cmpi ne, %convert_element_type3A, %cond3A : i32
      scf.if %cond3A_62 {
        %add3A_63 = arith.constant 1 : i32
        %add3A_64 = arith.addi %scan3A_48, %add3A_63 : i32
        %sub3A = arith.constant 1 : i32
        %sub3A_65 = arith.subi %sub3A, %rem3A_49 : i32
        %dma_start3A_66 = arith.constant 0 : i32
        %dma_start3A_67 = arith.constant 0 : i32
        %dma_start3A_68 = tpu.memref_slice %arg9[%sub3A_65, %dma_start3A_66, %dma_start3A_67] : memref<2x125x128xf32, #tpu.memory_space<vmem>> -> memref<1x125x128xf32, #tpu.memory_space<vmem>>
        %dma_start3A_69 = tpu.memref_squeeze %dma_start3A_68 : memref<1x125x128xf32, #tpu.memory_space<vmem>> -> memref<125x128xf32, #tpu.memory_space<vmem>>
        %dma_start3A_70 = arith.constant 0 : i32
        %dma_start3A_71 = tpu.memref_slice %arg7[%add3A_64, %dma_start3A_70] : memref<80x125xi32, #tpu.memory_space<vmem>> -> memref<1x125xi32, #tpu.memory_space<vmem>>
        %dma_start3A_72 = tpu.memref_squeeze %dma_start3A_71 : memref<1x125xi32, #tpu.memory_space<vmem>> -> memref<125xi32, #tpu.memory_space<vmem>>
        %dma_start3A_73 = arith.constant 0 : i32
        %dma_start3A_74 = arith.constant 0 : i32
        %dma_start3A_75 = tpu.memref_slice %arg2[%dma_start3A_73, %dma_start3A_74] : memref<20000x128xf32, #tpu.memory_space<hbm>> -> memref<20000x128xf32, #tpu.memory_space<hbm>>
        tpu.enqueue_indirect_dma source(%dma_start3A_75 : memref<20000x128xf32, #tpu.memory_space<hbm>>) target(%dma_start3A_69 : memref<125x128xf32, #tpu.memory_space<vmem>>) offsets(%dma_start3A_72 : memref<125xi32, #tpu.memory_space<vmem>>) semaphore(%arg12 : memref<!tpu.dma_semaphore, #tpu.memory_space<semaphore_mem>>)
      } else {
      }
      "tpu.region"() ({
        %run_scoped3A = tpu.sem_alloc : memref<!tpu.dma_semaphore, #tpu.memory_space<semaphore_mem>>
        %dma_start3A_63 = arith.constant 0 : i32
        %dma_start3A_64 = arith.constant 0 : i32
        %dma_start3A_65 = tpu.memref_slice %arg9[%rem3A_49, %dma_start3A_63, %dma_start3A_64] : memref<2x125x128xf32, #tpu.memory_space<vmem>> -> memref<1x125x128xf32, #tpu.memory_space<vmem>>
        %dma_start3A_66 = tpu.memref_squeeze %dma_start3A_65 : memref<1x125x128xf32, #tpu.memory_space<vmem>> -> memref<125x128xf32, #tpu.memory_space<vmem>>
        %dma_start3A_67 = arith.constant 0 : i32
        %dma_start3A_68 = tpu.memref_slice %arg8[%scan3A_48, %dma_start3A_67] : memref<80x125xi32, #tpu.memory_space<vmem>> -> memref<1x125xi32, #tpu.memory_space<vmem>>
        %dma_start3A_69 = tpu.memref_squeeze %dma_start3A_68 : memref<1x125xi32, #tpu.memory_space<vmem>> -> memref<125xi32, #tpu.memory_space<vmem>>
        %dma_start3A_70 = arith.constant 0 : i32
        %dma_start3A_71 = arith.constant 0 : i32
        %dma_start3A_72 = tpu.memref_slice %arg11[%dma_start3A_70, %dma_start3A_71] : memref<5120x128xf32, #tpu.memory_space<vmem_shared>> -> memref<5120x128xf32, #tpu.memory_space<vmem_shared>>
        tpu.enqueue_indirect_dma source(%dma_start3A_66 : memref<125x128xf32, #tpu.memory_space<vmem>>) target(%dma_start3A_72 : memref<5120x128xf32, #tpu.memory_space<vmem_shared>>) offsets(%dma_start3A_69 : memref<125xi32, #tpu.memory_space<vmem>>) semaphore(%run_scoped3A : memref<!tpu.dma_semaphore, #tpu.memory_space<semaphore_mem>>) {add = true}
        %dma_wait3A_73 = arith.constant 0 : i32
        %dma_wait3A_74 = arith.constant 0 : i32
        %dma_wait3A_75 = tpu.memref_slice %arg9[%rem3A_49, %dma_wait3A_73, %dma_wait3A_74] : memref<2x125x128xf32, #tpu.memory_space<vmem>> -> memref<1x125x128xf32, #tpu.memory_space<vmem>>
        %dma_wait3A_76 = tpu.memref_squeeze %dma_wait3A_75 : memref<1x125x128xf32, #tpu.memory_space<vmem>> -> memref<125x128xf32, #tpu.memory_space<vmem>>
        %dma_wait3A_77 = arith.constant 0 : i32
        %dma_wait3A_78 = tpu.memref_slice %arg8[%scan3A_48, %dma_wait3A_77] : memref<80x125xi32, #tpu.memory_space<vmem>> -> memref<1x125xi32, #tpu.memory_space<vmem>>
        %dma_wait3A_79 = tpu.memref_squeeze %dma_wait3A_78 : memref<1x125xi32, #tpu.memory_space<vmem>> -> memref<125xi32, #tpu.memory_space<vmem>>
        %dma_wait3A_80 = arith.constant 0 : i32
        %dma_wait3A_81 = arith.constant 0 : i32
        %dma_wait3A_82 = tpu.memref_slice %arg11[%dma_wait3A_80, %dma_wait3A_81] : memref<5120x128xf32, #tpu.memory_space<vmem_shared>> -> memref<5120x128xf32, #tpu.memory_space<vmem_shared>>
        tpu.wait_indirect_dma semaphore(%run_scoped3A : memref<!tpu.dma_semaphore, #tpu.memory_space<semaphore_mem>>) src(%dma_wait3A_76 : memref<125x128xf32, #tpu.memory_space<vmem>>) dst(%dma_wait3A_82 : memref<5120x128xf32, #tpu.memory_space<vmem_shared>>)
        tpu.yield
      }) : () -> ()
    }
    %scan3A_24 = arith.constant 80 : i32
    %barrier3A_25 = arith.constant 0 : index
    tpu.barrier barrier_id(%barrier3A_25)
    %mul3A_26 = arith.constant 320 : i32
    %mul3A_27 = arith.muli %arg1, %mul3A_26 : i32
    %add3A_28 = arith.constant 0 : i32
    %add3A_29 = arith.addi %mul3A_27, %add3A_28 : i32
    "tpu.region"() ({
      %run_scoped3A = tpu.sem_alloc : memref<!tpu.dma_semaphore, #tpu.memory_space<semaphore_mem>>
      %dma_start3A_48 = arith.constant 0 : i32
      %dma_start3A_49 = arith.constant 0 : i32
      %dma_start3A_50 = tpu.memref_slice %arg10[%dma_start3A_48, %dma_start3A_49] : memref<176x128xf32, #tpu.memory_space<vmem>> -> memref<160x128xf32, #tpu.memory_space<vmem>>
      %dma_start3A_51 = arith.constant 0 : i32
      %dma_start3A_52 = tpu.memref_slice %arg11[%add3A_29, %dma_start3A_51] : memref<5120x128xf32, #tpu.memory_space<vmem_shared>> -> memref<160x128xf32, #tpu.memory_space<vmem_shared>>
      %dma_start3A_53 = arith.constant 0 : i32
      %dma_start3A_54 = arith.constant 0 : i32
      %dma_start3A_55 = tpu.memref_slice %arg10[%dma_start3A_53, %dma_start3A_54] : memref<176x128xf32, #tpu.memory_space<vmem>> -> memref<160x128xf32, #tpu.memory_space<vmem>>
      %dma_start3A_56 = arith.constant 0 : i32
      %dma_start3A_57 = tpu.memref_slice %arg11[%add3A_29, %dma_start3A_56] : memref<5120x128xf32, #tpu.memory_space<vmem_shared>> -> memref<160x128xf32, #tpu.memory_space<vmem_shared>>
      tpu.enqueue_dma source(%dma_start3A_57 : memref<160x128xf32, #tpu.memory_space<vmem_shared>>) target(%dma_start3A_55 : memref<160x128xf32, #tpu.memory_space<vmem>>) target_semaphore(%run_scoped3A : memref<!tpu.dma_semaphore, #tpu.memory_space<semaphore_mem>>)
      %dma_wait3A = arith.constant 0 : i32
      %dma_wait3A_58 = arith.constant 0 : i32
      %dma_wait3A_59 = tpu.memref_slice %arg10[%dma_wait3A, %dma_wait3A_58] : memref<176x128xf32, #tpu.memory_space<vmem>> -> memref<160x128xf32, #tpu.memory_space<vmem>>
      %dma_wait3A_60 = arith.constant 0 : i32
      %dma_wait3A_61 = tpu.memref_slice %arg11[%add3A_29, %dma_wait3A_60] : memref<5120x128xf32, #tpu.memory_space<vmem_shared>> -> memref<160x128xf32, #tpu.memory_space<vmem_shared>>
      %dma_wait3A_62 = arith.constant 0 : i32
      %dma_wait3A_63 = arith.constant 0 : i32
      %dma_wait3A_64 = tpu.memref_slice %arg10[%dma_wait3A_62, %dma_wait3A_63] : memref<176x128xf32, #tpu.memory_space<vmem>> -> memref<160x128xf32, #tpu.memory_space<vmem>>
      %dma_wait3A_65 = arith.constant 0 : i32
      %dma_wait3A_66 = tpu.memref_slice %arg11[%add3A_29, %dma_wait3A_65] : memref<5120x128xf32, #tpu.memory_space<vmem_shared>> -> memref<160x128xf32, #tpu.memory_space<vmem_shared>>
      tpu.wait_dma2 semaphore(%run_scoped3A : memref<!tpu.dma_semaphore, #tpu.memory_space<semaphore_mem>>) src(%dma_wait3A_66 : memref<160x128xf32, #tpu.memory_space<vmem_shared>>) dst(%dma_wait3A_64 : memref<160x128xf32, #tpu.memory_space<vmem>>)
      tpu.yield
    }) : () -> ()
    %mul3A_30 = arith.constant 5120 : i32
    %mul3A_31 = arith.muli %arg0, %mul3A_30 : i32
    %mul3A_32 = arith.constant 320 : i32
    %mul3A_33 = arith.muli %arg1, %mul3A_32 : i32
    %add3A_34 = arith.addi %mul3A_31, %mul3A_33 : i32
    %add3A_35 = arith.constant 0 : i32
    %add3A_36 = arith.addi %add3A_34, %add3A_35 : i32
    "tpu.region"() ({
      %run_scoped3A = tpu.sem_alloc : memref<!tpu.dma_semaphore, #tpu.memory_space<semaphore_mem>>
      %dma_start3A_48 = arith.constant 0 : i32
      %dma_start3A_49 = arith.constant 0 : i32
      %dma_start3A_50 = tpu.memref_slice %arg10[%dma_start3A_48, %dma_start3A_49] : memref<176x128xf32, #tpu.memory_space<vmem>> -> memref<160x128xf32, #tpu.memory_space<vmem>>
      %dma_start3A_51 = arith.constant 0 : i32
      %dma_start3A_52 = tpu.memref_slice %arg6[%add3A_36, %dma_start3A_51] : memref<10240x128xf32, #tpu.memory_space<hbm>> -> memref<160x128xf32, #tpu.memory_space<hbm>>
      %dma_start3A_53 = arith.constant 0 : i32
      %dma_start3A_54 = tpu.memref_slice %arg6[%add3A_36, %dma_start3A_53] : memref<10240x128xf32, #tpu.memory_space<hbm>> -> memref<160x128xf32, #tpu.memory_space<hbm>>
      %dma_start3A_55 = arith.constant 0 : i32
      %dma_start3A_56 = arith.constant 0 : i32
      %dma_start3A_57 = tpu.memref_slice %arg10[%dma_start3A_55, %dma_start3A_56] : memref<176x128xf32, #tpu.memory_space<vmem>> -> memref<160x128xf32, #tpu.memory_space<vmem>>
      tpu.enqueue_dma source(%dma_start3A_57 : memref<160x128xf32, #tpu.memory_space<vmem>>) target(%dma_start3A_54 : memref<160x128xf32, #tpu.memory_space<hbm>>) target_semaphore(%run_scoped3A : memref<!tpu.dma_semaphore, #tpu.memory_space<semaphore_mem>>)
      %dma_wait3A = arith.constant 0 : i32
      %dma_wait3A_58 = arith.constant 0 : i32
      %dma_wait3A_59 = tpu.memref_slice %arg10[%dma_wait3A, %dma_wait3A_58] : memref<176x128xf32, #tpu.memory_space<vmem>> -> memref<160x128xf32, #tpu.memory_space<vmem>>
      %dma_wait3A_60 = arith.constant 0 : i32
      %dma_wait3A_61 = tpu.memref_slice %arg6[%add3A_36, %dma_wait3A_60] : memref<10240x128xf32, #tpu.memory_space<hbm>> -> memref<160x128xf32, #tpu.memory_space<hbm>>
      %dma_wait3A_62 = arith.constant 0 : i32
      %dma_wait3A_63 = tpu.memref_slice %arg6[%add3A_36, %dma_wait3A_62] : memref<10240x128xf32, #tpu.memory_space<hbm>> -> memref<160x128xf32, #tpu.memory_space<hbm>>
      %dma_wait3A_64 = arith.constant 0 : i32
      %dma_wait3A_65 = arith.constant 0 : i32
      %dma_wait3A_66 = tpu.memref_slice %arg10[%dma_wait3A_64, %dma_wait3A_65] : memref<176x128xf32, #tpu.memory_space<vmem>> -> memref<160x128xf32, #tpu.memory_space<vmem>>
      tpu.wait_dma2 semaphore(%run_scoped3A : memref<!tpu.dma_semaphore, #tpu.memory_space<semaphore_mem>>) src(%dma_wait3A_66 : memref<160x128xf32, #tpu.memory_space<vmem>>) dst(%dma_wait3A_63 : memref<160x128xf32, #tpu.memory_space<hbm>>)
      tpu.yield
    }) : () -> ()
    %mul3A_37 = arith.constant 320 : i32
    %mul3A_38 = arith.muli %arg1, %mul3A_37 : i32
    %add3A_39 = arith.constant 160 : i32
    %add3A_40 = arith.addi %mul3A_38, %add3A_39 : i32
    "tpu.region"() ({
      %run_scoped3A = tpu.sem_alloc : memref<!tpu.dma_semaphore, #tpu.memory_space<semaphore_mem>>
      %dma_start3A_48 = arith.constant 0 : i32
      %dma_start3A_49 = arith.constant 0 : i32
      %dma_start3A_50 = tpu.memref_slice %arg10[%dma_start3A_48, %dma_start3A_49] : memref<176x128xf32, #tpu.memory_space<vmem>> -> memref<160x128xf32, #tpu.memory_space<vmem>>
      %dma_start3A_51 = arith.constant 0 : i32
      %dma_start3A_52 = tpu.memref_slice %arg11[%add3A_40, %dma_start3A_51] : memref<5120x128xf32, #tpu.memory_space<vmem_shared>> -> memref<160x128xf32, #tpu.memory_space<vmem_shared>>
      %dma_start3A_53 = arith.constant 0 : i32
      %dma_start3A_54 = arith.constant 0 : i32
      %dma_start3A_55 = tpu.memref_slice %arg10[%dma_start3A_53, %dma_start3A_54] : memref<176x128xf32, #tpu.memory_space<vmem>> -> memref<160x128xf32, #tpu.memory_space<vmem>>
      %dma_start3A_56 = arith.constant 0 : i32
      %dma_start3A_57 = tpu.memref_slice %arg11[%add3A_40, %dma_start3A_56] : memref<5120x128xf32, #tpu.memory_space<vmem_shared>> -> memref<160x128xf32, #tpu.memory_space<vmem_shared>>
      tpu.enqueue_dma source(%dma_start3A_57 : memref<160x128xf32, #tpu.memory_space<vmem_shared>>) target(%dma_start3A_55 : memref<160x128xf32, #tpu.memory_space<vmem>>) target_semaphore(%run_scoped3A : memref<!tpu.dma_semaphore, #tpu.memory_space<semaphore_mem>>)
      %dma_wait3A = arith.constant 0 : i32
      %dma_wait3A_58 = arith.constant 0 : i32
      %dma_wait3A_59 = tpu.memref_slice %arg10[%dma_wait3A, %dma_wait3A_58] : memref<176x128xf32, #tpu.memory_space<vmem>> -> memref<160x128xf32, #tpu.memory_space<vmem>>
      %dma_wait3A_60 = arith.constant 0 : i32
      %dma_wait3A_61 = tpu.memref_slice %arg11[%add3A_40, %dma_wait3A_60] : memref<5120x128xf32, #tpu.memory_space<vmem_shared>> -> memref<160x128xf32, #tpu.memory_space<vmem_shared>>
      %dma_wait3A_62 = arith.constant 0 : i32
      %dma_wait3A_63 = arith.constant 0 : i32
      %dma_wait3A_64 = tpu.memref_slice %arg10[%dma_wait3A_62, %dma_wait3A_63] : memref<176x128xf32, #tpu.memory_space<vmem>> -> memref<160x128xf32, #tpu.memory_space<vmem>>
      %dma_wait3A_65 = arith.constant 0 : i32
      %dma_wait3A_66 = tpu.memref_slice %arg11[%add3A_40, %dma_wait3A_65] : memref<5120x128xf32, #tpu.memory_space<vmem_shared>> -> memref<160x128xf32, #tpu.memory_space<vmem_shared>>
      tpu.wait_dma2 semaphore(%run_scoped3A : memref<!tpu.dma_semaphore, #tpu.memory_space<semaphore_mem>>) src(%dma_wait3A_66 : memref<160x128xf32, #tpu.memory_space<vmem_shared>>) dst(%dma_wait3A_64 : memref<160x128xf32, #tpu.memory_space<vmem>>)
      tpu.yield
    }) : () -> ()
    %mul3A_41 = arith.constant 5120 : i32
    %mul3A_42 = arith.muli %arg0, %mul3A_41 : i32
    %mul3A_43 = arith.constant 320 : i32
    %mul3A_44 = arith.muli %arg1, %mul3A_43 : i32
    %add3A_45 = arith.addi %mul3A_42, %mul3A_44 : i32
    %add3A_46 = arith.constant 160 : i32
    %add3A_47 = arith.addi %add3A_45, %add3A_46 : i32
    "tpu.region"() ({
      %run_scoped3A = tpu.sem_alloc : memref<!tpu.dma_semaphore, #tpu.memory_space<semaphore_mem>>
      %dma_start3A_48 = arith.constant 0 : i32
      %dma_start3A_49 = arith.constant 0 : i32
      %dma_start3A_50 = tpu.memref_slice %arg10[%dma_start3A_48, %dma_start3A_49] : memref<176x128xf32, #tpu.memory_space<vmem>> -> memref<160x128xf32, #tpu.memory_space<vmem>>
      %dma_start3A_51 = arith.constant 0 : i32
      %dma_start3A_52 = tpu.memref_slice %arg6[%add3A_47, %dma_start3A_51] : memref<10240x128xf32, #tpu.memory_space<hbm>> -> memref<160x128xf32, #tpu.memory_space<hbm>>
      %dma_start3A_53 = arith.constant 0 : i32
      %dma_start3A_54 = tpu.memref_slice %arg6[%add3A_47, %dma_start3A_53] : memref<10240x128xf32, #tpu.memory_space<hbm>> -> memref<160x128xf32, #tpu.memory_space<hbm>>
      %dma_start3A_55 = arith.constant 0 : i32
      %dma_start3A_56 = arith.constant 0 : i32
      %dma_start3A_57 = tpu.memref_slice %arg10[%dma_start3A_55, %dma_start3A_56] : memref<176x128xf32, #tpu.memory_space<vmem>> -> memref<160x128xf32, #tpu.memory_space<vmem>>
      tpu.enqueue_dma source(%dma_start3A_57 : memref<160x128xf32, #tpu.memory_space<vmem>>) target(%dma_start3A_54 : memref<160x128xf32, #tpu.memory_space<hbm>>) target_semaphore(%run_scoped3A : memref<!tpu.dma_semaphore, #tpu.memory_space<semaphore_mem>>)
      %dma_wait3A = arith.constant 0 : i32
      %dma_wait3A_58 = arith.constant 0 : i32
      %dma_wait3A_59 = tpu.memref_slice %arg10[%dma_wait3A, %dma_wait3A_58] : memref<176x128xf32, #tpu.memory_space<vmem>> -> memref<160x128xf32, #tpu.memory_space<vmem>>
      %dma_wait3A_60 = arith.constant 0 : i32
      %dma_wait3A_61 = tpu.memref_slice %arg6[%add3A_47, %dma_wait3A_60] : memref<10240x128xf32, #tpu.memory_space<hbm>> -> memref<160x128xf32, #tpu.memory_space<hbm>>
      %dma_wait3A_62 = arith.constant 0 : i32
      %dma_wait3A_63 = tpu.memref_slice %arg6[%add3A_47, %dma_wait3A_62] : memref<10240x128xf32, #tpu.memory_space<hbm>> -> memref<160x128xf32, #tpu.memory_space<hbm>>
      %dma_wait3A_64 = arith.constant 0 : i32
      %dma_wait3A_65 = arith.constant 0 : i32
      %dma_wait3A_66 = tpu.memref_slice %arg10[%dma_wait3A_64, %dma_wait3A_65] : memref<176x128xf32, #tpu.memory_space<vmem>> -> memref<160x128xf32, #tpu.memory_space<vmem>>
      tpu.wait_dma2 semaphore(%run_scoped3A : memref<!tpu.dma_semaphore, #tpu.memory_space<semaphore_mem>>) src(%dma_wait3A_66 : memref<160x128xf32, #tpu.memory_space<vmem>>) dst(%dma_wait3A_63 : memref<160x128xf32, #tpu.memory_space<hbm>>)
      tpu.yield
    }) : () -> ()
    return
  }
}

#map = affine_map<(d0, d1) -> (0, 0)>
#map1 = affine_map<(d0, d1) -> (0, 0, 0)>
module attributes {stable_mosaic.version = 14 : i64} {
  func.func @_deg_sc(%arg0: i32, %arg1: i32, %arg2: memref<125x128xf32, #tpu.memory_space<hbm>>, %arg3: memref<64x80x125xi32, #tpu.memory_space<hbm>>, %arg4: memref<176x128xf32, #tpu.memory_space<hbm>>, %arg5: memref<20480x128xf32, #tpu.memory_space<hbm>>, %arg6: memref<80x125xi32, #tpu.memory_space<vmem>>, %arg7: memref<125x128xf32, #tpu.memory_space<vmem>>, %arg8: memref<176x128xf32, #tpu.memory_space<vmem>>, %arg9: memref<5632x128xf32, #tpu.memory_space<vmem_shared>>) attributes {dimension_semantics = [#tpu.dimension_semantics<core_parallel>, #tpu.dimension_semantics<subcore_parallel>], iteration_bounds = array<i64: 2, 16>, scalar_prefetch = 0 : i64, scratch_operands = 4 : i64, tpu.core_type = #tpu.core_type<sc_vector_subcore>, window_params = [{transform_indices = #map}, {transform_indices = #map1}, {transform_indices = #map}, {transform_indices = #map}]} {
    %mul3A = arith.constant 16 : i32
    %mul3A_0 = arith.muli %arg0, %mul3A : i32
    %add3A = arith.addi %mul3A_0, %arg1 : i32
    "tpu.region"() ({
      %run_scoped3A = tpu.sem_alloc : memref<!tpu.dma_semaphore, #tpu.memory_space<semaphore_mem>>
      tpu.enqueue_dma source(%arg2 : memref<125x128xf32, #tpu.memory_space<hbm>>) target(%arg7 : memref<125x128xf32, #tpu.memory_space<vmem>>) target_semaphore(%run_scoped3A : memref<!tpu.dma_semaphore, #tpu.memory_space<semaphore_mem>>)
      tpu.wait_dma2 semaphore(%run_scoped3A : memref<!tpu.dma_semaphore, #tpu.memory_space<semaphore_mem>>) src(%arg2 : memref<125x128xf32, #tpu.memory_space<hbm>>) dst(%arg7 : memref<125x128xf32, #tpu.memory_space<vmem>>)
      tpu.yield
    }) : () -> ()
    "tpu.region"() ({
      %run_scoped3A = tpu.sem_alloc : memref<!tpu.dma_semaphore, #tpu.memory_space<semaphore_mem>>
      tpu.enqueue_dma source(%arg4 : memref<176x128xf32, #tpu.memory_space<hbm>>) target(%arg8 : memref<176x128xf32, #tpu.memory_space<vmem>>) target_semaphore(%run_scoped3A : memref<!tpu.dma_semaphore, #tpu.memory_space<semaphore_mem>>)
      tpu.wait_dma2 semaphore(%run_scoped3A : memref<!tpu.dma_semaphore, #tpu.memory_space<semaphore_mem>>) src(%arg4 : memref<176x128xf32, #tpu.memory_space<hbm>>) dst(%arg8 : memref<176x128xf32, #tpu.memory_space<vmem>>)
      tpu.yield
    }) : () -> ()
    %mul3A_1 = arith.constant 352 : i32
    %mul3A_2 = arith.muli %arg1, %mul3A_1 : i32
    %add3A_3 = arith.constant 0 : i32
    %add3A_4 = arith.addi %mul3A_2, %add3A_3 : i32
    "tpu.region"() ({
      %run_scoped3A = tpu.sem_alloc : memref<!tpu.dma_semaphore, #tpu.memory_space<semaphore_mem>>
      %dma_start3A = arith.constant 0 : i32
      %dma_start3A_88 = tpu.memref_slice %arg9[%add3A_4, %dma_start3A] : memref<5632x128xf32, #tpu.memory_space<vmem_shared>> -> memref<176x128xf32, #tpu.memory_space<vmem_shared>>
      %dma_start3A_89 = arith.constant 0 : i32
      %dma_start3A_90 = tpu.memref_slice %arg9[%add3A_4, %dma_start3A_89] : memref<5632x128xf32, #tpu.memory_space<vmem_shared>> -> memref<176x128xf32, #tpu.memory_space<vmem_shared>>
      tpu.enqueue_dma source(%arg8 : memref<176x128xf32, #tpu.memory_space<vmem>>) target(%dma_start3A_90 : memref<176x128xf32, #tpu.memory_space<vmem_shared>>) target_semaphore(%run_scoped3A : memref<!tpu.dma_semaphore, #tpu.memory_space<semaphore_mem>>)
      %dma_wait3A = arith.constant 0 : i32
      %dma_wait3A_91 = tpu.memref_slice %arg9[%add3A_4, %dma_wait3A] : memref<5632x128xf32, #tpu.memory_space<vmem_shared>> -> memref<176x128xf32, #tpu.memory_space<vmem_shared>>
      %dma_wait3A_92 = arith.constant 0 : i32
      %dma_wait3A_93 = tpu.memref_slice %arg9[%add3A_4, %dma_wait3A_92] : memref<5632x128xf32, #tpu.memory_space<vmem_shared>> -> memref<176x128xf32, #tpu.memory_space<vmem_shared>>
      tpu.wait_dma2 semaphore(%run_scoped3A : memref<!tpu.dma_semaphore, #tpu.memory_space<semaphore_mem>>) src(%arg8 : memref<176x128xf32, #tpu.memory_space<vmem>>) dst(%dma_wait3A_93 : memref<176x128xf32, #tpu.memory_space<vmem_shared>>)
      tpu.yield
    }) : () -> ()
    %mul3A_5 = arith.constant 352 : i32
    %mul3A_6 = arith.muli %arg1, %mul3A_5 : i32
    %add3A_7 = arith.constant 176 : i32
    %add3A_8 = arith.addi %mul3A_6, %add3A_7 : i32
    "tpu.region"() ({
      %run_scoped3A = tpu.sem_alloc : memref<!tpu.dma_semaphore, #tpu.memory_space<semaphore_mem>>
      %dma_start3A = arith.constant 0 : i32
      %dma_start3A_88 = tpu.memref_slice %arg9[%add3A_8, %dma_start3A] : memref<5632x128xf32, #tpu.memory_space<vmem_shared>> -> memref<176x128xf32, #tpu.memory_space<vmem_shared>>
      %dma_start3A_89 = arith.constant 0 : i32
      %dma_start3A_90 = tpu.memref_slice %arg9[%add3A_8, %dma_start3A_89] : memref<5632x128xf32, #tpu.memory_space<vmem_shared>> -> memref<176x128xf32, #tpu.memory_space<vmem_shared>>
      tpu.enqueue_dma source(%arg8 : memref<176x128xf32, #tpu.memory_space<vmem>>) target(%dma_start3A_90 : memref<176x128xf32, #tpu.memory_space<vmem_shared>>) target_semaphore(%run_scoped3A : memref<!tpu.dma_semaphore, #tpu.memory_space<semaphore_mem>>)
      %dma_wait3A = arith.constant 0 : i32
      %dma_wait3A_91 = tpu.memref_slice %arg9[%add3A_8, %dma_wait3A] : memref<5632x128xf32, #tpu.memory_space<vmem_shared>> -> memref<176x128xf32, #tpu.memory_space<vmem_shared>>
      %dma_wait3A_92 = arith.constant 0 : i32
      %dma_wait3A_93 = tpu.memref_slice %arg9[%add3A_8, %dma_wait3A_92] : memref<5632x128xf32, #tpu.memory_space<vmem_shared>> -> memref<176x128xf32, #tpu.memory_space<vmem_shared>>
      tpu.wait_dma2 semaphore(%run_scoped3A : memref<!tpu.dma_semaphore, #tpu.memory_space<semaphore_mem>>) src(%arg8 : memref<176x128xf32, #tpu.memory_space<vmem>>) dst(%dma_wait3A_93 : memref<176x128xf32, #tpu.memory_space<vmem_shared>>)
      tpu.yield
    }) : () -> ()
    %add3A_9 = arith.constant 0 : i32
    %add3A_10 = arith.addi %add3A_9, %add3A : i32
    "tpu.region"() ({
      %run_scoped3A = tpu.sem_alloc : memref<!tpu.dma_semaphore, #tpu.memory_space<semaphore_mem>>
      %dma_start3A = arith.constant 0 : i32
      %dma_start3A_88 = arith.constant 0 : i32
      %dma_start3A_89 = tpu.memref_slice %arg3[%add3A_10, %dma_start3A, %dma_start3A_88] : memref<64x80x125xi32, #tpu.memory_space<hbm>> -> memref<1x80x125xi32, #tpu.memory_space<hbm>>
      %dma_start3A_90 = tpu.memref_squeeze %dma_start3A_89 : memref<1x80x125xi32, #tpu.memory_space<hbm>> -> memref<80x125xi32, #tpu.memory_space<hbm>>
      %dma_start3A_91 = arith.constant 0 : i32
      %dma_start3A_92 = arith.constant 0 : i32
      %dma_start3A_93 = tpu.memref_slice %arg3[%add3A_10, %dma_start3A_91, %dma_start3A_92] : memref<64x80x125xi32, #tpu.memory_space<hbm>> -> memref<1x80x125xi32, #tpu.memory_space<hbm>>
      %dma_start3A_94 = tpu.memref_squeeze %dma_start3A_93 : memref<1x80x125xi32, #tpu.memory_space<hbm>> -> memref<80x125xi32, #tpu.memory_space<hbm>>
      tpu.enqueue_dma source(%dma_start3A_94 : memref<80x125xi32, #tpu.memory_space<hbm>>) target(%arg6 : memref<80x125xi32, #tpu.memory_space<vmem>>) target_semaphore(%run_scoped3A : memref<!tpu.dma_semaphore, #tpu.memory_space<semaphore_mem>>)
      %dma_wait3A = arith.constant 0 : i32
      %dma_wait3A_95 = arith.constant 0 : i32
      %dma_wait3A_96 = tpu.memref_slice %arg3[%add3A_10, %dma_wait3A, %dma_wait3A_95] : memref<64x80x125xi32, #tpu.memory_space<hbm>> -> memref<1x80x125xi32, #tpu.memory_space<hbm>>
      %dma_wait3A_97 = tpu.memref_squeeze %dma_wait3A_96 : memref<1x80x125xi32, #tpu.memory_space<hbm>> -> memref<80x125xi32, #tpu.memory_space<hbm>>
      %dma_wait3A_98 = arith.constant 0 : i32
      %dma_wait3A_99 = arith.constant 0 : i32
      %dma_wait3A_100 = tpu.memref_slice %arg3[%add3A_10, %dma_wait3A_98, %dma_wait3A_99] : memref<64x80x125xi32, #tpu.memory_space<hbm>> -> memref<1x80x125xi32, #tpu.memory_space<hbm>>
      %dma_wait3A_101 = tpu.memref_squeeze %dma_wait3A_100 : memref<1x80x125xi32, #tpu.memory_space<hbm>> -> memref<80x125xi32, #tpu.memory_space<hbm>>
      tpu.wait_dma2 semaphore(%run_scoped3A : memref<!tpu.dma_semaphore, #tpu.memory_space<semaphore_mem>>) src(%dma_wait3A_101 : memref<80x125xi32, #tpu.memory_space<hbm>>) dst(%arg6 : memref<80x125xi32, #tpu.memory_space<vmem>>)
      tpu.yield
    }) : () -> ()
    %barrier3A = arith.constant 0 : index
    tpu.barrier barrier_id(%barrier3A)
    %scan3A = arith.constant 0 : i32
    %scan3A_11 = arith.constant 0 : i32
    %scan3A_12 = arith.constant 80 : i32
    %scan3A_13 = arith.addi %scan3A_11, %scan3A_12 : i32
    %scan3A_14 = arith.constant 1 : i32
    scf.for %scan3A_88 = %scan3A_11 to %scan3A_13 step %scan3A_14  : i32 {
      "tpu.region"() ({
        %run_scoped3A = tpu.sem_alloc : memref<!tpu.dma_semaphore, #tpu.memory_space<semaphore_mem>>
        %dma_start3A = arith.constant 0 : i32
        %dma_start3A_89 = tpu.memref_slice %arg6[%scan3A_88, %dma_start3A] : memref<80x125xi32, #tpu.memory_space<vmem>> -> memref<1x125xi32, #tpu.memory_space<vmem>>
        %dma_start3A_90 = tpu.memref_squeeze %dma_start3A_89 : memref<1x125xi32, #tpu.memory_space<vmem>> -> memref<125xi32, #tpu.memory_space<vmem>>
        %dma_start3A_91 = arith.constant 0 : i32
        %dma_start3A_92 = arith.constant 0 : i32
        %dma_start3A_93 = tpu.memref_slice %arg9[%dma_start3A_91, %dma_start3A_92] : memref<5632x128xf32, #tpu.memory_space<vmem_shared>> -> memref<5632x128xf32, #tpu.memory_space<vmem_shared>>
        tpu.enqueue_indirect_dma source(%arg7 : memref<125x128xf32, #tpu.memory_space<vmem>>) target(%dma_start3A_93 : memref<5632x128xf32, #tpu.memory_space<vmem_shared>>) offsets(%dma_start3A_90 : memref<125xi32, #tpu.memory_space<vmem>>) semaphore(%run_scoped3A : memref<!tpu.dma_semaphore, #tpu.memory_space<semaphore_mem>>) {add = true}
        %dma_wait3A = arith.constant 0 : i32
        %dma_wait3A_94 = tpu.memref_slice %arg6[%scan3A_88, %dma_wait3A] : memref<80x125xi32, #tpu.memory_space<vmem>> -> memref<1x125xi32, #tpu.memory_space<vmem>>
        %dma_wait3A_95 = tpu.memref_squeeze %dma_wait3A_94 : memref<1x125xi32, #tpu.memory_space<vmem>> -> memref<125xi32, #tpu.memory_space<vmem>>
        %dma_wait3A_96 = arith.constant 0 : i32
        %dma_wait3A_97 = arith.constant 0 : i32
        %dma_wait3A_98 = tpu.memref_slice %arg9[%dma_wait3A_96, %dma_wait3A_97] : memref<5632x128xf32, #tpu.memory_space<vmem_shared>> -> memref<5632x128xf32, #tpu.memory_space<vmem_shared>>
        tpu.wait_indirect_dma semaphore(%run_scoped3A : memref<!tpu.dma_semaphore, #tpu.memory_space<semaphore_mem>>) src(%arg7 : memref<125x128xf32, #tpu.memory_space<vmem>>) dst(%dma_wait3A_98 : memref<5632x128xf32, #tpu.memory_space<vmem_shared>>)
        tpu.yield
      }) : () -> ()
    }
    %scan3A_15 = arith.constant 80 : i32
    %barrier3A_16 = arith.constant 0 : index
    tpu.barrier barrier_id(%barrier3A_16)
    %mul3A_17 = arith.constant 320 : i32
    %mul3A_18 = arith.muli %arg1, %mul3A_17 : i32
    %add3A_19 = arith.constant 0 : i32
    %add3A_20 = arith.addi %mul3A_18, %add3A_19 : i32
    "tpu.region"() ({
      %run_scoped3A = tpu.sem_alloc : memref<!tpu.dma_semaphore, #tpu.memory_space<semaphore_mem>>
      %dma_start3A = arith.constant 0 : i32
      %dma_start3A_88 = arith.constant 0 : i32
      %dma_start3A_89 = tpu.memref_slice %arg8[%dma_start3A, %dma_start3A_88] : memref<176x128xf32, #tpu.memory_space<vmem>> -> memref<160x128xf32, #tpu.memory_space<vmem>>
      %dma_start3A_90 = arith.constant 0 : i32
      %dma_start3A_91 = tpu.memref_slice %arg9[%add3A_20, %dma_start3A_90] : memref<5632x128xf32, #tpu.memory_space<vmem_shared>> -> memref<160x128xf32, #tpu.memory_space<vmem_shared>>
      %dma_start3A_92 = arith.constant 0 : i32
      %dma_start3A_93 = arith.constant 0 : i32
      %dma_start3A_94 = tpu.memref_slice %arg8[%dma_start3A_92, %dma_start3A_93] : memref<176x128xf32, #tpu.memory_space<vmem>> -> memref<160x128xf32, #tpu.memory_space<vmem>>
      %dma_start3A_95 = arith.constant 0 : i32
      %dma_start3A_96 = tpu.memref_slice %arg9[%add3A_20, %dma_start3A_95] : memref<5632x128xf32, #tpu.memory_space<vmem_shared>> -> memref<160x128xf32, #tpu.memory_space<vmem_shared>>
      tpu.enqueue_dma source(%dma_start3A_96 : memref<160x128xf32, #tpu.memory_space<vmem_shared>>) target(%dma_start3A_94 : memref<160x128xf32, #tpu.memory_space<vmem>>) target_semaphore(%run_scoped3A : memref<!tpu.dma_semaphore, #tpu.memory_space<semaphore_mem>>)
      %dma_wait3A = arith.constant 0 : i32
      %dma_wait3A_97 = arith.constant 0 : i32
      %dma_wait3A_98 = tpu.memref_slice %arg8[%dma_wait3A, %dma_wait3A_97] : memref<176x128xf32, #tpu.memory_space<vmem>> -> memref<160x128xf32, #tpu.memory_space<vmem>>
      %dma_wait3A_99 = arith.constant 0 : i32
      %dma_wait3A_100 = tpu.memref_slice %arg9[%add3A_20, %dma_wait3A_99] : memref<5632x128xf32, #tpu.memory_space<vmem_shared>> -> memref<160x128xf32, #tpu.memory_space<vmem_shared>>
      %dma_wait3A_101 = arith.constant 0 : i32
      %dma_wait3A_102 = arith.constant 0 : i32
      %dma_wait3A_103 = tpu.memref_slice %arg8[%dma_wait3A_101, %dma_wait3A_102] : memref<176x128xf32, #tpu.memory_space<vmem>> -> memref<160x128xf32, #tpu.memory_space<vmem>>
      %dma_wait3A_104 = arith.constant 0 : i32
      %dma_wait3A_105 = tpu.memref_slice %arg9[%add3A_20, %dma_wait3A_104] : memref<5632x128xf32, #tpu.memory_space<vmem_shared>> -> memref<160x128xf32, #tpu.memory_space<vmem_shared>>
      tpu.wait_dma2 semaphore(%run_scoped3A : memref<!tpu.dma_semaphore, #tpu.memory_space<semaphore_mem>>) src(%dma_wait3A_105 : memref<160x128xf32, #tpu.memory_space<vmem_shared>>) dst(%dma_wait3A_103 : memref<160x128xf32, #tpu.memory_space<vmem>>)
      tpu.yield
    }) : () -> ()
    %mul3A_21 = arith.constant 10240 : i32
    %mul3A_22 = arith.muli %arg0, %mul3A_21 : i32
    %add3A_23 = arith.constant 0 : i32
    %add3A_24 = arith.addi %mul3A_22, %add3A_23 : i32
    %mul3A_25 = arith.constant 320 : i32
    %mul3A_26 = arith.muli %arg1, %mul3A_25 : i32
    %add3A_27 = arith.addi %add3A_24, %mul3A_26 : i32
    %add3A_28 = arith.constant 0 : i32
    %add3A_29 = arith.addi %add3A_27, %add3A_28 : i32
    "tpu.region"() ({
      %run_scoped3A = tpu.sem_alloc : memref<!tpu.dma_semaphore, #tpu.memory_space<semaphore_mem>>
      %dma_start3A = arith.constant 0 : i32
      %dma_start3A_88 = arith.constant 0 : i32
      %dma_start3A_89 = tpu.memref_slice %arg8[%dma_start3A, %dma_start3A_88] : memref<176x128xf32, #tpu.memory_space<vmem>> -> memref<160x128xf32, #tpu.memory_space<vmem>>
      %dma_start3A_90 = arith.constant 0 : i32
      %dma_start3A_91 = tpu.memref_slice %arg5[%add3A_29, %dma_start3A_90] : memref<20480x128xf32, #tpu.memory_space<hbm>> -> memref<160x128xf32, #tpu.memory_space<hbm>>
      %dma_start3A_92 = arith.constant 0 : i32
      %dma_start3A_93 = tpu.memref_slice %arg5[%add3A_29, %dma_start3A_92] : memref<20480x128xf32, #tpu.memory_space<hbm>> -> memref<160x128xf32, #tpu.memory_space<hbm>>
      %dma_start3A_94 = arith.constant 0 : i32
      %dma_start3A_95 = arith.constant 0 : i32
      %dma_start3A_96 = tpu.memref_slice %arg8[%dma_start3A_94, %dma_start3A_95] : memref<176x128xf32, #tpu.memory_space<vmem>> -> memref<160x128xf32, #tpu.memory_space<vmem>>
      tpu.enqueue_dma source(%dma_start3A_96 : memref<160x128xf32, #tpu.memory_space<vmem>>) target(%dma_start3A_93 : memref<160x128xf32, #tpu.memory_space<hbm>>) target_semaphore(%run_scoped3A : memref<!tpu.dma_semaphore, #tpu.memory_space<semaphore_mem>>)
      %dma_wait3A = arith.constant 0 : i32
      %dma_wait3A_97 = arith.constant 0 : i32
      %dma_wait3A_98 = tpu.memref_slice %arg8[%dma_wait3A, %dma_wait3A_97] : memref<176x128xf32, #tpu.memory_space<vmem>> -> memref<160x128xf32, #tpu.memory_space<vmem>>
      %dma_wait3A_99 = arith.constant 0 : i32
      %dma_wait3A_100 = tpu.memref_slice %arg5[%add3A_29, %dma_wait3A_99] : memref<20480x128xf32, #tpu.memory_space<hbm>> -> memref<160x128xf32, #tpu.memory_space<hbm>>
      %dma_wait3A_101 = arith.constant 0 : i32
      %dma_wait3A_102 = tpu.memref_slice %arg5[%add3A_29, %dma_wait3A_101] : memref<20480x128xf32, #tpu.memory_space<hbm>> -> memref<160x128xf32, #tpu.memory_space<hbm>>
      %dma_wait3A_103 = arith.constant 0 : i32
      %dma_wait3A_104 = arith.constant 0 : i32
      %dma_wait3A_105 = tpu.memref_slice %arg8[%dma_wait3A_103, %dma_wait3A_104] : memref<176x128xf32, #tpu.memory_space<vmem>> -> memref<160x128xf32, #tpu.memory_space<vmem>>
      tpu.wait_dma2 semaphore(%run_scoped3A : memref<!tpu.dma_semaphore, #tpu.memory_space<semaphore_mem>>) src(%dma_wait3A_105 : memref<160x128xf32, #tpu.memory_space<vmem>>) dst(%dma_wait3A_102 : memref<160x128xf32, #tpu.memory_space<hbm>>)
      tpu.yield
    }) : () -> ()
    %mul3A_30 = arith.constant 320 : i32
    %mul3A_31 = arith.muli %arg1, %mul3A_30 : i32
    %add3A_32 = arith.constant 160 : i32
    %add3A_33 = arith.addi %mul3A_31, %add3A_32 : i32
    "tpu.region"() ({
      %run_scoped3A = tpu.sem_alloc : memref<!tpu.dma_semaphore, #tpu.memory_space<semaphore_mem>>
      %dma_start3A = arith.constant 0 : i32
      %dma_start3A_88 = arith.constant 0 : i32
      %dma_start3A_89 = tpu.memref_slice %arg8[%dma_start3A, %dma_start3A_88] : memref<176x128xf32, #tpu.memory_space<vmem>> -> memref<160x128xf32, #tpu.memory_space<vmem>>
      %dma_start3A_90 = arith.constant 0 : i32
      %dma_start3A_91 = tpu.memref_slice %arg9[%add3A_33, %dma_start3A_90] : memref<5632x128xf32, #tpu.memory_space<vmem_shared>> -> memref<160x128xf32, #tpu.memory_space<vmem_shared>>
      %dma_start3A_92 = arith.constant 0 : i32
      %dma_start3A_93 = arith.constant 0 : i32
      %dma_start3A_94 = tpu.memref_slice %arg8[%dma_start3A_92, %dma_start3A_93] : memref<176x128xf32, #tpu.memory_space<vmem>> -> memref<160x128xf32, #tpu.memory_space<vmem>>
      %dma_start3A_95 = arith.constant 0 : i32
      %dma_start3A_96 = tpu.memref_slice %arg9[%add3A_33, %dma_start3A_95] : memref<5632x128xf32, #tpu.memory_space<vmem_shared>> -> memref<160x128xf32, #tpu.memory_space<vmem_shared>>
      tpu.enqueue_dma source(%dma_start3A_96 : memref<160x128xf32, #tpu.memory_space<vmem_shared>>) target(%dma_start3A_94 : memref<160x128xf32, #tpu.memory_space<vmem>>) target_semaphore(%run_scoped3A : memref<!tpu.dma_semaphore, #tpu.memory_space<semaphore_mem>>)
      %dma_wait3A = arith.constant 0 : i32
      %dma_wait3A_97 = arith.constant 0 : i32
      %dma_wait3A_98 = tpu.memref_slice %arg8[%dma_wait3A, %dma_wait3A_97] : memref<176x128xf32, #tpu.memory_space<vmem>> -> memref<160x128xf32, #tpu.memory_space<vmem>>
      %dma_wait3A_99 = arith.constant 0 : i32
      %dma_wait3A_100 = tpu.memref_slice %arg9[%add3A_33, %dma_wait3A_99] : memref<5632x128xf32, #tpu.memory_space<vmem_shared>> -> memref<160x128xf32, #tpu.memory_space<vmem_shared>>
      %dma_wait3A_101 = arith.constant 0 : i32
      %dma_wait3A_102 = arith.constant 0 : i32
      %dma_wait3A_103 = tpu.memref_slice %arg8[%dma_wait3A_101, %dma_wait3A_102] : memref<176x128xf32, #tpu.memory_space<vmem>> -> memref<160x128xf32, #tpu.memory_space<vmem>>
      %dma_wait3A_104 = arith.constant 0 : i32
      %dma_wait3A_105 = tpu.memref_slice %arg9[%add3A_33, %dma_wait3A_104] : memref<5632x128xf32, #tpu.memory_space<vmem_shared>> -> memref<160x128xf32, #tpu.memory_space<vmem_shared>>
      tpu.wait_dma2 semaphore(%run_scoped3A : memref<!tpu.dma_semaphore, #tpu.memory_space<semaphore_mem>>) src(%dma_wait3A_105 : memref<160x128xf32, #tpu.memory_space<vmem_shared>>) dst(%dma_wait3A_103 : memref<160x128xf32, #tpu.memory_space<vmem>>)
      tpu.yield
    }) : () -> ()
    %mul3A_34 = arith.constant 10240 : i32
    %mul3A_35 = arith.muli %arg0, %mul3A_34 : i32
    %add3A_36 = arith.constant 0 : i32
    %add3A_37 = arith.addi %mul3A_35, %add3A_36 : i32
    %mul3A_38 = arith.constant 320 : i32
    %mul3A_39 = arith.muli %arg1, %mul3A_38 : i32
    %add3A_40 = arith.addi %add3A_37, %mul3A_39 : i32
    %add3A_41 = arith.constant 160 : i32
    %add3A_42 = arith.addi %add3A_40, %add3A_41 : i32
    "tpu.region"() ({
      %run_scoped3A = tpu.sem_alloc : memref<!tpu.dma_semaphore, #tpu.memory_space<semaphore_mem>>
      %dma_start3A = arith.constant 0 : i32
      %dma_start3A_88 = arith.constant 0 : i32
      %dma_start3A_89 = tpu.memref_slice %arg8[%dma_start3A, %dma_start3A_88] : memref<176x128xf32, #tpu.memory_space<vmem>> -> memref<160x128xf32, #tpu.memory_space<vmem>>
      %dma_start3A_90 = arith.constant 0 : i32
      %dma_start3A_91 = tpu.memref_slice %arg5[%add3A_42, %dma_start3A_90] : memref<20480x128xf32, #tpu.memory_space<hbm>> -> memref<160x128xf32, #tpu.memory_space<hbm>>
      %dma_start3A_92 = arith.constant 0 : i32
      %dma_start3A_93 = tpu.memref_slice %arg5[%add3A_42, %dma_start3A_92] : memref<20480x128xf32, #tpu.memory_space<hbm>> -> memref<160x128xf32, #tpu.memory_space<hbm>>
      %dma_start3A_94 = arith.constant 0 : i32
      %dma_start3A_95 = arith.constant 0 : i32
      %dma_start3A_96 = tpu.memref_slice %arg8[%dma_start3A_94, %dma_start3A_95] : memref<176x128xf32, #tpu.memory_space<vmem>> -> memref<160x128xf32, #tpu.memory_space<vmem>>
      tpu.enqueue_dma source(%dma_start3A_96 : memref<160x128xf32, #tpu.memory_space<vmem>>) target(%dma_start3A_93 : memref<160x128xf32, #tpu.memory_space<hbm>>) target_semaphore(%run_scoped3A : memref<!tpu.dma_semaphore, #tpu.memory_space<semaphore_mem>>)
      %dma_wait3A = arith.constant 0 : i32
      %dma_wait3A_97 = arith.constant 0 : i32
      %dma_wait3A_98 = tpu.memref_slice %arg8[%dma_wait3A, %dma_wait3A_97] : memref<176x128xf32, #tpu.memory_space<vmem>> -> memref<160x128xf32, #tpu.memory_space<vmem>>
      %dma_wait3A_99 = arith.constant 0 : i32
      %dma_wait3A_100 = tpu.memref_slice %arg5[%add3A_42, %dma_wait3A_99] : memref<20480x128xf32, #tpu.memory_space<hbm>> -> memref<160x128xf32, #tpu.memory_space<hbm>>
      %dma_wait3A_101 = arith.constant 0 : i32
      %dma_wait3A_102 = tpu.memref_slice %arg5[%add3A_42, %dma_wait3A_101] : memref<20480x128xf32, #tpu.memory_space<hbm>> -> memref<160x128xf32, #tpu.memory_space<hbm>>
      %dma_wait3A_103 = arith.constant 0 : i32
      %dma_wait3A_104 = arith.constant 0 : i32
      %dma_wait3A_105 = tpu.memref_slice %arg8[%dma_wait3A_103, %dma_wait3A_104] : memref<176x128xf32, #tpu.memory_space<vmem>> -> memref<160x128xf32, #tpu.memory_space<vmem>>
      tpu.wait_dma2 semaphore(%run_scoped3A : memref<!tpu.dma_semaphore, #tpu.memory_space<semaphore_mem>>) src(%dma_wait3A_105 : memref<160x128xf32, #tpu.memory_space<vmem>>) dst(%dma_wait3A_102 : memref<160x128xf32, #tpu.memory_space<hbm>>)
      tpu.yield
    }) : () -> ()
    %barrier3A_43 = arith.constant 0 : index
    tpu.barrier barrier_id(%barrier3A_43)
    "tpu.region"() ({
      %run_scoped3A = tpu.sem_alloc : memref<!tpu.dma_semaphore, #tpu.memory_space<semaphore_mem>>
      tpu.enqueue_dma source(%arg4 : memref<176x128xf32, #tpu.memory_space<hbm>>) target(%arg8 : memref<176x128xf32, #tpu.memory_space<vmem>>) target_semaphore(%run_scoped3A : memref<!tpu.dma_semaphore, #tpu.memory_space<semaphore_mem>>)
      tpu.wait_dma2 semaphore(%run_scoped3A : memref<!tpu.dma_semaphore, #tpu.memory_space<semaphore_mem>>) src(%arg4 : memref<176x128xf32, #tpu.memory_space<hbm>>) dst(%arg8 : memref<176x128xf32, #tpu.memory_space<vmem>>)
      tpu.yield
    }) : () -> ()
    %mul3A_44 = arith.constant 352 : i32
    %mul3A_45 = arith.muli %arg1, %mul3A_44 : i32
    %add3A_46 = arith.constant 0 : i32
    %add3A_47 = arith.addi %mul3A_45, %add3A_46 : i32
    "tpu.region"() ({
      %run_scoped3A = tpu.sem_alloc : memref<!tpu.dma_semaphore, #tpu.memory_space<semaphore_mem>>
      %dma_start3A = arith.constant 0 : i32
      %dma_start3A_88 = tpu.memref_slice %arg9[%add3A_47, %dma_start3A] : memref<5632x128xf32, #tpu.memory_space<vmem_shared>> -> memref<176x128xf32, #tpu.memory_space<vmem_shared>>
      %dma_start3A_89 = arith.constant 0 : i32
      %dma_start3A_90 = tpu.memref_slice %arg9[%add3A_47, %dma_start3A_89] : memref<5632x128xf32, #tpu.memory_space<vmem_shared>> -> memref<176x128xf32, #tpu.memory_space<vmem_shared>>
      tpu.enqueue_dma source(%arg8 : memref<176x128xf32, #tpu.memory_space<vmem>>) target(%dma_start3A_90 : memref<176x128xf32, #tpu.memory_space<vmem_shared>>) target_semaphore(%run_scoped3A : memref<!tpu.dma_semaphore, #tpu.memory_space<semaphore_mem>>)
      %dma_wait3A = arith.constant 0 : i32
      %dma_wait3A_91 = tpu.memref_slice %arg9[%add3A_47, %dma_wait3A] : memref<5632x128xf32, #tpu.memory_space<vmem_shared>> -> memref<176x128xf32, #tpu.memory_space<vmem_shared>>
      %dma_wait3A_92 = arith.constant 0 : i32
      %dma_wait3A_93 = tpu.memref_slice %arg9[%add3A_47, %dma_wait3A_92] : memref<5632x128xf32, #tpu.memory_space<vmem_shared>> -> memref<176x128xf32, #tpu.memory_space<vmem_shared>>
      tpu.wait_dma2 semaphore(%run_scoped3A : memref<!tpu.dma_semaphore, #tpu.memory_space<semaphore_mem>>) src(%arg8 : memref<176x128xf32, #tpu.memory_space<vmem>>) dst(%dma_wait3A_93 : memref<176x128xf32, #tpu.memory_space<vmem_shared>>)
      tpu.yield
    }) : () -> ()
    %mul3A_48 = arith.constant 352 : i32
    %mul3A_49 = arith.muli %arg1, %mul3A_48 : i32
    %add3A_50 = arith.constant 176 : i32
    %add3A_51 = arith.addi %mul3A_49, %add3A_50 : i32
    "tpu.region"() ({
      %run_scoped3A = tpu.sem_alloc : memref<!tpu.dma_semaphore, #tpu.memory_space<semaphore_mem>>
      %dma_start3A = arith.constant 0 : i32
      %dma_start3A_88 = tpu.memref_slice %arg9[%add3A_51, %dma_start3A] : memref<5632x128xf32, #tpu.memory_space<vmem_shared>> -> memref<176x128xf32, #tpu.memory_space<vmem_shared>>
      %dma_start3A_89 = arith.constant 0 : i32
      %dma_start3A_90 = tpu.memref_slice %arg9[%add3A_51, %dma_start3A_89] : memref<5632x128xf32, #tpu.memory_space<vmem_shared>> -> memref<176x128xf32, #tpu.memory_space<vmem_shared>>
      tpu.enqueue_dma source(%arg8 : memref<176x128xf32, #tpu.memory_space<vmem>>) target(%dma_start3A_90 : memref<176x128xf32, #tpu.memory_space<vmem_shared>>) target_semaphore(%run_scoped3A : memref<!tpu.dma_semaphore, #tpu.memory_space<semaphore_mem>>)
      %dma_wait3A = arith.constant 0 : i32
      %dma_wait3A_91 = tpu.memref_slice %arg9[%add3A_51, %dma_wait3A] : memref<5632x128xf32, #tpu.memory_space<vmem_shared>> -> memref<176x128xf32, #tpu.memory_space<vmem_shared>>
      %dma_wait3A_92 = arith.constant 0 : i32
      %dma_wait3A_93 = tpu.memref_slice %arg9[%add3A_51, %dma_wait3A_92] : memref<5632x128xf32, #tpu.memory_space<vmem_shared>> -> memref<176x128xf32, #tpu.memory_space<vmem_shared>>
      tpu.wait_dma2 semaphore(%run_scoped3A : memref<!tpu.dma_semaphore, #tpu.memory_space<semaphore_mem>>) src(%arg8 : memref<176x128xf32, #tpu.memory_space<vmem>>) dst(%dma_wait3A_93 : memref<176x128xf32, #tpu.memory_space<vmem_shared>>)
      tpu.yield
    }) : () -> ()
    %add3A_52 = arith.constant 32 : i32
    %add3A_53 = arith.addi %add3A_52, %add3A : i32
    "tpu.region"() ({
      %run_scoped3A = tpu.sem_alloc : memref<!tpu.dma_semaphore, #tpu.memory_space<semaphore_mem>>
      %dma_start3A = arith.constant 0 : i32
      %dma_start3A_88 = arith.constant 0 : i32
      %dma_start3A_89 = tpu.memref_slice %arg3[%add3A_53, %dma_start3A, %dma_start3A_88] : memref<64x80x125xi32, #tpu.memory_space<hbm>> -> memref<1x80x125xi32, #tpu.memory_space<hbm>>
      %dma_start3A_90 = tpu.memref_squeeze %dma_start3A_89 : memref<1x80x125xi32, #tpu.memory_space<hbm>> -> memref<80x125xi32, #tpu.memory_space<hbm>>
      %dma_start3A_91 = arith.constant 0 : i32
      %dma_start3A_92 = arith.constant 0 : i32
      %dma_start3A_93 = tpu.memref_slice %arg3[%add3A_53, %dma_start3A_91, %dma_start3A_92] : memref<64x80x125xi32, #tpu.memory_space<hbm>> -> memref<1x80x125xi32, #tpu.memory_space<hbm>>
      %dma_start3A_94 = tpu.memref_squeeze %dma_start3A_93 : memref<1x80x125xi32, #tpu.memory_space<hbm>> -> memref<80x125xi32, #tpu.memory_space<hbm>>
      tpu.enqueue_dma source(%dma_start3A_94 : memref<80x125xi32, #tpu.memory_space<hbm>>) target(%arg6 : memref<80x125xi32, #tpu.memory_space<vmem>>) target_semaphore(%run_scoped3A : memref<!tpu.dma_semaphore, #tpu.memory_space<semaphore_mem>>)
      %dma_wait3A = arith.constant 0 : i32
      %dma_wait3A_95 = arith.constant 0 : i32
      %dma_wait3A_96 = tpu.memref_slice %arg3[%add3A_53, %dma_wait3A, %dma_wait3A_95] : memref<64x80x125xi32, #tpu.memory_space<hbm>> -> memref<1x80x125xi32, #tpu.memory_space<hbm>>
      %dma_wait3A_97 = tpu.memref_squeeze %dma_wait3A_96 : memref<1x80x125xi32, #tpu.memory_space<hbm>> -> memref<80x125xi32, #tpu.memory_space<hbm>>
      %dma_wait3A_98 = arith.constant 0 : i32
      %dma_wait3A_99 = arith.constant 0 : i32
      %dma_wait3A_100 = tpu.memref_slice %arg3[%add3A_53, %dma_wait3A_98, %dma_wait3A_99] : memref<64x80x125xi32, #tpu.memory_space<hbm>> -> memref<1x80x125xi32, #tpu.memory_space<hbm>>
      %dma_wait3A_101 = tpu.memref_squeeze %dma_wait3A_100 : memref<1x80x125xi32, #tpu.memory_space<hbm>> -> memref<80x125xi32, #tpu.memory_space<hbm>>
      tpu.wait_dma2 semaphore(%run_scoped3A : memref<!tpu.dma_semaphore, #tpu.memory_space<semaphore_mem>>) src(%dma_wait3A_101 : memref<80x125xi32, #tpu.memory_space<hbm>>) dst(%arg6 : memref<80x125xi32, #tpu.memory_space<vmem>>)
      tpu.yield
    }) : () -> ()
    %barrier3A_54 = arith.constant 0 : index
    tpu.barrier barrier_id(%barrier3A_54)
    %scan3A_55 = arith.constant 0 : i32
    %scan3A_56 = arith.constant 0 : i32
    %scan3A_57 = arith.constant 80 : i32
    %scan3A_58 = arith.addi %scan3A_56, %scan3A_57 : i32
    %scan3A_59 = arith.constant 1 : i32
    scf.for %scan3A_88 = %scan3A_56 to %scan3A_58 step %scan3A_59  : i32 {
      "tpu.region"() ({
        %run_scoped3A = tpu.sem_alloc : memref<!tpu.dma_semaphore, #tpu.memory_space<semaphore_mem>>
        %dma_start3A = arith.constant 0 : i32
        %dma_start3A_89 = tpu.memref_slice %arg6[%scan3A_88, %dma_start3A] : memref<80x125xi32, #tpu.memory_space<vmem>> -> memref<1x125xi32, #tpu.memory_space<vmem>>
        %dma_start3A_90 = tpu.memref_squeeze %dma_start3A_89 : memref<1x125xi32, #tpu.memory_space<vmem>> -> memref<125xi32, #tpu.memory_space<vmem>>
        %dma_start3A_91 = arith.constant 0 : i32
        %dma_start3A_92 = arith.constant 0 : i32
        %dma_start3A_93 = tpu.memref_slice %arg9[%dma_start3A_91, %dma_start3A_92] : memref<5632x128xf32, #tpu.memory_space<vmem_shared>> -> memref<5632x128xf32, #tpu.memory_space<vmem_shared>>
        tpu.enqueue_indirect_dma source(%arg7 : memref<125x128xf32, #tpu.memory_space<vmem>>) target(%dma_start3A_93 : memref<5632x128xf32, #tpu.memory_space<vmem_shared>>) offsets(%dma_start3A_90 : memref<125xi32, #tpu.memory_space<vmem>>) semaphore(%run_scoped3A : memref<!tpu.dma_semaphore, #tpu.memory_space<semaphore_mem>>) {add = true}
        %dma_wait3A = arith.constant 0 : i32
        %dma_wait3A_94 = tpu.memref_slice %arg6[%scan3A_88, %dma_wait3A] : memref<80x125xi32, #tpu.memory_space<vmem>> -> memref<1x125xi32, #tpu.memory_space<vmem>>
        %dma_wait3A_95 = tpu.memref_squeeze %dma_wait3A_94 : memref<1x125xi32, #tpu.memory_space<vmem>> -> memref<125xi32, #tpu.memory_space<vmem>>
        %dma_wait3A_96 = arith.constant 0 : i32
        %dma_wait3A_97 = arith.constant 0 : i32
        %dma_wait3A_98 = tpu.memref_slice %arg9[%dma_wait3A_96, %dma_wait3A_97] : memref<5632x128xf32, #tpu.memory_space<vmem_shared>> -> memref<5632x128xf32, #tpu.memory_space<vmem_shared>>
        tpu.wait_indirect_dma semaphore(%run_scoped3A : memref<!tpu.dma_semaphore, #tpu.memory_space<semaphore_mem>>) src(%arg7 : memref<125x128xf32, #tpu.memory_space<vmem>>) dst(%dma_wait3A_98 : memref<5632x128xf32, #tpu.memory_space<vmem_shared>>)
        tpu.yield
      }) : () -> ()
    }
    %scan3A_60 = arith.constant 80 : i32
    %barrier3A_61 = arith.constant 0 : index
    tpu.barrier barrier_id(%barrier3A_61)
    %mul3A_62 = arith.constant 320 : i32
    %mul3A_63 = arith.muli %arg1, %mul3A_62 : i32
    %add3A_64 = arith.constant 0 : i32
    %add3A_65 = arith.addi %mul3A_63, %add3A_64 : i32
    "tpu.region"() ({
      %run_scoped3A = tpu.sem_alloc : memref<!tpu.dma_semaphore, #tpu.memory_space<semaphore_mem>>
      %dma_start3A = arith.constant 0 : i32
      %dma_start3A_88 = arith.constant 0 : i32
      %dma_start3A_89 = tpu.memref_slice %arg8[%dma_start3A, %dma_start3A_88] : memref<176x128xf32, #tpu.memory_space<vmem>> -> memref<160x128xf32, #tpu.memory_space<vmem>>
      %dma_start3A_90 = arith.constant 0 : i32
      %dma_start3A_91 = tpu.memref_slice %arg9[%add3A_65, %dma_start3A_90] : memref<5632x128xf32, #tpu.memory_space<vmem_shared>> -> memref<160x128xf32, #tpu.memory_space<vmem_shared>>
      %dma_start3A_92 = arith.constant 0 : i32
      %dma_start3A_93 = arith.constant 0 : i32
      %dma_start3A_94 = tpu.memref_slice %arg8[%dma_start3A_92, %dma_start3A_93] : memref<176x128xf32, #tpu.memory_space<vmem>> -> memref<160x128xf32, #tpu.memory_space<vmem>>
      %dma_start3A_95 = arith.constant 0 : i32
      %dma_start3A_96 = tpu.memref_slice %arg9[%add3A_65, %dma_start3A_95] : memref<5632x128xf32, #tpu.memory_space<vmem_shared>> -> memref<160x128xf32, #tpu.memory_space<vmem_shared>>
      tpu.enqueue_dma source(%dma_start3A_96 : memref<160x128xf32, #tpu.memory_space<vmem_shared>>) target(%dma_start3A_94 : memref<160x128xf32, #tpu.memory_space<vmem>>) target_semaphore(%run_scoped3A : memref<!tpu.dma_semaphore, #tpu.memory_space<semaphore_mem>>)
      %dma_wait3A = arith.constant 0 : i32
      %dma_wait3A_97 = arith.constant 0 : i32
      %dma_wait3A_98 = tpu.memref_slice %arg8[%dma_wait3A, %dma_wait3A_97] : memref<176x128xf32, #tpu.memory_space<vmem>> -> memref<160x128xf32, #tpu.memory_space<vmem>>
      %dma_wait3A_99 = arith.constant 0 : i32
      %dma_wait3A_100 = tpu.memref_slice %arg9[%add3A_65, %dma_wait3A_99] : memref<5632x128xf32, #tpu.memory_space<vmem_shared>> -> memref<160x128xf32, #tpu.memory_space<vmem_shared>>
      %dma_wait3A_101 = arith.constant 0 : i32
      %dma_wait3A_102 = arith.constant 0 : i32
      %dma_wait3A_103 = tpu.memref_slice %arg8[%dma_wait3A_101, %dma_wait3A_102] : memref<176x128xf32, #tpu.memory_space<vmem>> -> memref<160x128xf32, #tpu.memory_space<vmem>>
      %dma_wait3A_104 = arith.constant 0 : i32
      %dma_wait3A_105 = tpu.memref_slice %arg9[%add3A_65, %dma_wait3A_104] : memref<5632x128xf32, #tpu.memory_space<vmem_shared>> -> memref<160x128xf32, #tpu.memory_space<vmem_shared>>
      tpu.wait_dma2 semaphore(%run_scoped3A : memref<!tpu.dma_semaphore, #tpu.memory_space<semaphore_mem>>) src(%dma_wait3A_105 : memref<160x128xf32, #tpu.memory_space<vmem_shared>>) dst(%dma_wait3A_103 : memref<160x128xf32, #tpu.memory_space<vmem>>)
      tpu.yield
    }) : () -> ()
    %mul3A_66 = arith.constant 10240 : i32
    %mul3A_67 = arith.muli %arg0, %mul3A_66 : i32
    %add3A_68 = arith.constant 5120 : i32
    %add3A_69 = arith.addi %mul3A_67, %add3A_68 : i32
    %mul3A_70 = arith.constant 320 : i32
    %mul3A_71 = arith.muli %arg1, %mul3A_70 : i32
    %add3A_72 = arith.addi %add3A_69, %mul3A_71 : i32
    %add3A_73 = arith.constant 0 : i32
    %add3A_74 = arith.addi %add3A_72, %add3A_73 : i32
    "tpu.region"() ({
      %run_scoped3A = tpu.sem_alloc : memref<!tpu.dma_semaphore, #tpu.memory_space<semaphore_mem>>
      %dma_start3A = arith.constant 0 : i32
      %dma_start3A_88 = arith.constant 0 : i32
      %dma_start3A_89 = tpu.memref_slice %arg8[%dma_start3A, %dma_start3A_88] : memref<176x128xf32, #tpu.memory_space<vmem>> -> memref<160x128xf32, #tpu.memory_space<vmem>>
      %dma_start3A_90 = arith.constant 0 : i32
      %dma_start3A_91 = tpu.memref_slice %arg5[%add3A_74, %dma_start3A_90] : memref<20480x128xf32, #tpu.memory_space<hbm>> -> memref<160x128xf32, #tpu.memory_space<hbm>>
      %dma_start3A_92 = arith.constant 0 : i32
      %dma_start3A_93 = tpu.memref_slice %arg5[%add3A_74, %dma_start3A_92] : memref<20480x128xf32, #tpu.memory_space<hbm>> -> memref<160x128xf32, #tpu.memory_space<hbm>>
      %dma_start3A_94 = arith.constant 0 : i32
      %dma_start3A_95 = arith.constant 0 : i32
      %dma_start3A_96 = tpu.memref_slice %arg8[%dma_start3A_94, %dma_start3A_95] : memref<176x128xf32, #tpu.memory_space<vmem>> -> memref<160x128xf32, #tpu.memory_space<vmem>>
      tpu.enqueue_dma source(%dma_start3A_96 : memref<160x128xf32, #tpu.memory_space<vmem>>) target(%dma_start3A_93 : memref<160x128xf32, #tpu.memory_space<hbm>>) target_semaphore(%run_scoped3A : memref<!tpu.dma_semaphore, #tpu.memory_space<semaphore_mem>>)
      %dma_wait3A = arith.constant 0 : i32
      %dma_wait3A_97 = arith.constant 0 : i32
      %dma_wait3A_98 = tpu.memref_slice %arg8[%dma_wait3A, %dma_wait3A_97] : memref<176x128xf32, #tpu.memory_space<vmem>> -> memref<160x128xf32, #tpu.memory_space<vmem>>
      %dma_wait3A_99 = arith.constant 0 : i32
      %dma_wait3A_100 = tpu.memref_slice %arg5[%add3A_74, %dma_wait3A_99] : memref<20480x128xf32, #tpu.memory_space<hbm>> -> memref<160x128xf32, #tpu.memory_space<hbm>>
      %dma_wait3A_101 = arith.constant 0 : i32
      %dma_wait3A_102 = tpu.memref_slice %arg5[%add3A_74, %dma_wait3A_101] : memref<20480x128xf32, #tpu.memory_space<hbm>> -> memref<160x128xf32, #tpu.memory_space<hbm>>
      %dma_wait3A_103 = arith.constant 0 : i32
      %dma_wait3A_104 = arith.constant 0 : i32
      %dma_wait3A_105 = tpu.memref_slice %arg8[%dma_wait3A_103, %dma_wait3A_104] : memref<176x128xf32, #tpu.memory_space<vmem>> -> memref<160x128xf32, #tpu.memory_space<vmem>>
      tpu.wait_dma2 semaphore(%run_scoped3A : memref<!tpu.dma_semaphore, #tpu.memory_space<semaphore_mem>>) src(%dma_wait3A_105 : memref<160x128xf32, #tpu.memory_space<vmem>>) dst(%dma_wait3A_102 : memref<160x128xf32, #tpu.memory_space<hbm>>)
      tpu.yield
    }) : () -> ()
    %mul3A_75 = arith.constant 320 : i32
    %mul3A_76 = arith.muli %arg1, %mul3A_75 : i32
    %add3A_77 = arith.constant 160 : i32
    %add3A_78 = arith.addi %mul3A_76, %add3A_77 : i32
    "tpu.region"() ({
      %run_scoped3A = tpu.sem_alloc : memref<!tpu.dma_semaphore, #tpu.memory_space<semaphore_mem>>
      %dma_start3A = arith.constant 0 : i32
      %dma_start3A_88 = arith.constant 0 : i32
      %dma_start3A_89 = tpu.memref_slice %arg8[%dma_start3A, %dma_start3A_88] : memref<176x128xf32, #tpu.memory_space<vmem>> -> memref<160x128xf32, #tpu.memory_space<vmem>>
      %dma_start3A_90 = arith.constant 0 : i32
      %dma_start3A_91 = tpu.memref_slice %arg9[%add3A_78, %dma_start3A_90] : memref<5632x128xf32, #tpu.memory_space<vmem_shared>> -> memref<160x128xf32, #tpu.memory_space<vmem_shared>>
      %dma_start3A_92 = arith.constant 0 : i32
      %dma_start3A_93 = arith.constant 0 : i32
      %dma_start3A_94 = tpu.memref_slice %arg8[%dma_start3A_92, %dma_start3A_93] : memref<176x128xf32, #tpu.memory_space<vmem>> -> memref<160x128xf32, #tpu.memory_space<vmem>>
      %dma_start3A_95 = arith.constant 0 : i32
      %dma_start3A_96 = tpu.memref_slice %arg9[%add3A_78, %dma_start3A_95] : memref<5632x128xf32, #tpu.memory_space<vmem_shared>> -> memref<160x128xf32, #tpu.memory_space<vmem_shared>>
      tpu.enqueue_dma source(%dma_start3A_96 : memref<160x128xf32, #tpu.memory_space<vmem_shared>>) target(%dma_start3A_94 : memref<160x128xf32, #tpu.memory_space<vmem>>) target_semaphore(%run_scoped3A : memref<!tpu.dma_semaphore, #tpu.memory_space<semaphore_mem>>)
      %dma_wait3A = arith.constant 0 : i32
      %dma_wait3A_97 = arith.constant 0 : i32
      %dma_wait3A_98 = tpu.memref_slice %arg8[%dma_wait3A, %dma_wait3A_97] : memref<176x128xf32, #tpu.memory_space<vmem>> -> memref<160x128xf32, #tpu.memory_space<vmem>>
      %dma_wait3A_99 = arith.constant 0 : i32
      %dma_wait3A_100 = tpu.memref_slice %arg9[%add3A_78, %dma_wait3A_99] : memref<5632x128xf32, #tpu.memory_space<vmem_shared>> -> memref<160x128xf32, #tpu.memory_space<vmem_shared>>
      %dma_wait3A_101 = arith.constant 0 : i32
      %dma_wait3A_102 = arith.constant 0 : i32
      %dma_wait3A_103 = tpu.memref_slice %arg8[%dma_wait3A_101, %dma_wait3A_102] : memref<176x128xf32, #tpu.memory_space<vmem>> -> memref<160x128xf32, #tpu.memory_space<vmem>>
      %dma_wait3A_104 = arith.constant 0 : i32
      %dma_wait3A_105 = tpu.memref_slice %arg9[%add3A_78, %dma_wait3A_104] : memref<5632x128xf32, #tpu.memory_space<vmem_shared>> -> memref<160x128xf32, #tpu.memory_space<vmem_shared>>
      tpu.wait_dma2 semaphore(%run_scoped3A : memref<!tpu.dma_semaphore, #tpu.memory_space<semaphore_mem>>) src(%dma_wait3A_105 : memref<160x128xf32, #tpu.memory_space<vmem_shared>>) dst(%dma_wait3A_103 : memref<160x128xf32, #tpu.memory_space<vmem>>)
      tpu.yield
    }) : () -> ()
    %mul3A_79 = arith.constant 10240 : i32
    %mul3A_80 = arith.muli %arg0, %mul3A_79 : i32
    %add3A_81 = arith.constant 5120 : i32
    %add3A_82 = arith.addi %mul3A_80, %add3A_81 : i32
    %mul3A_83 = arith.constant 320 : i32
    %mul3A_84 = arith.muli %arg1, %mul3A_83 : i32
    %add3A_85 = arith.addi %add3A_82, %mul3A_84 : i32
    %add3A_86 = arith.constant 160 : i32
    %add3A_87 = arith.addi %add3A_85, %add3A_86 : i32
    "tpu.region"() ({
      %run_scoped3A = tpu.sem_alloc : memref<!tpu.dma_semaphore, #tpu.memory_space<semaphore_mem>>
      %dma_start3A = arith.constant 0 : i32
      %dma_start3A_88 = arith.constant 0 : i32
      %dma_start3A_89 = tpu.memref_slice %arg8[%dma_start3A, %dma_start3A_88] : memref<176x128xf32, #tpu.memory_space<vmem>> -> memref<160x128xf32, #tpu.memory_space<vmem>>
      %dma_start3A_90 = arith.constant 0 : i32
      %dma_start3A_91 = tpu.memref_slice %arg5[%add3A_87, %dma_start3A_90] : memref<20480x128xf32, #tpu.memory_space<hbm>> -> memref<160x128xf32, #tpu.memory_space<hbm>>
      %dma_start3A_92 = arith.constant 0 : i32
      %dma_start3A_93 = tpu.memref_slice %arg5[%add3A_87, %dma_start3A_92] : memref<20480x128xf32, #tpu.memory_space<hbm>> -> memref<160x128xf32, #tpu.memory_space<hbm>>
      %dma_start3A_94 = arith.constant 0 : i32
      %dma_start3A_95 = arith.constant 0 : i32
      %dma_start3A_96 = tpu.memref_slice %arg8[%dma_start3A_94, %dma_start3A_95] : memref<176x128xf32, #tpu.memory_space<vmem>> -> memref<160x128xf32, #tpu.memory_space<vmem>>
      tpu.enqueue_dma source(%dma_start3A_96 : memref<160x128xf32, #tpu.memory_space<vmem>>) target(%dma_start3A_93 : memref<160x128xf32, #tpu.memory_space<hbm>>) target_semaphore(%run_scoped3A : memref<!tpu.dma_semaphore, #tpu.memory_space<semaphore_mem>>)
      %dma_wait3A = arith.constant 0 : i32
      %dma_wait3A_97 = arith.constant 0 : i32
      %dma_wait3A_98 = tpu.memref_slice %arg8[%dma_wait3A, %dma_wait3A_97] : memref<176x128xf32, #tpu.memory_space<vmem>> -> memref<160x128xf32, #tpu.memory_space<vmem>>
      %dma_wait3A_99 = arith.constant 0 : i32
      %dma_wait3A_100 = tpu.memref_slice %arg5[%add3A_87, %dma_wait3A_99] : memref<20480x128xf32, #tpu.memory_space<hbm>> -> memref<160x128xf32, #tpu.memory_space<hbm>>
      %dma_wait3A_101 = arith.constant 0 : i32
      %dma_wait3A_102 = tpu.memref_slice %arg5[%add3A_87, %dma_wait3A_101] : memref<20480x128xf32, #tpu.memory_space<hbm>> -> memref<160x128xf32, #tpu.memory_space<hbm>>
      %dma_wait3A_103 = arith.constant 0 : i32
      %dma_wait3A_104 = arith.constant 0 : i32
      %dma_wait3A_105 = tpu.memref_slice %arg8[%dma_wait3A_103, %dma_wait3A_104] : memref<176x128xf32, #tpu.memory_space<vmem>> -> memref<160x128xf32, #tpu.memory_space<vmem>>
      tpu.wait_dma2 semaphore(%run_scoped3A : memref<!tpu.dma_semaphore, #tpu.memory_space<semaphore_mem>>) src(%dma_wait3A_105 : memref<160x128xf32, #tpu.memory_space<vmem>>) dst(%dma_wait3A_102 : memref<160x128xf32, #tpu.memory_space<hbm>>)
      tpu.yield
    }) : () -> ()
    return
  }
}

#map = affine_map<(d0, d1) -> (0, 0)>
#map1 = affine_map<(d0, d1) -> (0, 0, 0)>
module attributes {stable_mosaic.version = 14 : i64} {
  func.func @_prop1(%arg0: i32, %arg1: i32, %arg2: memref<10000x128xf32, #tpu.memory_space<hbm>>, %arg3: memref<32x80x125xi32, #tpu.memory_space<hbm>>, %arg4: memref<64x80x125xi32, #tpu.memory_space<hbm>>, %arg5: memref<176x128xf32, #tpu.memory_space<hbm>>, %arg6: memref<20480x128xf32, #tpu.memory_space<hbm>>, %arg7: memref<80x125xi32, #tpu.memory_space<vmem>>, %arg8: memref<80x125xi32, #tpu.memory_space<vmem>>, %arg9: memref<2x125x128xf32, #tpu.memory_space<vmem>>, %arg10: memref<176x128xf32, #tpu.memory_space<vmem>>, %arg11: memref<5632x128xf32, #tpu.memory_space<vmem_shared>>, %arg12: memref<!tpu.dma_semaphore, #tpu.memory_space<semaphore_mem>>) attributes {dimension_semantics = [#tpu.dimension_semantics<core_parallel>, #tpu.dimension_semantics<subcore_parallel>], iteration_bounds = array<i64: 2, 16>, scalar_prefetch = 0 : i64, scratch_operands = 6 : i64, tpu.core_type = #tpu.core_type<sc_vector_subcore>, window_params = [{transform_indices = #map}, {transform_indices = #map1}, {transform_indices = #map1}, {transform_indices = #map}, {transform_indices = #map}]} {
    %mul3A = arith.constant 16 : i32
    %mul3A_0 = arith.muli %arg0, %mul3A : i32
    %add3A = arith.addi %mul3A_0, %arg1 : i32
    "tpu.region"() ({
      %run_scoped3A = tpu.sem_alloc : memref<!tpu.dma_semaphore, #tpu.memory_space<semaphore_mem>>
      %dma_start3A_111 = arith.constant 0 : i32
      %dma_start3A_112 = arith.constant 0 : i32
      %dma_start3A_113 = tpu.memref_slice %arg3[%add3A, %dma_start3A_111, %dma_start3A_112] : memref<32x80x125xi32, #tpu.memory_space<hbm>> -> memref<1x80x125xi32, #tpu.memory_space<hbm>>
      %dma_start3A_114 = tpu.memref_squeeze %dma_start3A_113 : memref<1x80x125xi32, #tpu.memory_space<hbm>> -> memref<80x125xi32, #tpu.memory_space<hbm>>
      %dma_start3A_115 = arith.constant 0 : i32
      %dma_start3A_116 = arith.constant 0 : i32
      %dma_start3A_117 = tpu.memref_slice %arg3[%add3A, %dma_start3A_115, %dma_start3A_116] : memref<32x80x125xi32, #tpu.memory_space<hbm>> -> memref<1x80x125xi32, #tpu.memory_space<hbm>>
      %dma_start3A_118 = tpu.memref_squeeze %dma_start3A_117 : memref<1x80x125xi32, #tpu.memory_space<hbm>> -> memref<80x125xi32, #tpu.memory_space<hbm>>
      tpu.enqueue_dma source(%dma_start3A_118 : memref<80x125xi32, #tpu.memory_space<hbm>>) target(%arg7 : memref<80x125xi32, #tpu.memory_space<vmem>>) target_semaphore(%run_scoped3A : memref<!tpu.dma_semaphore, #tpu.memory_space<semaphore_mem>>)
      %dma_wait3A = arith.constant 0 : i32
      %dma_wait3A_119 = arith.constant 0 : i32
      %dma_wait3A_120 = tpu.memref_slice %arg3[%add3A, %dma_wait3A, %dma_wait3A_119] : memref<32x80x125xi32, #tpu.memory_space<hbm>> -> memref<1x80x125xi32, #tpu.memory_space<hbm>>
      %dma_wait3A_121 = tpu.memref_squeeze %dma_wait3A_120 : memref<1x80x125xi32, #tpu.memory_space<hbm>> -> memref<80x125xi32, #tpu.memory_space<hbm>>
      %dma_wait3A_122 = arith.constant 0 : i32
      %dma_wait3A_123 = arith.constant 0 : i32
      %dma_wait3A_124 = tpu.memref_slice %arg3[%add3A, %dma_wait3A_122, %dma_wait3A_123] : memref<32x80x125xi32, #tpu.memory_space<hbm>> -> memref<1x80x125xi32, #tpu.memory_space<hbm>>
      %dma_wait3A_125 = tpu.memref_squeeze %dma_wait3A_124 : memref<1x80x125xi32, #tpu.memory_space<hbm>> -> memref<80x125xi32, #tpu.memory_space<hbm>>
      tpu.wait_dma2 semaphore(%run_scoped3A : memref<!tpu.dma_semaphore, #tpu.memory_space<semaphore_mem>>) src(%dma_wait3A_125 : memref<80x125xi32, #tpu.memory_space<hbm>>) dst(%arg7 : memref<80x125xi32, #tpu.memory_space<vmem>>)
      tpu.yield
    }) : () -> ()
    "tpu.region"() ({
      %run_scoped3A = tpu.sem_alloc : memref<!tpu.dma_semaphore, #tpu.memory_space<semaphore_mem>>
      tpu.enqueue_dma source(%arg5 : memref<176x128xf32, #tpu.memory_space<hbm>>) target(%arg10 : memref<176x128xf32, #tpu.memory_space<vmem>>) target_semaphore(%run_scoped3A : memref<!tpu.dma_semaphore, #tpu.memory_space<semaphore_mem>>)
      tpu.wait_dma2 semaphore(%run_scoped3A : memref<!tpu.dma_semaphore, #tpu.memory_space<semaphore_mem>>) src(%arg5 : memref<176x128xf32, #tpu.memory_space<hbm>>) dst(%arg10 : memref<176x128xf32, #tpu.memory_space<vmem>>)
      tpu.yield
    }) : () -> ()
    %mul3A_1 = arith.constant 352 : i32
    %mul3A_2 = arith.muli %arg1, %mul3A_1 : i32
    %add3A_3 = arith.constant 0 : i32
    %add3A_4 = arith.addi %mul3A_2, %add3A_3 : i32
    "tpu.region"() ({
      %run_scoped3A = tpu.sem_alloc : memref<!tpu.dma_semaphore, #tpu.memory_space<semaphore_mem>>
      %dma_start3A_111 = arith.constant 0 : i32
      %dma_start3A_112 = tpu.memref_slice %arg11[%add3A_4, %dma_start3A_111] : memref<5632x128xf32, #tpu.memory_space<vmem_shared>> -> memref<176x128xf32, #tpu.memory_space<vmem_shared>>
      %dma_start3A_113 = arith.constant 0 : i32
      %dma_start3A_114 = tpu.memref_slice %arg11[%add3A_4, %dma_start3A_113] : memref<5632x128xf32, #tpu.memory_space<vmem_shared>> -> memref<176x128xf32, #tpu.memory_space<vmem_shared>>
      tpu.enqueue_dma source(%arg10 : memref<176x128xf32, #tpu.memory_space<vmem>>) target(%dma_start3A_114 : memref<176x128xf32, #tpu.memory_space<vmem_shared>>) target_semaphore(%run_scoped3A : memref<!tpu.dma_semaphore, #tpu.memory_space<semaphore_mem>>)
      %dma_wait3A = arith.constant 0 : i32
      %dma_wait3A_115 = tpu.memref_slice %arg11[%add3A_4, %dma_wait3A] : memref<5632x128xf32, #tpu.memory_space<vmem_shared>> -> memref<176x128xf32, #tpu.memory_space<vmem_shared>>
      %dma_wait3A_116 = arith.constant 0 : i32
      %dma_wait3A_117 = tpu.memref_slice %arg11[%add3A_4, %dma_wait3A_116] : memref<5632x128xf32, #tpu.memory_space<vmem_shared>> -> memref<176x128xf32, #tpu.memory_space<vmem_shared>>
      tpu.wait_dma2 semaphore(%run_scoped3A : memref<!tpu.dma_semaphore, #tpu.memory_space<semaphore_mem>>) src(%arg10 : memref<176x128xf32, #tpu.memory_space<vmem>>) dst(%dma_wait3A_117 : memref<176x128xf32, #tpu.memory_space<vmem_shared>>)
      tpu.yield
    }) : () -> ()
    %mul3A_5 = arith.constant 352 : i32
    %mul3A_6 = arith.muli %arg1, %mul3A_5 : i32
    %add3A_7 = arith.constant 176 : i32
    %add3A_8 = arith.addi %mul3A_6, %add3A_7 : i32
    "tpu.region"() ({
      %run_scoped3A = tpu.sem_alloc : memref<!tpu.dma_semaphore, #tpu.memory_space<semaphore_mem>>
      %dma_start3A_111 = arith.constant 0 : i32
      %dma_start3A_112 = tpu.memref_slice %arg11[%add3A_8, %dma_start3A_111] : memref<5632x128xf32, #tpu.memory_space<vmem_shared>> -> memref<176x128xf32, #tpu.memory_space<vmem_shared>>
      %dma_start3A_113 = arith.constant 0 : i32
      %dma_start3A_114 = tpu.memref_slice %arg11[%add3A_8, %dma_start3A_113] : memref<5632x128xf32, #tpu.memory_space<vmem_shared>> -> memref<176x128xf32, #tpu.memory_space<vmem_shared>>
      tpu.enqueue_dma source(%arg10 : memref<176x128xf32, #tpu.memory_space<vmem>>) target(%dma_start3A_114 : memref<176x128xf32, #tpu.memory_space<vmem_shared>>) target_semaphore(%run_scoped3A : memref<!tpu.dma_semaphore, #tpu.memory_space<semaphore_mem>>)
      %dma_wait3A = arith.constant 0 : i32
      %dma_wait3A_115 = tpu.memref_slice %arg11[%add3A_8, %dma_wait3A] : memref<5632x128xf32, #tpu.memory_space<vmem_shared>> -> memref<176x128xf32, #tpu.memory_space<vmem_shared>>
      %dma_wait3A_116 = arith.constant 0 : i32
      %dma_wait3A_117 = tpu.memref_slice %arg11[%add3A_8, %dma_wait3A_116] : memref<5632x128xf32, #tpu.memory_space<vmem_shared>> -> memref<176x128xf32, #tpu.memory_space<vmem_shared>>
      tpu.wait_dma2 semaphore(%run_scoped3A : memref<!tpu.dma_semaphore, #tpu.memory_space<semaphore_mem>>) src(%arg10 : memref<176x128xf32, #tpu.memory_space<vmem>>) dst(%dma_wait3A_117 : memref<176x128xf32, #tpu.memory_space<vmem_shared>>)
      tpu.yield
    }) : () -> ()
    %add3A_9 = arith.constant 0 : i32
    %add3A_10 = arith.addi %add3A_9, %add3A : i32
    "tpu.region"() ({
      %run_scoped3A = tpu.sem_alloc : memref<!tpu.dma_semaphore, #tpu.memory_space<semaphore_mem>>
      %dma_start3A_111 = arith.constant 0 : i32
      %dma_start3A_112 = arith.constant 0 : i32
      %dma_start3A_113 = tpu.memref_slice %arg4[%add3A_10, %dma_start3A_111, %dma_start3A_112] : memref<64x80x125xi32, #tpu.memory_space<hbm>> -> memref<1x80x125xi32, #tpu.memory_space<hbm>>
      %dma_start3A_114 = tpu.memref_squeeze %dma_start3A_113 : memref<1x80x125xi32, #tpu.memory_space<hbm>> -> memref<80x125xi32, #tpu.memory_space<hbm>>
      %dma_start3A_115 = arith.constant 0 : i32
      %dma_start3A_116 = arith.constant 0 : i32
      %dma_start3A_117 = tpu.memref_slice %arg4[%add3A_10, %dma_start3A_115, %dma_start3A_116] : memref<64x80x125xi32, #tpu.memory_space<hbm>> -> memref<1x80x125xi32, #tpu.memory_space<hbm>>
      %dma_start3A_118 = tpu.memref_squeeze %dma_start3A_117 : memref<1x80x125xi32, #tpu.memory_space<hbm>> -> memref<80x125xi32, #tpu.memory_space<hbm>>
      tpu.enqueue_dma source(%dma_start3A_118 : memref<80x125xi32, #tpu.memory_space<hbm>>) target(%arg8 : memref<80x125xi32, #tpu.memory_space<vmem>>) target_semaphore(%run_scoped3A : memref<!tpu.dma_semaphore, #tpu.memory_space<semaphore_mem>>)
      %dma_wait3A = arith.constant 0 : i32
      %dma_wait3A_119 = arith.constant 0 : i32
      %dma_wait3A_120 = tpu.memref_slice %arg4[%add3A_10, %dma_wait3A, %dma_wait3A_119] : memref<64x80x125xi32, #tpu.memory_space<hbm>> -> memref<1x80x125xi32, #tpu.memory_space<hbm>>
      %dma_wait3A_121 = tpu.memref_squeeze %dma_wait3A_120 : memref<1x80x125xi32, #tpu.memory_space<hbm>> -> memref<80x125xi32, #tpu.memory_space<hbm>>
      %dma_wait3A_122 = arith.constant 0 : i32
      %dma_wait3A_123 = arith.constant 0 : i32
      %dma_wait3A_124 = tpu.memref_slice %arg4[%add3A_10, %dma_wait3A_122, %dma_wait3A_123] : memref<64x80x125xi32, #tpu.memory_space<hbm>> -> memref<1x80x125xi32, #tpu.memory_space<hbm>>
      %dma_wait3A_125 = tpu.memref_squeeze %dma_wait3A_124 : memref<1x80x125xi32, #tpu.memory_space<hbm>> -> memref<80x125xi32, #tpu.memory_space<hbm>>
      tpu.wait_dma2 semaphore(%run_scoped3A : memref<!tpu.dma_semaphore, #tpu.memory_space<semaphore_mem>>) src(%dma_wait3A_125 : memref<80x125xi32, #tpu.memory_space<hbm>>) dst(%arg8 : memref<80x125xi32, #tpu.memory_space<vmem>>)
      tpu.yield
    }) : () -> ()
    %barrier3A = arith.constant 0 : index
    tpu.barrier barrier_id(%barrier3A)
    %dma_start3A = arith.constant 0 : i32
    %dma_start3A_11 = arith.constant 0 : i32
    %dma_start3A_12 = arith.constant 0 : i32
    %dma_start3A_13 = arith.constant 0 : i32
    %dma_start3A_14 = tpu.memref_slice %arg9[%dma_start3A_11, %dma_start3A_12, %dma_start3A_13] : memref<2x125x128xf32, #tpu.memory_space<vmem>> -> memref<1x125x128xf32, #tpu.memory_space<vmem>>
    %dma_start3A_15 = tpu.memref_squeeze %dma_start3A_14 : memref<1x125x128xf32, #tpu.memory_space<vmem>> -> memref<125x128xf32, #tpu.memory_space<vmem>>
    %dma_start3A_16 = arith.constant 0 : i32
    %dma_start3A_17 = tpu.memref_slice %arg7[%dma_start3A, %dma_start3A_16] : memref<80x125xi32, #tpu.memory_space<vmem>> -> memref<1x125xi32, #tpu.memory_space<vmem>>
    %dma_start3A_18 = tpu.memref_squeeze %dma_start3A_17 : memref<1x125xi32, #tpu.memory_space<vmem>> -> memref<125xi32, #tpu.memory_space<vmem>>
    %dma_start3A_19 = arith.constant 0 : i32
    %dma_start3A_20 = arith.constant 0 : i32
    %dma_start3A_21 = tpu.memref_slice %arg2[%dma_start3A_19, %dma_start3A_20] : memref<10000x128xf32, #tpu.memory_space<hbm>> -> memref<10000x128xf32, #tpu.memory_space<hbm>>
    tpu.enqueue_indirect_dma source(%dma_start3A_21 : memref<10000x128xf32, #tpu.memory_space<hbm>>) target(%dma_start3A_15 : memref<125x128xf32, #tpu.memory_space<vmem>>) offsets(%dma_start3A_18 : memref<125xi32, #tpu.memory_space<vmem>>) semaphore(%arg12 : memref<!tpu.dma_semaphore, #tpu.memory_space<semaphore_mem>>)
    %scan3A = arith.constant 0 : i32
    %scan3A_22 = arith.constant 0 : i32
    %scan3A_23 = arith.constant 80 : i32
    %scan3A_24 = arith.addi %scan3A_22, %scan3A_23 : i32
    %scan3A_25 = arith.constant 1 : i32
    scf.for %scan3A_111 = %scan3A_22 to %scan3A_24 step %scan3A_25  : i32 {
      %rem3A = arith.constant 2 : i32
      %rem3A_112 = arith.remsi %scan3A_111, %rem3A : i32
      %dma_wait3A = arith.constant 0 : i32
      %dma_wait3A_113 = arith.constant 0 : i32
      %dma_wait3A_114 = tpu.memref_slice %arg9[%rem3A_112, %dma_wait3A, %dma_wait3A_113] : memref<2x125x128xf32, #tpu.memory_space<vmem>> -> memref<1x125x128xf32, #tpu.memory_space<vmem>>
      %dma_wait3A_115 = tpu.memref_squeeze %dma_wait3A_114 : memref<1x125x128xf32, #tpu.memory_space<vmem>> -> memref<125x128xf32, #tpu.memory_space<vmem>>
      %dma_wait3A_116 = arith.constant 0 : i32
      %dma_wait3A_117 = tpu.memref_slice %arg7[%scan3A_111, %dma_wait3A_116] : memref<80x125xi32, #tpu.memory_space<vmem>> -> memref<1x125xi32, #tpu.memory_space<vmem>>
      %dma_wait3A_118 = tpu.memref_squeeze %dma_wait3A_117 : memref<1x125xi32, #tpu.memory_space<vmem>> -> memref<125xi32, #tpu.memory_space<vmem>>
      %dma_wait3A_119 = arith.constant 0 : i32
      %dma_wait3A_120 = arith.constant 0 : i32
      %dma_wait3A_121 = tpu.memref_slice %arg2[%dma_wait3A_119, %dma_wait3A_120] : memref<10000x128xf32, #tpu.memory_space<hbm>> -> memref<10000x128xf32, #tpu.memory_space<hbm>>
      tpu.wait_indirect_dma semaphore(%arg12 : memref<!tpu.dma_semaphore, #tpu.memory_space<semaphore_mem>>) src(%dma_wait3A_121 : memref<10000x128xf32, #tpu.memory_space<hbm>>) dst(%dma_wait3A_115 : memref<125x128xf32, #tpu.memory_space<vmem>>)
      %add3A_122 = arith.constant 1 : i32
      %add3A_123 = arith.addi %scan3A_111, %add3A_122 : i32
      %lt3A = arith.constant 80 : i32
      %lt3A_124 = arith.cmpi slt, %add3A_123, %lt3A : i32
      %convert_element_type3A = arith.extui %lt3A_124 : i1 to i32
      %cond3A = arith.constant 0 : i32
      %cond3A_125 = arith.cmpi ne, %convert_element_type3A, %cond3A : i32
      scf.if %cond3A_125 {
        %add3A_126 = arith.constant 1 : i32
        %add3A_127 = arith.addi %scan3A_111, %add3A_126 : i32
        %sub3A = arith.constant 1 : i32
        %sub3A_128 = arith.subi %sub3A, %rem3A_112 : i32
        %dma_start3A_129 = arith.constant 0 : i32
        %dma_start3A_130 = arith.constant 0 : i32
        %dma_start3A_131 = tpu.memref_slice %arg9[%sub3A_128, %dma_start3A_129, %dma_start3A_130] : memref<2x125x128xf32, #tpu.memory_space<vmem>> -> memref<1x125x128xf32, #tpu.memory_space<vmem>>
        %dma_start3A_132 = tpu.memref_squeeze %dma_start3A_131 : memref<1x125x128xf32, #tpu.memory_space<vmem>> -> memref<125x128xf32, #tpu.memory_space<vmem>>
        %dma_start3A_133 = arith.constant 0 : i32
        %dma_start3A_134 = tpu.memref_slice %arg7[%add3A_127, %dma_start3A_133] : memref<80x125xi32, #tpu.memory_space<vmem>> -> memref<1x125xi32, #tpu.memory_space<vmem>>
        %dma_start3A_135 = tpu.memref_squeeze %dma_start3A_134 : memref<1x125xi32, #tpu.memory_space<vmem>> -> memref<125xi32, #tpu.memory_space<vmem>>
        %dma_start3A_136 = arith.constant 0 : i32
        %dma_start3A_137 = arith.constant 0 : i32
        %dma_start3A_138 = tpu.memref_slice %arg2[%dma_start3A_136, %dma_start3A_137] : memref<10000x128xf32, #tpu.memory_space<hbm>> -> memref<10000x128xf32, #tpu.memory_space<hbm>>
        tpu.enqueue_indirect_dma source(%dma_start3A_138 : memref<10000x128xf32, #tpu.memory_space<hbm>>) target(%dma_start3A_132 : memref<125x128xf32, #tpu.memory_space<vmem>>) offsets(%dma_start3A_135 : memref<125xi32, #tpu.memory_space<vmem>>) semaphore(%arg12 : memref<!tpu.dma_semaphore, #tpu.memory_space<semaphore_mem>>)
      } else {
      }
      "tpu.region"() ({
        %run_scoped3A = tpu.sem_alloc : memref<!tpu.dma_semaphore, #tpu.memory_space<semaphore_mem>>
        %dma_start3A_126 = arith.constant 0 : i32
        %dma_start3A_127 = arith.constant 0 : i32
        %dma_start3A_128 = tpu.memref_slice %arg9[%rem3A_112, %dma_start3A_126, %dma_start3A_127] : memref<2x125x128xf32, #tpu.memory_space<vmem>> -> memref<1x125x128xf32, #tpu.memory_space<vmem>>
        %dma_start3A_129 = tpu.memref_squeeze %dma_start3A_128 : memref<1x125x128xf32, #tpu.memory_space<vmem>> -> memref<125x128xf32, #tpu.memory_space<vmem>>
        %dma_start3A_130 = arith.constant 0 : i32
        %dma_start3A_131 = tpu.memref_slice %arg8[%scan3A_111, %dma_start3A_130] : memref<80x125xi32, #tpu.memory_space<vmem>> -> memref<1x125xi32, #tpu.memory_space<vmem>>
        %dma_start3A_132 = tpu.memref_squeeze %dma_start3A_131 : memref<1x125xi32, #tpu.memory_space<vmem>> -> memref<125xi32, #tpu.memory_space<vmem>>
        %dma_start3A_133 = arith.constant 0 : i32
        %dma_start3A_134 = arith.constant 0 : i32
        %dma_start3A_135 = tpu.memref_slice %arg11[%dma_start3A_133, %dma_start3A_134] : memref<5632x128xf32, #tpu.memory_space<vmem_shared>> -> memref<5632x128xf32, #tpu.memory_space<vmem_shared>>
        tpu.enqueue_indirect_dma source(%dma_start3A_129 : memref<125x128xf32, #tpu.memory_space<vmem>>) target(%dma_start3A_135 : memref<5632x128xf32, #tpu.memory_space<vmem_shared>>) offsets(%dma_start3A_132 : memref<125xi32, #tpu.memory_space<vmem>>) semaphore(%run_scoped3A : memref<!tpu.dma_semaphore, #tpu.memory_space<semaphore_mem>>) {add = true}
        %dma_wait3A_136 = arith.constant 0 : i32
        %dma_wait3A_137 = arith.constant 0 : i32
        %dma_wait3A_138 = tpu.memref_slice %arg9[%rem3A_112, %dma_wait3A_136, %dma_wait3A_137] : memref<2x125x128xf32, #tpu.memory_space<vmem>> -> memref<1x125x128xf32, #tpu.memory_space<vmem>>
        %dma_wait3A_139 = tpu.memref_squeeze %dma_wait3A_138 : memref<1x125x128xf32, #tpu.memory_space<vmem>> -> memref<125x128xf32, #tpu.memory_space<vmem>>
        %dma_wait3A_140 = arith.constant 0 : i32
        %dma_wait3A_141 = tpu.memref_slice %arg8[%scan3A_111, %dma_wait3A_140] : memref<80x125xi32, #tpu.memory_space<vmem>> -> memref<1x125xi32, #tpu.memory_space<vmem>>
        %dma_wait3A_142 = tpu.memref_squeeze %dma_wait3A_141 : memref<1x125xi32, #tpu.memory_space<vmem>> -> memref<125xi32, #tpu.memory_space<vmem>>
        %dma_wait3A_143 = arith.constant 0 : i32
        %dma_wait3A_144 = arith.constant 0 : i32
        %dma_wait3A_145 = tpu.memref_slice %arg11[%dma_wait3A_143, %dma_wait3A_144] : memref<5632x128xf32, #tpu.memory_space<vmem_shared>> -> memref<5632x128xf32, #tpu.memory_space<vmem_shared>>
        tpu.wait_indirect_dma semaphore(%run_scoped3A : memref<!tpu.dma_semaphore, #tpu.memory_space<semaphore_mem>>) src(%dma_wait3A_139 : memref<125x128xf32, #tpu.memory_space<vmem>>) dst(%dma_wait3A_145 : memref<5632x128xf32, #tpu.memory_space<vmem_shared>>)
        tpu.yield
      }) : () -> ()
    }
    %scan3A_26 = arith.constant 80 : i32
    %barrier3A_27 = arith.constant 0 : index
    tpu.barrier barrier_id(%barrier3A_27)
    %mul3A_28 = arith.constant 320 : i32
    %mul3A_29 = arith.muli %arg1, %mul3A_28 : i32
    %add3A_30 = arith.constant 0 : i32
    %add3A_31 = arith.addi %mul3A_29, %add3A_30 : i32
    "tpu.region"() ({
      %run_scoped3A = tpu.sem_alloc : memref<!tpu.dma_semaphore, #tpu.memory_space<semaphore_mem>>
      %dma_start3A_111 = arith.constant 0 : i32
      %dma_start3A_112 = arith.constant 0 : i32
      %dma_start3A_113 = tpu.memref_slice %arg10[%dma_start3A_111, %dma_start3A_112] : memref<176x128xf32, #tpu.memory_space<vmem>> -> memref<160x128xf32, #tpu.memory_space<vmem>>
      %dma_start3A_114 = arith.constant 0 : i32
      %dma_start3A_115 = tpu.memref_slice %arg11[%add3A_31, %dma_start3A_114] : memref<5632x128xf32, #tpu.memory_space<vmem_shared>> -> memref<160x128xf32, #tpu.memory_space<vmem_shared>>
      %dma_start3A_116 = arith.constant 0 : i32
      %dma_start3A_117 = arith.constant 0 : i32
      %dma_start3A_118 = tpu.memref_slice %arg10[%dma_start3A_116, %dma_start3A_117] : memref<176x128xf32, #tpu.memory_space<vmem>> -> memref<160x128xf32, #tpu.memory_space<vmem>>
      %dma_start3A_119 = arith.constant 0 : i32
      %dma_start3A_120 = tpu.memref_slice %arg11[%add3A_31, %dma_start3A_119] : memref<5632x128xf32, #tpu.memory_space<vmem_shared>> -> memref<160x128xf32, #tpu.memory_space<vmem_shared>>
      tpu.enqueue_dma source(%dma_start3A_120 : memref<160x128xf32, #tpu.memory_space<vmem_shared>>) target(%dma_start3A_118 : memref<160x128xf32, #tpu.memory_space<vmem>>) target_semaphore(%run_scoped3A : memref<!tpu.dma_semaphore, #tpu.memory_space<semaphore_mem>>)
      %dma_wait3A = arith.constant 0 : i32
      %dma_wait3A_121 = arith.constant 0 : i32
      %dma_wait3A_122 = tpu.memref_slice %arg10[%dma_wait3A, %dma_wait3A_121] : memref<176x128xf32, #tpu.memory_space<vmem>> -> memref<160x128xf32, #tpu.memory_space<vmem>>
      %dma_wait3A_123 = arith.constant 0 : i32
      %dma_wait3A_124 = tpu.memref_slice %arg11[%add3A_31, %dma_wait3A_123] : memref<5632x128xf32, #tpu.memory_space<vmem_shared>> -> memref<160x128xf32, #tpu.memory_space<vmem_shared>>
      %dma_wait3A_125 = arith.constant 0 : i32
      %dma_wait3A_126 = arith.constant 0 : i32
      %dma_wait3A_127 = tpu.memref_slice %arg10[%dma_wait3A_125, %dma_wait3A_126] : memref<176x128xf32, #tpu.memory_space<vmem>> -> memref<160x128xf32, #tpu.memory_space<vmem>>
      %dma_wait3A_128 = arith.constant 0 : i32
      %dma_wait3A_129 = tpu.memref_slice %arg11[%add3A_31, %dma_wait3A_128] : memref<5632x128xf32, #tpu.memory_space<vmem_shared>> -> memref<160x128xf32, #tpu.memory_space<vmem_shared>>
      tpu.wait_dma2 semaphore(%run_scoped3A : memref<!tpu.dma_semaphore, #tpu.memory_space<semaphore_mem>>) src(%dma_wait3A_129 : memref<160x128xf32, #tpu.memory_space<vmem_shared>>) dst(%dma_wait3A_127 : memref<160x128xf32, #tpu.memory_space<vmem>>)
      tpu.yield
    }) : () -> ()
    %mul3A_32 = arith.constant 10240 : i32
    %mul3A_33 = arith.muli %arg0, %mul3A_32 : i32
    %add3A_34 = arith.constant 0 : i32
    %add3A_35 = arith.addi %mul3A_33, %add3A_34 : i32
    %mul3A_36 = arith.constant 320 : i32
    %mul3A_37 = arith.muli %arg1, %mul3A_36 : i32
    %add3A_38 = arith.addi %add3A_35, %mul3A_37 : i32
    %add3A_39 = arith.constant 0 : i32
    %add3A_40 = arith.addi %add3A_38, %add3A_39 : i32
    "tpu.region"() ({
      %run_scoped3A = tpu.sem_alloc : memref<!tpu.dma_semaphore, #tpu.memory_space<semaphore_mem>>
      %dma_start3A_111 = arith.constant 0 : i32
      %dma_start3A_112 = arith.constant 0 : i32
      %dma_start3A_113 = tpu.memref_slice %arg10[%dma_start3A_111, %dma_start3A_112] : memref<176x128xf32, #tpu.memory_space<vmem>> -> memref<160x128xf32, #tpu.memory_space<vmem>>
      %dma_start3A_114 = arith.constant 0 : i32
      %dma_start3A_115 = tpu.memref_slice %arg6[%add3A_40, %dma_start3A_114] : memref<20480x128xf32, #tpu.memory_space<hbm>> -> memref<160x128xf32, #tpu.memory_space<hbm>>
      %dma_start3A_116 = arith.constant 0 : i32
      %dma_start3A_117 = tpu.memref_slice %arg6[%add3A_40, %dma_start3A_116] : memref<20480x128xf32, #tpu.memory_space<hbm>> -> memref<160x128xf32, #tpu.memory_space<hbm>>
      %dma_start3A_118 = arith.constant 0 : i32
      %dma_start3A_119 = arith.constant 0 : i32
      %dma_start3A_120 = tpu.memref_slice %arg10[%dma_start3A_118, %dma_start3A_119] : memref<176x128xf32, #tpu.memory_space<vmem>> -> memref<160x128xf32, #tpu.memory_space<vmem>>
      tpu.enqueue_dma source(%dma_start3A_120 : memref<160x128xf32, #tpu.memory_space<vmem>>) target(%dma_start3A_117 : memref<160x128xf32, #tpu.memory_space<hbm>>) target_semaphore(%run_scoped3A : memref<!tpu.dma_semaphore, #tpu.memory_space<semaphore_mem>>)
      %dma_wait3A = arith.constant 0 : i32
      %dma_wait3A_121 = arith.constant 0 : i32
      %dma_wait3A_122 = tpu.memref_slice %arg10[%dma_wait3A, %dma_wait3A_121] : memref<176x128xf32, #tpu.memory_space<vmem>> -> memref<160x128xf32, #tpu.memory_space<vmem>>
      %dma_wait3A_123 = arith.constant 0 : i32
      %dma_wait3A_124 = tpu.memref_slice %arg6[%add3A_40, %dma_wait3A_123] : memref<20480x128xf32, #tpu.memory_space<hbm>> -> memref<160x128xf32, #tpu.memory_space<hbm>>
      %dma_wait3A_125 = arith.constant 0 : i32
      %dma_wait3A_126 = tpu.memref_slice %arg6[%add3A_40, %dma_wait3A_125] : memref<20480x128xf32, #tpu.memory_space<hbm>> -> memref<160x128xf32, #tpu.memory_space<hbm>>
      %dma_wait3A_127 = arith.constant 0 : i32
      %dma_wait3A_128 = arith.constant 0 : i32
      %dma_wait3A_129 = tpu.memref_slice %arg10[%dma_wait3A_127, %dma_wait3A_128] : memref<176x128xf32, #tpu.memory_space<vmem>> -> memref<160x128xf32, #tpu.memory_space<vmem>>
      tpu.wait_dma2 semaphore(%run_scoped3A : memref<!tpu.dma_semaphore, #tpu.memory_space<semaphore_mem>>) src(%dma_wait3A_129 : memref<160x128xf32, #tpu.memory_space<vmem>>) dst(%dma_wait3A_126 : memref<160x128xf32, #tpu.memory_space<hbm>>)
      tpu.yield
    }) : () -> ()
    %mul3A_41 = arith.constant 320 : i32
    %mul3A_42 = arith.muli %arg1, %mul3A_41 : i32
    %add3A_43 = arith.constant 160 : i32
    %add3A_44 = arith.addi %mul3A_42, %add3A_43 : i32
    "tpu.region"() ({
      %run_scoped3A = tpu.sem_alloc : memref<!tpu.dma_semaphore, #tpu.memory_space<semaphore_mem>>
      %dma_start3A_111 = arith.constant 0 : i32
      %dma_start3A_112 = arith.constant 0 : i32
      %dma_start3A_113 = tpu.memref_slice %arg10[%dma_start3A_111, %dma_start3A_112] : memref<176x128xf32, #tpu.memory_space<vmem>> -> memref<160x128xf32, #tpu.memory_space<vmem>>
      %dma_start3A_114 = arith.constant 0 : i32
      %dma_start3A_115 = tpu.memref_slice %arg11[%add3A_44, %dma_start3A_114] : memref<5632x128xf32, #tpu.memory_space<vmem_shared>> -> memref<160x128xf32, #tpu.memory_space<vmem_shared>>
      %dma_start3A_116 = arith.constant 0 : i32
      %dma_start3A_117 = arith.constant 0 : i32
      %dma_start3A_118 = tpu.memref_slice %arg10[%dma_start3A_116, %dma_start3A_117] : memref<176x128xf32, #tpu.memory_space<vmem>> -> memref<160x128xf32, #tpu.memory_space<vmem>>
      %dma_start3A_119 = arith.constant 0 : i32
      %dma_start3A_120 = tpu.memref_slice %arg11[%add3A_44, %dma_start3A_119] : memref<5632x128xf32, #tpu.memory_space<vmem_shared>> -> memref<160x128xf32, #tpu.memory_space<vmem_shared>>
      tpu.enqueue_dma source(%dma_start3A_120 : memref<160x128xf32, #tpu.memory_space<vmem_shared>>) target(%dma_start3A_118 : memref<160x128xf32, #tpu.memory_space<vmem>>) target_semaphore(%run_scoped3A : memref<!tpu.dma_semaphore, #tpu.memory_space<semaphore_mem>>)
      %dma_wait3A = arith.constant 0 : i32
      %dma_wait3A_121 = arith.constant 0 : i32
      %dma_wait3A_122 = tpu.memref_slice %arg10[%dma_wait3A, %dma_wait3A_121] : memref<176x128xf32, #tpu.memory_space<vmem>> -> memref<160x128xf32, #tpu.memory_space<vmem>>
      %dma_wait3A_123 = arith.constant 0 : i32
      %dma_wait3A_124 = tpu.memref_slice %arg11[%add3A_44, %dma_wait3A_123] : memref<5632x128xf32, #tpu.memory_space<vmem_shared>> -> memref<160x128xf32, #tpu.memory_space<vmem_shared>>
      %dma_wait3A_125 = arith.constant 0 : i32
      %dma_wait3A_126 = arith.constant 0 : i32
      %dma_wait3A_127 = tpu.memref_slice %arg10[%dma_wait3A_125, %dma_wait3A_126] : memref<176x128xf32, #tpu.memory_space<vmem>> -> memref<160x128xf32, #tpu.memory_space<vmem>>
      %dma_wait3A_128 = arith.constant 0 : i32
      %dma_wait3A_129 = tpu.memref_slice %arg11[%add3A_44, %dma_wait3A_128] : memref<5632x128xf32, #tpu.memory_space<vmem_shared>> -> memref<160x128xf32, #tpu.memory_space<vmem_shared>>
      tpu.wait_dma2 semaphore(%run_scoped3A : memref<!tpu.dma_semaphore, #tpu.memory_space<semaphore_mem>>) src(%dma_wait3A_129 : memref<160x128xf32, #tpu.memory_space<vmem_shared>>) dst(%dma_wait3A_127 : memref<160x128xf32, #tpu.memory_space<vmem>>)
      tpu.yield
    }) : () -> ()
    %mul3A_45 = arith.constant 10240 : i32
    %mul3A_46 = arith.muli %arg0, %mul3A_45 : i32
    %add3A_47 = arith.constant 0 : i32
    %add3A_48 = arith.addi %mul3A_46, %add3A_47 : i32
    %mul3A_49 = arith.constant 320 : i32
    %mul3A_50 = arith.muli %arg1, %mul3A_49 : i32
    %add3A_51 = arith.addi %add3A_48, %mul3A_50 : i32
    %add3A_52 = arith.constant 160 : i32
    %add3A_53 = arith.addi %add3A_51, %add3A_52 : i32
    "tpu.region"() ({
      %run_scoped3A = tpu.sem_alloc : memref<!tpu.dma_semaphore, #tpu.memory_space<semaphore_mem>>
      %dma_start3A_111 = arith.constant 0 : i32
      %dma_start3A_112 = arith.constant 0 : i32
      %dma_start3A_113 = tpu.memref_slice %arg10[%dma_start3A_111, %dma_start3A_112] : memref<176x128xf32, #tpu.memory_space<vmem>> -> memref<160x128xf32, #tpu.memory_space<vmem>>
      %dma_start3A_114 = arith.constant 0 : i32
      %dma_start3A_115 = tpu.memref_slice %arg6[%add3A_53, %dma_start3A_114] : memref<20480x128xf32, #tpu.memory_space<hbm>> -> memref<160x128xf32, #tpu.memory_space<hbm>>
      %dma_start3A_116 = arith.constant 0 : i32
      %dma_start3A_117 = tpu.memref_slice %arg6[%add3A_53, %dma_start3A_116] : memref<20480x128xf32, #tpu.memory_space<hbm>> -> memref<160x128xf32, #tpu.memory_space<hbm>>
      %dma_start3A_118 = arith.constant 0 : i32
      %dma_start3A_119 = arith.constant 0 : i32
      %dma_start3A_120 = tpu.memref_slice %arg10[%dma_start3A_118, %dma_start3A_119] : memref<176x128xf32, #tpu.memory_space<vmem>> -> memref<160x128xf32, #tpu.memory_space<vmem>>
      tpu.enqueue_dma source(%dma_start3A_120 : memref<160x128xf32, #tpu.memory_space<vmem>>) target(%dma_start3A_117 : memref<160x128xf32, #tpu.memory_space<hbm>>) target_semaphore(%run_scoped3A : memref<!tpu.dma_semaphore, #tpu.memory_space<semaphore_mem>>)
      %dma_wait3A = arith.constant 0 : i32
      %dma_wait3A_121 = arith.constant 0 : i32
      %dma_wait3A_122 = tpu.memref_slice %arg10[%dma_wait3A, %dma_wait3A_121] : memref<176x128xf32, #tpu.memory_space<vmem>> -> memref<160x128xf32, #tpu.memory_space<vmem>>
      %dma_wait3A_123 = arith.constant 0 : i32
      %dma_wait3A_124 = tpu.memref_slice %arg6[%add3A_53, %dma_wait3A_123] : memref<20480x128xf32, #tpu.memory_space<hbm>> -> memref<160x128xf32, #tpu.memory_space<hbm>>
      %dma_wait3A_125 = arith.constant 0 : i32
      %dma_wait3A_126 = tpu.memref_slice %arg6[%add3A_53, %dma_wait3A_125] : memref<20480x128xf32, #tpu.memory_space<hbm>> -> memref<160x128xf32, #tpu.memory_space<hbm>>
      %dma_wait3A_127 = arith.constant 0 : i32
      %dma_wait3A_128 = arith.constant 0 : i32
      %dma_wait3A_129 = tpu.memref_slice %arg10[%dma_wait3A_127, %dma_wait3A_128] : memref<176x128xf32, #tpu.memory_space<vmem>> -> memref<160x128xf32, #tpu.memory_space<vmem>>
      tpu.wait_dma2 semaphore(%run_scoped3A : memref<!tpu.dma_semaphore, #tpu.memory_space<semaphore_mem>>) src(%dma_wait3A_129 : memref<160x128xf32, #tpu.memory_space<vmem>>) dst(%dma_wait3A_126 : memref<160x128xf32, #tpu.memory_space<hbm>>)
      tpu.yield
    }) : () -> ()
    %barrier3A_54 = arith.constant 0 : index
    tpu.barrier barrier_id(%barrier3A_54)
    "tpu.region"() ({
      %run_scoped3A = tpu.sem_alloc : memref<!tpu.dma_semaphore, #tpu.memory_space<semaphore_mem>>
      tpu.enqueue_dma source(%arg5 : memref<176x128xf32, #tpu.memory_space<hbm>>) target(%arg10 : memref<176x128xf32, #tpu.memory_space<vmem>>) target_semaphore(%run_scoped3A : memref<!tpu.dma_semaphore, #tpu.memory_space<semaphore_mem>>)
      tpu.wait_dma2 semaphore(%run_scoped3A : memref<!tpu.dma_semaphore, #tpu.memory_space<semaphore_mem>>) src(%arg5 : memref<176x128xf32, #tpu.memory_space<hbm>>) dst(%arg10 : memref<176x128xf32, #tpu.memory_space<vmem>>)
      tpu.yield
    }) : () -> ()
    %mul3A_55 = arith.constant 352 : i32
    %mul3A_56 = arith.muli %arg1, %mul3A_55 : i32
    %add3A_57 = arith.constant 0 : i32
    %add3A_58 = arith.addi %mul3A_56, %add3A_57 : i32
    "tpu.region"() ({
      %run_scoped3A = tpu.sem_alloc : memref<!tpu.dma_semaphore, #tpu.memory_space<semaphore_mem>>
      %dma_start3A_111 = arith.constant 0 : i32
      %dma_start3A_112 = tpu.memref_slice %arg11[%add3A_58, %dma_start3A_111] : memref<5632x128xf32, #tpu.memory_space<vmem_shared>> -> memref<176x128xf32, #tpu.memory_space<vmem_shared>>
      %dma_start3A_113 = arith.constant 0 : i32
      %dma_start3A_114 = tpu.memref_slice %arg11[%add3A_58, %dma_start3A_113] : memref<5632x128xf32, #tpu.memory_space<vmem_shared>> -> memref<176x128xf32, #tpu.memory_space<vmem_shared>>
      tpu.enqueue_dma source(%arg10 : memref<176x128xf32, #tpu.memory_space<vmem>>) target(%dma_start3A_114 : memref<176x128xf32, #tpu.memory_space<vmem_shared>>) target_semaphore(%run_scoped3A : memref<!tpu.dma_semaphore, #tpu.memory_space<semaphore_mem>>)
      %dma_wait3A = arith.constant 0 : i32
      %dma_wait3A_115 = tpu.memref_slice %arg11[%add3A_58, %dma_wait3A] : memref<5632x128xf32, #tpu.memory_space<vmem_shared>> -> memref<176x128xf32, #tpu.memory_space<vmem_shared>>
      %dma_wait3A_116 = arith.constant 0 : i32
      %dma_wait3A_117 = tpu.memref_slice %arg11[%add3A_58, %dma_wait3A_116] : memref<5632x128xf32, #tpu.memory_space<vmem_shared>> -> memref<176x128xf32, #tpu.memory_space<vmem_shared>>
      tpu.wait_dma2 semaphore(%run_scoped3A : memref<!tpu.dma_semaphore, #tpu.memory_space<semaphore_mem>>) src(%arg10 : memref<176x128xf32, #tpu.memory_space<vmem>>) dst(%dma_wait3A_117 : memref<176x128xf32, #tpu.memory_space<vmem_shared>>)
      tpu.yield
    }) : () -> ()
    %mul3A_59 = arith.constant 352 : i32
    %mul3A_60 = arith.muli %arg1, %mul3A_59 : i32
    %add3A_61 = arith.constant 176 : i32
    %add3A_62 = arith.addi %mul3A_60, %add3A_61 : i32
    "tpu.region"() ({
      %run_scoped3A = tpu.sem_alloc : memref<!tpu.dma_semaphore, #tpu.memory_space<semaphore_mem>>
      %dma_start3A_111 = arith.constant 0 : i32
      %dma_start3A_112 = tpu.memref_slice %arg11[%add3A_62, %dma_start3A_111] : memref<5632x128xf32, #tpu.memory_space<vmem_shared>> -> memref<176x128xf32, #tpu.memory_space<vmem_shared>>
      %dma_start3A_113 = arith.constant 0 : i32
      %dma_start3A_114 = tpu.memref_slice %arg11[%add3A_62, %dma_start3A_113] : memref<5632x128xf32, #tpu.memory_space<vmem_shared>> -> memref<176x128xf32, #tpu.memory_space<vmem_shared>>
      tpu.enqueue_dma source(%arg10 : memref<176x128xf32, #tpu.memory_space<vmem>>) target(%dma_start3A_114 : memref<176x128xf32, #tpu.memory_space<vmem_shared>>) target_semaphore(%run_scoped3A : memref<!tpu.dma_semaphore, #tpu.memory_space<semaphore_mem>>)
      %dma_wait3A = arith.constant 0 : i32
      %dma_wait3A_115 = tpu.memref_slice %arg11[%add3A_62, %dma_wait3A] : memref<5632x128xf32, #tpu.memory_space<vmem_shared>> -> memref<176x128xf32, #tpu.memory_space<vmem_shared>>
      %dma_wait3A_116 = arith.constant 0 : i32
      %dma_wait3A_117 = tpu.memref_slice %arg11[%add3A_62, %dma_wait3A_116] : memref<5632x128xf32, #tpu.memory_space<vmem_shared>> -> memref<176x128xf32, #tpu.memory_space<vmem_shared>>
      tpu.wait_dma2 semaphore(%run_scoped3A : memref<!tpu.dma_semaphore, #tpu.memory_space<semaphore_mem>>) src(%arg10 : memref<176x128xf32, #tpu.memory_space<vmem>>) dst(%dma_wait3A_117 : memref<176x128xf32, #tpu.memory_space<vmem_shared>>)
      tpu.yield
    }) : () -> ()
    %add3A_63 = arith.constant 32 : i32
    %add3A_64 = arith.addi %add3A_63, %add3A : i32
    "tpu.region"() ({
      %run_scoped3A = tpu.sem_alloc : memref<!tpu.dma_semaphore, #tpu.memory_space<semaphore_mem>>
      %dma_start3A_111 = arith.constant 0 : i32
      %dma_start3A_112 = arith.constant 0 : i32
      %dma_start3A_113 = tpu.memref_slice %arg4[%add3A_64, %dma_start3A_111, %dma_start3A_112] : memref<64x80x125xi32, #tpu.memory_space<hbm>> -> memref<1x80x125xi32, #tpu.memory_space<hbm>>
      %dma_start3A_114 = tpu.memref_squeeze %dma_start3A_113 : memref<1x80x125xi32, #tpu.memory_space<hbm>> -> memref<80x125xi32, #tpu.memory_space<hbm>>
      %dma_start3A_115 = arith.constant 0 : i32
      %dma_start3A_116 = arith.constant 0 : i32
      %dma_start3A_117 = tpu.memref_slice %arg4[%add3A_64, %dma_start3A_115, %dma_start3A_116] : memref<64x80x125xi32, #tpu.memory_space<hbm>> -> memref<1x80x125xi32, #tpu.memory_space<hbm>>
      %dma_start3A_118 = tpu.memref_squeeze %dma_start3A_117 : memref<1x80x125xi32, #tpu.memory_space<hbm>> -> memref<80x125xi32, #tpu.memory_space<hbm>>
      tpu.enqueue_dma source(%dma_start3A_118 : memref<80x125xi32, #tpu.memory_space<hbm>>) target(%arg8 : memref<80x125xi32, #tpu.memory_space<vmem>>) target_semaphore(%run_scoped3A : memref<!tpu.dma_semaphore, #tpu.memory_space<semaphore_mem>>)
      %dma_wait3A = arith.constant 0 : i32
      %dma_wait3A_119 = arith.constant 0 : i32
      %dma_wait3A_120 = tpu.memref_slice %arg4[%add3A_64, %dma_wait3A, %dma_wait3A_119] : memref<64x80x125xi32, #tpu.memory_space<hbm>> -> memref<1x80x125xi32, #tpu.memory_space<hbm>>
      %dma_wait3A_121 = tpu.memref_squeeze %dma_wait3A_120 : memref<1x80x125xi32, #tpu.memory_space<hbm>> -> memref<80x125xi32, #tpu.memory_space<hbm>>
      %dma_wait3A_122 = arith.constant 0 : i32
      %dma_wait3A_123 = arith.constant 0 : i32
      %dma_wait3A_124 = tpu.memref_slice %arg4[%add3A_64, %dma_wait3A_122, %dma_wait3A_123] : memref<64x80x125xi32, #tpu.memory_space<hbm>> -> memref<1x80x125xi32, #tpu.memory_space<hbm>>
      %dma_wait3A_125 = tpu.memref_squeeze %dma_wait3A_124 : memref<1x80x125xi32, #tpu.memory_space<hbm>> -> memref<80x125xi32, #tpu.memory_space<hbm>>
      tpu.wait_dma2 semaphore(%run_scoped3A : memref<!tpu.dma_semaphore, #tpu.memory_space<semaphore_mem>>) src(%dma_wait3A_125 : memref<80x125xi32, #tpu.memory_space<hbm>>) dst(%arg8 : memref<80x125xi32, #tpu.memory_space<vmem>>)
      tpu.yield
    }) : () -> ()
    %barrier3A_65 = arith.constant 0 : index
    tpu.barrier barrier_id(%barrier3A_65)
    %dma_start3A_66 = arith.constant 0 : i32
    %dma_start3A_67 = arith.constant 0 : i32
    %dma_start3A_68 = arith.constant 0 : i32
    %dma_start3A_69 = arith.constant 0 : i32
    %dma_start3A_70 = tpu.memref_slice %arg9[%dma_start3A_67, %dma_start3A_68, %dma_start3A_69] : memref<2x125x128xf32, #tpu.memory_space<vmem>> -> memref<1x125x128xf32, #tpu.memory_space<vmem>>
    %dma_start3A_71 = tpu.memref_squeeze %dma_start3A_70 : memref<1x125x128xf32, #tpu.memory_space<vmem>> -> memref<125x128xf32, #tpu.memory_space<vmem>>
    %dma_start3A_72 = arith.constant 0 : i32
    %dma_start3A_73 = tpu.memref_slice %arg7[%dma_start3A_66, %dma_start3A_72] : memref<80x125xi32, #tpu.memory_space<vmem>> -> memref<1x125xi32, #tpu.memory_space<vmem>>
    %dma_start3A_74 = tpu.memref_squeeze %dma_start3A_73 : memref<1x125xi32, #tpu.memory_space<vmem>> -> memref<125xi32, #tpu.memory_space<vmem>>
    %dma_start3A_75 = arith.constant 0 : i32
    %dma_start3A_76 = arith.constant 0 : i32
    %dma_start3A_77 = tpu.memref_slice %arg2[%dma_start3A_75, %dma_start3A_76] : memref<10000x128xf32, #tpu.memory_space<hbm>> -> memref<10000x128xf32, #tpu.memory_space<hbm>>
    tpu.enqueue_indirect_dma source(%dma_start3A_77 : memref<10000x128xf32, #tpu.memory_space<hbm>>) target(%dma_start3A_71 : memref<125x128xf32, #tpu.memory_space<vmem>>) offsets(%dma_start3A_74 : memref<125xi32, #tpu.memory_space<vmem>>) semaphore(%arg12 : memref<!tpu.dma_semaphore, #tpu.memory_space<semaphore_mem>>)
    %scan3A_78 = arith.constant 0 : i32
    %scan3A_79 = arith.constant 0 : i32
    %scan3A_80 = arith.constant 80 : i32
    %scan3A_81 = arith.addi %scan3A_79, %scan3A_80 : i32
    %scan3A_82 = arith.constant 1 : i32
    scf.for %scan3A_111 = %scan3A_79 to %scan3A_81 step %scan3A_82  : i32 {
      %rem3A = arith.constant 2 : i32
      %rem3A_112 = arith.remsi %scan3A_111, %rem3A : i32
      %dma_wait3A = arith.constant 0 : i32
      %dma_wait3A_113 = arith.constant 0 : i32
      %dma_wait3A_114 = tpu.memref_slice %arg9[%rem3A_112, %dma_wait3A, %dma_wait3A_113] : memref<2x125x128xf32, #tpu.memory_space<vmem>> -> memref<1x125x128xf32, #tpu.memory_space<vmem>>
      %dma_wait3A_115 = tpu.memref_squeeze %dma_wait3A_114 : memref<1x125x128xf32, #tpu.memory_space<vmem>> -> memref<125x128xf32, #tpu.memory_space<vmem>>
      %dma_wait3A_116 = arith.constant 0 : i32
      %dma_wait3A_117 = tpu.memref_slice %arg7[%scan3A_111, %dma_wait3A_116] : memref<80x125xi32, #tpu.memory_space<vmem>> -> memref<1x125xi32, #tpu.memory_space<vmem>>
      %dma_wait3A_118 = tpu.memref_squeeze %dma_wait3A_117 : memref<1x125xi32, #tpu.memory_space<vmem>> -> memref<125xi32, #tpu.memory_space<vmem>>
      %dma_wait3A_119 = arith.constant 0 : i32
      %dma_wait3A_120 = arith.constant 0 : i32
      %dma_wait3A_121 = tpu.memref_slice %arg2[%dma_wait3A_119, %dma_wait3A_120] : memref<10000x128xf32, #tpu.memory_space<hbm>> -> memref<10000x128xf32, #tpu.memory_space<hbm>>
      tpu.wait_indirect_dma semaphore(%arg12 : memref<!tpu.dma_semaphore, #tpu.memory_space<semaphore_mem>>) src(%dma_wait3A_121 : memref<10000x128xf32, #tpu.memory_space<hbm>>) dst(%dma_wait3A_115 : memref<125x128xf32, #tpu.memory_space<vmem>>)
      %add3A_122 = arith.constant 1 : i32
      %add3A_123 = arith.addi %scan3A_111, %add3A_122 : i32
      %lt3A = arith.constant 80 : i32
      %lt3A_124 = arith.cmpi slt, %add3A_123, %lt3A : i32
      %convert_element_type3A = arith.extui %lt3A_124 : i1 to i32
      %cond3A = arith.constant 0 : i32
      %cond3A_125 = arith.cmpi ne, %convert_element_type3A, %cond3A : i32
      scf.if %cond3A_125 {
        %add3A_126 = arith.constant 1 : i32
        %add3A_127 = arith.addi %scan3A_111, %add3A_126 : i32
        %sub3A = arith.constant 1 : i32
        %sub3A_128 = arith.subi %sub3A, %rem3A_112 : i32
        %dma_start3A_129 = arith.constant 0 : i32
        %dma_start3A_130 = arith.constant 0 : i32
        %dma_start3A_131 = tpu.memref_slice %arg9[%sub3A_128, %dma_start3A_129, %dma_start3A_130] : memref<2x125x128xf32, #tpu.memory_space<vmem>> -> memref<1x125x128xf32, #tpu.memory_space<vmem>>
        %dma_start3A_132 = tpu.memref_squeeze %dma_start3A_131 : memref<1x125x128xf32, #tpu.memory_space<vmem>> -> memref<125x128xf32, #tpu.memory_space<vmem>>
        %dma_start3A_133 = arith.constant 0 : i32
        %dma_start3A_134 = tpu.memref_slice %arg7[%add3A_127, %dma_start3A_133] : memref<80x125xi32, #tpu.memory_space<vmem>> -> memref<1x125xi32, #tpu.memory_space<vmem>>
        %dma_start3A_135 = tpu.memref_squeeze %dma_start3A_134 : memref<1x125xi32, #tpu.memory_space<vmem>> -> memref<125xi32, #tpu.memory_space<vmem>>
        %dma_start3A_136 = arith.constant 0 : i32
        %dma_start3A_137 = arith.constant 0 : i32
        %dma_start3A_138 = tpu.memref_slice %arg2[%dma_start3A_136, %dma_start3A_137] : memref<10000x128xf32, #tpu.memory_space<hbm>> -> memref<10000x128xf32, #tpu.memory_space<hbm>>
        tpu.enqueue_indirect_dma source(%dma_start3A_138 : memref<10000x128xf32, #tpu.memory_space<hbm>>) target(%dma_start3A_132 : memref<125x128xf32, #tpu.memory_space<vmem>>) offsets(%dma_start3A_135 : memref<125xi32, #tpu.memory_space<vmem>>) semaphore(%arg12 : memref<!tpu.dma_semaphore, #tpu.memory_space<semaphore_mem>>)
      } else {
      }
      "tpu.region"() ({
        %run_scoped3A = tpu.sem_alloc : memref<!tpu.dma_semaphore, #tpu.memory_space<semaphore_mem>>
        %dma_start3A_126 = arith.constant 0 : i32
        %dma_start3A_127 = arith.constant 0 : i32
        %dma_start3A_128 = tpu.memref_slice %arg9[%rem3A_112, %dma_start3A_126, %dma_start3A_127] : memref<2x125x128xf32, #tpu.memory_space<vmem>> -> memref<1x125x128xf32, #tpu.memory_space<vmem>>
        %dma_start3A_129 = tpu.memref_squeeze %dma_start3A_128 : memref<1x125x128xf32, #tpu.memory_space<vmem>> -> memref<125x128xf32, #tpu.memory_space<vmem>>
        %dma_start3A_130 = arith.constant 0 : i32
        %dma_start3A_131 = tpu.memref_slice %arg8[%scan3A_111, %dma_start3A_130] : memref<80x125xi32, #tpu.memory_space<vmem>> -> memref<1x125xi32, #tpu.memory_space<vmem>>
        %dma_start3A_132 = tpu.memref_squeeze %dma_start3A_131 : memref<1x125xi32, #tpu.memory_space<vmem>> -> memref<125xi32, #tpu.memory_space<vmem>>
        %dma_start3A_133 = arith.constant 0 : i32
        %dma_start3A_134 = arith.constant 0 : i32
        %dma_start3A_135 = tpu.memref_slice %arg11[%dma_start3A_133, %dma_start3A_134] : memref<5632x128xf32, #tpu.memory_space<vmem_shared>> -> memref<5632x128xf32, #tpu.memory_space<vmem_shared>>
        tpu.enqueue_indirect_dma source(%dma_start3A_129 : memref<125x128xf32, #tpu.memory_space<vmem>>) target(%dma_start3A_135 : memref<5632x128xf32, #tpu.memory_space<vmem_shared>>) offsets(%dma_start3A_132 : memref<125xi32, #tpu.memory_space<vmem>>) semaphore(%run_scoped3A : memref<!tpu.dma_semaphore, #tpu.memory_space<semaphore_mem>>) {add = true}
        %dma_wait3A_136 = arith.constant 0 : i32
        %dma_wait3A_137 = arith.constant 0 : i32
        %dma_wait3A_138 = tpu.memref_slice %arg9[%rem3A_112, %dma_wait3A_136, %dma_wait3A_137] : memref<2x125x128xf32, #tpu.memory_space<vmem>> -> memref<1x125x128xf32, #tpu.memory_space<vmem>>
        %dma_wait3A_139 = tpu.memref_squeeze %dma_wait3A_138 : memref<1x125x128xf32, #tpu.memory_space<vmem>> -> memref<125x128xf32, #tpu.memory_space<vmem>>
        %dma_wait3A_140 = arith.constant 0 : i32
        %dma_wait3A_141 = tpu.memref_slice %arg8[%scan3A_111, %dma_wait3A_140] : memref<80x125xi32, #tpu.memory_space<vmem>> -> memref<1x125xi32, #tpu.memory_space<vmem>>
        %dma_wait3A_142 = tpu.memref_squeeze %dma_wait3A_141 : memref<1x125xi32, #tpu.memory_space<vmem>> -> memref<125xi32, #tpu.memory_space<vmem>>
        %dma_wait3A_143 = arith.constant 0 : i32
        %dma_wait3A_144 = arith.constant 0 : i32
        %dma_wait3A_145 = tpu.memref_slice %arg11[%dma_wait3A_143, %dma_wait3A_144] : memref<5632x128xf32, #tpu.memory_space<vmem_shared>> -> memref<5632x128xf32, #tpu.memory_space<vmem_shared>>
        tpu.wait_indirect_dma semaphore(%run_scoped3A : memref<!tpu.dma_semaphore, #tpu.memory_space<semaphore_mem>>) src(%dma_wait3A_139 : memref<125x128xf32, #tpu.memory_space<vmem>>) dst(%dma_wait3A_145 : memref<5632x128xf32, #tpu.memory_space<vmem_shared>>)
        tpu.yield
      }) : () -> ()
    }
    %scan3A_83 = arith.constant 80 : i32
    %barrier3A_84 = arith.constant 0 : index
    tpu.barrier barrier_id(%barrier3A_84)
    %mul3A_85 = arith.constant 320 : i32
    %mul3A_86 = arith.muli %arg1, %mul3A_85 : i32
    %add3A_87 = arith.constant 0 : i32
    %add3A_88 = arith.addi %mul3A_86, %add3A_87 : i32
    "tpu.region"() ({
      %run_scoped3A = tpu.sem_alloc : memref<!tpu.dma_semaphore, #tpu.memory_space<semaphore_mem>>
      %dma_start3A_111 = arith.constant 0 : i32
      %dma_start3A_112 = arith.constant 0 : i32
      %dma_start3A_113 = tpu.memref_slice %arg10[%dma_start3A_111, %dma_start3A_112] : memref<176x128xf32, #tpu.memory_space<vmem>> -> memref<160x128xf32, #tpu.memory_space<vmem>>
      %dma_start3A_114 = arith.constant 0 : i32
      %dma_start3A_115 = tpu.memref_slice %arg11[%add3A_88, %dma_start3A_114] : memref<5632x128xf32, #tpu.memory_space<vmem_shared>> -> memref<160x128xf32, #tpu.memory_space<vmem_shared>>
      %dma_start3A_116 = arith.constant 0 : i32
      %dma_start3A_117 = arith.constant 0 : i32
      %dma_start3A_118 = tpu.memref_slice %arg10[%dma_start3A_116, %dma_start3A_117] : memref<176x128xf32, #tpu.memory_space<vmem>> -> memref<160x128xf32, #tpu.memory_space<vmem>>
      %dma_start3A_119 = arith.constant 0 : i32
      %dma_start3A_120 = tpu.memref_slice %arg11[%add3A_88, %dma_start3A_119] : memref<5632x128xf32, #tpu.memory_space<vmem_shared>> -> memref<160x128xf32, #tpu.memory_space<vmem_shared>>
      tpu.enqueue_dma source(%dma_start3A_120 : memref<160x128xf32, #tpu.memory_space<vmem_shared>>) target(%dma_start3A_118 : memref<160x128xf32, #tpu.memory_space<vmem>>) target_semaphore(%run_scoped3A : memref<!tpu.dma_semaphore, #tpu.memory_space<semaphore_mem>>)
      %dma_wait3A = arith.constant 0 : i32
      %dma_wait3A_121 = arith.constant 0 : i32
      %dma_wait3A_122 = tpu.memref_slice %arg10[%dma_wait3A, %dma_wait3A_121] : memref<176x128xf32, #tpu.memory_space<vmem>> -> memref<160x128xf32, #tpu.memory_space<vmem>>
      %dma_wait3A_123 = arith.constant 0 : i32
      %dma_wait3A_124 = tpu.memref_slice %arg11[%add3A_88, %dma_wait3A_123] : memref<5632x128xf32, #tpu.memory_space<vmem_shared>> -> memref<160x128xf32, #tpu.memory_space<vmem_shared>>
      %dma_wait3A_125 = arith.constant 0 : i32
      %dma_wait3A_126 = arith.constant 0 : i32
      %dma_wait3A_127 = tpu.memref_slice %arg10[%dma_wait3A_125, %dma_wait3A_126] : memref<176x128xf32, #tpu.memory_space<vmem>> -> memref<160x128xf32, #tpu.memory_space<vmem>>
      %dma_wait3A_128 = arith.constant 0 : i32
      %dma_wait3A_129 = tpu.memref_slice %arg11[%add3A_88, %dma_wait3A_128] : memref<5632x128xf32, #tpu.memory_space<vmem_shared>> -> memref<160x128xf32, #tpu.memory_space<vmem_shared>>
      tpu.wait_dma2 semaphore(%run_scoped3A : memref<!tpu.dma_semaphore, #tpu.memory_space<semaphore_mem>>) src(%dma_wait3A_129 : memref<160x128xf32, #tpu.memory_space<vmem_shared>>) dst(%dma_wait3A_127 : memref<160x128xf32, #tpu.memory_space<vmem>>)
      tpu.yield
    }) : () -> ()
    %mul3A_89 = arith.constant 10240 : i32
    %mul3A_90 = arith.muli %arg0, %mul3A_89 : i32
    %add3A_91 = arith.constant 5120 : i32
    %add3A_92 = arith.addi %mul3A_90, %add3A_91 : i32
    %mul3A_93 = arith.constant 320 : i32
    %mul3A_94 = arith.muli %arg1, %mul3A_93 : i32
    %add3A_95 = arith.addi %add3A_92, %mul3A_94 : i32
    %add3A_96 = arith.constant 0 : i32
    %add3A_97 = arith.addi %add3A_95, %add3A_96 : i32
    "tpu.region"() ({
      %run_scoped3A = tpu.sem_alloc : memref<!tpu.dma_semaphore, #tpu.memory_space<semaphore_mem>>
      %dma_start3A_111 = arith.constant 0 : i32
      %dma_start3A_112 = arith.constant 0 : i32
      %dma_start3A_113 = tpu.memref_slice %arg10[%dma_start3A_111, %dma_start3A_112] : memref<176x128xf32, #tpu.memory_space<vmem>> -> memref<160x128xf32, #tpu.memory_space<vmem>>
      %dma_start3A_114 = arith.constant 0 : i32
      %dma_start3A_115 = tpu.memref_slice %arg6[%add3A_97, %dma_start3A_114] : memref<20480x128xf32, #tpu.memory_space<hbm>> -> memref<160x128xf32, #tpu.memory_space<hbm>>
      %dma_start3A_116 = arith.constant 0 : i32
      %dma_start3A_117 = tpu.memref_slice %arg6[%add3A_97, %dma_start3A_116] : memref<20480x128xf32, #tpu.memory_space<hbm>> -> memref<160x128xf32, #tpu.memory_space<hbm>>
      %dma_start3A_118 = arith.constant 0 : i32
      %dma_start3A_119 = arith.constant 0 : i32
      %dma_start3A_120 = tpu.memref_slice %arg10[%dma_start3A_118, %dma_start3A_119] : memref<176x128xf32, #tpu.memory_space<vmem>> -> memref<160x128xf32, #tpu.memory_space<vmem>>
      tpu.enqueue_dma source(%dma_start3A_120 : memref<160x128xf32, #tpu.memory_space<vmem>>) target(%dma_start3A_117 : memref<160x128xf32, #tpu.memory_space<hbm>>) target_semaphore(%run_scoped3A : memref<!tpu.dma_semaphore, #tpu.memory_space<semaphore_mem>>)
      %dma_wait3A = arith.constant 0 : i32
      %dma_wait3A_121 = arith.constant 0 : i32
      %dma_wait3A_122 = tpu.memref_slice %arg10[%dma_wait3A, %dma_wait3A_121] : memref<176x128xf32, #tpu.memory_space<vmem>> -> memref<160x128xf32, #tpu.memory_space<vmem>>
      %dma_wait3A_123 = arith.constant 0 : i32
      %dma_wait3A_124 = tpu.memref_slice %arg6[%add3A_97, %dma_wait3A_123] : memref<20480x128xf32, #tpu.memory_space<hbm>> -> memref<160x128xf32, #tpu.memory_space<hbm>>
      %dma_wait3A_125 = arith.constant 0 : i32
      %dma_wait3A_126 = tpu.memref_slice %arg6[%add3A_97, %dma_wait3A_125] : memref<20480x128xf32, #tpu.memory_space<hbm>> -> memref<160x128xf32, #tpu.memory_space<hbm>>
      %dma_wait3A_127 = arith.constant 0 : i32
      %dma_wait3A_128 = arith.constant 0 : i32
      %dma_wait3A_129 = tpu.memref_slice %arg10[%dma_wait3A_127, %dma_wait3A_128] : memref<176x128xf32, #tpu.memory_space<vmem>> -> memref<160x128xf32, #tpu.memory_space<vmem>>
      tpu.wait_dma2 semaphore(%run_scoped3A : memref<!tpu.dma_semaphore, #tpu.memory_space<semaphore_mem>>) src(%dma_wait3A_129 : memref<160x128xf32, #tpu.memory_space<vmem>>) dst(%dma_wait3A_126 : memref<160x128xf32, #tpu.memory_space<hbm>>)
      tpu.yield
    }) : () -> ()
    %mul3A_98 = arith.constant 320 : i32
    %mul3A_99 = arith.muli %arg1, %mul3A_98 : i32
    %add3A_100 = arith.constant 160 : i32
    %add3A_101 = arith.addi %mul3A_99, %add3A_100 : i32
    "tpu.region"() ({
      %run_scoped3A = tpu.sem_alloc : memref<!tpu.dma_semaphore, #tpu.memory_space<semaphore_mem>>
      %dma_start3A_111 = arith.constant 0 : i32
      %dma_start3A_112 = arith.constant 0 : i32
      %dma_start3A_113 = tpu.memref_slice %arg10[%dma_start3A_111, %dma_start3A_112] : memref<176x128xf32, #tpu.memory_space<vmem>> -> memref<160x128xf32, #tpu.memory_space<vmem>>
      %dma_start3A_114 = arith.constant 0 : i32
      %dma_start3A_115 = tpu.memref_slice %arg11[%add3A_101, %dma_start3A_114] : memref<5632x128xf32, #tpu.memory_space<vmem_shared>> -> memref<160x128xf32, #tpu.memory_space<vmem_shared>>
      %dma_start3A_116 = arith.constant 0 : i32
      %dma_start3A_117 = arith.constant 0 : i32
      %dma_start3A_118 = tpu.memref_slice %arg10[%dma_start3A_116, %dma_start3A_117] : memref<176x128xf32, #tpu.memory_space<vmem>> -> memref<160x128xf32, #tpu.memory_space<vmem>>
      %dma_start3A_119 = arith.constant 0 : i32
      %dma_start3A_120 = tpu.memref_slice %arg11[%add3A_101, %dma_start3A_119] : memref<5632x128xf32, #tpu.memory_space<vmem_shared>> -> memref<160x128xf32, #tpu.memory_space<vmem_shared>>
      tpu.enqueue_dma source(%dma_start3A_120 : memref<160x128xf32, #tpu.memory_space<vmem_shared>>) target(%dma_start3A_118 : memref<160x128xf32, #tpu.memory_space<vmem>>) target_semaphore(%run_scoped3A : memref<!tpu.dma_semaphore, #tpu.memory_space<semaphore_mem>>)
      %dma_wait3A = arith.constant 0 : i32
      %dma_wait3A_121 = arith.constant 0 : i32
      %dma_wait3A_122 = tpu.memref_slice %arg10[%dma_wait3A, %dma_wait3A_121] : memref<176x128xf32, #tpu.memory_space<vmem>> -> memref<160x128xf32, #tpu.memory_space<vmem>>
      %dma_wait3A_123 = arith.constant 0 : i32
      %dma_wait3A_124 = tpu.memref_slice %arg11[%add3A_101, %dma_wait3A_123] : memref<5632x128xf32, #tpu.memory_space<vmem_shared>> -> memref<160x128xf32, #tpu.memory_space<vmem_shared>>
      %dma_wait3A_125 = arith.constant 0 : i32
      %dma_wait3A_126 = arith.constant 0 : i32
      %dma_wait3A_127 = tpu.memref_slice %arg10[%dma_wait3A_125, %dma_wait3A_126] : memref<176x128xf32, #tpu.memory_space<vmem>> -> memref<160x128xf32, #tpu.memory_space<vmem>>
      %dma_wait3A_128 = arith.constant 0 : i32
      %dma_wait3A_129 = tpu.memref_slice %arg11[%add3A_101, %dma_wait3A_128] : memref<5632x128xf32, #tpu.memory_space<vmem_shared>> -> memref<160x128xf32, #tpu.memory_space<vmem_shared>>
      tpu.wait_dma2 semaphore(%run_scoped3A : memref<!tpu.dma_semaphore, #tpu.memory_space<semaphore_mem>>) src(%dma_wait3A_129 : memref<160x128xf32, #tpu.memory_space<vmem_shared>>) dst(%dma_wait3A_127 : memref<160x128xf32, #tpu.memory_space<vmem>>)
      tpu.yield
    }) : () -> ()
    %mul3A_102 = arith.constant 10240 : i32
    %mul3A_103 = arith.muli %arg0, %mul3A_102 : i32
    %add3A_104 = arith.constant 5120 : i32
    %add3A_105 = arith.addi %mul3A_103, %add3A_104 : i32
    %mul3A_106 = arith.constant 320 : i32
    %mul3A_107 = arith.muli %arg1, %mul3A_106 : i32
    %add3A_108 = arith.addi %add3A_105, %mul3A_107 : i32
    %add3A_109 = arith.constant 160 : i32
    %add3A_110 = arith.addi %add3A_108, %add3A_109 : i32
    "tpu.region"() ({
      %run_scoped3A = tpu.sem_alloc : memref<!tpu.dma_semaphore, #tpu.memory_space<semaphore_mem>>
      %dma_start3A_111 = arith.constant 0 : i32
      %dma_start3A_112 = arith.constant 0 : i32
      %dma_start3A_113 = tpu.memref_slice %arg10[%dma_start3A_111, %dma_start3A_112] : memref<176x128xf32, #tpu.memory_space<vmem>> -> memref<160x128xf32, #tpu.memory_space<vmem>>
      %dma_start3A_114 = arith.constant 0 : i32
      %dma_start3A_115 = tpu.memref_slice %arg6[%add3A_110, %dma_start3A_114] : memref<20480x128xf32, #tpu.memory_space<hbm>> -> memref<160x128xf32, #tpu.memory_space<hbm>>
      %dma_start3A_116 = arith.constant 0 : i32
      %dma_start3A_117 = tpu.memref_slice %arg6[%add3A_110, %dma_start3A_116] : memref<20480x128xf32, #tpu.memory_space<hbm>> -> memref<160x128xf32, #tpu.memory_space<hbm>>
      %dma_start3A_118 = arith.constant 0 : i32
      %dma_start3A_119 = arith.constant 0 : i32
      %dma_start3A_120 = tpu.memref_slice %arg10[%dma_start3A_118, %dma_start3A_119] : memref<176x128xf32, #tpu.memory_space<vmem>> -> memref<160x128xf32, #tpu.memory_space<vmem>>
      tpu.enqueue_dma source(%dma_start3A_120 : memref<160x128xf32, #tpu.memory_space<vmem>>) target(%dma_start3A_117 : memref<160x128xf32, #tpu.memory_space<hbm>>) target_semaphore(%run_scoped3A : memref<!tpu.dma_semaphore, #tpu.memory_space<semaphore_mem>>)
      %dma_wait3A = arith.constant 0 : i32
      %dma_wait3A_121 = arith.constant 0 : i32
      %dma_wait3A_122 = tpu.memref_slice %arg10[%dma_wait3A, %dma_wait3A_121] : memref<176x128xf32, #tpu.memory_space<vmem>> -> memref<160x128xf32, #tpu.memory_space<vmem>>
      %dma_wait3A_123 = arith.constant 0 : i32
      %dma_wait3A_124 = tpu.memref_slice %arg6[%add3A_110, %dma_wait3A_123] : memref<20480x128xf32, #tpu.memory_space<hbm>> -> memref<160x128xf32, #tpu.memory_space<hbm>>
      %dma_wait3A_125 = arith.constant 0 : i32
      %dma_wait3A_126 = tpu.memref_slice %arg6[%add3A_110, %dma_wait3A_125] : memref<20480x128xf32, #tpu.memory_space<hbm>> -> memref<160x128xf32, #tpu.memory_space<hbm>>
      %dma_wait3A_127 = arith.constant 0 : i32
      %dma_wait3A_128 = arith.constant 0 : i32
      %dma_wait3A_129 = tpu.memref_slice %arg10[%dma_wait3A_127, %dma_wait3A_128] : memref<176x128xf32, #tpu.memory_space<vmem>> -> memref<160x128xf32, #tpu.memory_space<vmem>>
      tpu.wait_dma2 semaphore(%run_scoped3A : memref<!tpu.dma_semaphore, #tpu.memory_space<semaphore_mem>>) src(%dma_wait3A_129 : memref<160x128xf32, #tpu.memory_space<vmem>>) dst(%dma_wait3A_126 : memref<160x128xf32, #tpu.memory_space<hbm>>)
      tpu.yield
    }) : () -> ()
    return
  }
}

module attributes {stable_mosaic.version = 14 : i64} {
  func.func @_k2_body(%arg0: i32, %arg1: memref<1024x128xf32, #tpu.memory_space<vmem>>, %arg2: memref<128x128xf32, #tpu.memory_space<vmem>>, %arg3: memref<2x1024x128xf32, #tpu.memory_space<vmem>>, %arg4: memref<1024x128xf32, #tpu.memory_space<vmem>>, %arg5: memref<1024x1xf32, #tpu.memory_space<vmem>>) attributes {dimension_semantics = [#tpu.dimension_semantics<arbitrary>], iteration_bounds = array<i64: 10>, scalar_prefetch = 0 : i64, scratch_operands = 0 : i64, tpu.core_type = #tpu.core_type<tc>, window_params = [{transform_indices = @transform_0, window_bounds = array<i64: 1024, 128>}, {pipeline_mode = #tpu.pipeline_mode<synchronous>, transform_indices = @transform_1, window_bounds = array<i64: 128, 128>}, {transform_indices = @transform_2, window_bounds = array<i64: 2, 1024, 128>}, {transform_indices = @transform_3, window_bounds = array<i64: 1024, 128>}, {transform_indices = @transform_4, window_bounds = array<i64: 1024, 1>}]} {
    %get3A = arith.constant 0 : index
    %get3A_0 = arith.constant 0 : index
    %get3A_1 = arith.constant 0 : index
    %get3A_2 = vector.load %arg3[%get3A, %get3A_0, %get3A_1] : memref<2x1024x128xf32, #tpu.memory_space<vmem>>, vector<1x1024x1xf32>
    %get3A_3 = vector.shape_cast %get3A_2 : vector<1x1024x1xf32> to vector<1024x1xf32>
    %get3A_4 = arith.constant 1 : index
    %get3A_5 = arith.constant 0 : index
    %get3A_6 = arith.constant 0 : index
    %get3A_7 = vector.load %arg3[%get3A_4, %get3A_5, %get3A_6] : memref<2x1024x128xf32, #tpu.memory_space<vmem>>, vector<1x1024x1xf32>
    %get3A_8 = vector.shape_cast %get3A_7 : vector<1x1024x1xf32> to vector<1024x1xf32>
    %add3A = arith.addf %get3A_3, %get3A_8 : vector<1024x1xf32>
    %add3A_9 = arith.constant 1.000000e+00 : f32
    %add3A_10 = vector.broadcast %add3A_9 : f32 to vector<1024x1xf32>
    %add3A_11 = arith.addf %add3A, %add3A_10 : vector<1024x1xf32>
    %rsqrt3A = math.rsqrt %add3A_11 : vector<1024x1xf32>
    %get3A_12 = arith.constant 0 : index
    %get3A_13 = arith.constant 0 : index
    %get3A_14 = vector.load %arg1[%get3A_12, %get3A_13] : memref<1024x128xf32, #tpu.memory_space<vmem>>, vector<1024x128xf32>
    %convert_element_type3A = arith.truncf %get3A_14 : vector<1024x128xf32> to vector<1024x128xbf16>
    %get3A_15 = arith.constant 0 : index
    %get3A_16 = arith.constant 0 : index
    %get3A_17 = vector.load %arg2[%get3A_15, %get3A_16] : memref<128x128xf32, #tpu.memory_space<vmem>>, vector<128x128xf32>
    %convert_element_type3A_18 = arith.truncf %get3A_17 : vector<128x128xf32> to vector<128x128xbf16>
    %dot_general3A = arith.constant dense<0.000000e+00> : vector<1024x128xf32>
    %dot_general3A_19 = tpu.matmul %convert_element_type3A, %convert_element_type3A_18, %dot_general3A {dimension_numbers = #tpu.dot_dimension_numbers<[1], [0], [0], [1], [0, 0, 1, 1], [], []>, transpose_lhs_hint = false} : vector<1024x128xbf16>, vector<128x128xbf16>, vector<1024x128xf32> -> vector<1024x128xf32>
    %mul3A = vector.broadcast %rsqrt3A : vector<1024x1xf32> to vector<1024x128xf32>
    %mul3A_20 = arith.mulf %dot_general3A_19, %mul3A : vector<1024x128xf32>
    %swap3A = arith.constant 0 : index
    %swap3A_21 = arith.constant 0 : index
    %swap3A_22 = vector.load %arg4[%swap3A, %swap3A_21] : memref<1024x128xf32, #tpu.memory_space<vmem>>, vector<1024x128xf32>
    tpu.vector_store %arg4[%swap3A, %swap3A_21], %mul3A_20 {strides = array<i32>} : memref<1024x128xf32, #tpu.memory_space<vmem>>, vector<1024x128xf32>,
    %swap3A_23 = arith.constant 0 : index
    %swap3A_24 = arith.constant 0 : index
    %swap3A_25 = vector.load %arg5[%swap3A_23, %swap3A_24] : memref<1024x1xf32, #tpu.memory_space<vmem>>, vector<1024x1xf32>
    tpu.vector_store %arg5[%swap3A_23, %swap3A_24], %rsqrt3A {strides = array<i32>} : memref<1024x1xf32, #tpu.memory_space<vmem>>, vector<1024x1xf32>,
    return
  }
  func.func @transform_0(%arg0: i32) -> (i32, i32) {
    %c0_i32 = arith.constant 0 : i32
    %c0_i32_0 = arith.constant 0 : i32
    return %arg0, %c0_i32 : i32, i32
  }
  func.func @transform_1(%arg0: i32) -> (i32, i32) {
    %c0_i32 = arith.constant 0 : i32
    %c0_i32_0 = arith.constant 0 : i32
    %c0_i32_1 = arith.constant 0 : i32
    return %c0_i32, %c0_i32_0 : i32, i32
  }
  func.func @transform_2(%arg0: i32) -> (i32, i32, i32) {
    %c0_i32 = arith.constant 0 : i32
    %c0_i32_0 = arith.constant 0 : i32
    %c0_i32_1 = arith.constant 0 : i32
    return %c0_i32, %arg0, %c0_i32_0 : i32, i32, i32
  }
  func.func @transform_3(%arg0: i32) -> (i32, i32) {
    %c0_i32 = arith.constant 0 : i32
    %c0_i32_0 = arith.constant 0 : i32
    return %arg0, %c0_i32 : i32, i32
  }
  func.func @transform_4(%arg0: i32) -> (i32, i32) {
    %c0_i32 = arith.constant 0 : i32
    %c0_i32_0 = arith.constant 0 : i32
    return %arg0, %c0_i32 : i32, i32
  }
}

module attributes {stable_mosaic.version = 14 : i64} {
  func.func @_k4_body(%arg0: i32, %arg1: memref<2x1024x128xf32, #tpu.memory_space<vmem>>, %arg2: memref<1024x128xf32, #tpu.memory_space<vmem>>, %arg3: memref<1024x1xf32, #tpu.memory_space<vmem>>, %arg4: memref<1x128xf32, #tpu.memory_space<vmem>>, %arg5: memref<1x128xf32, #tpu.memory_space<vmem>>, %arg6: memref<128x64xf32, #tpu.memory_space<vmem>>, %arg7: memref<1024x2x128xf32, #tpu.memory_space<vmem>>, %arg8: memref<1024x64xf32, #tpu.memory_space<vmem>>) attributes {dimension_semantics = [#tpu.dimension_semantics<arbitrary>], iteration_bounds = array<i64: 10>, scalar_prefetch = 0 : i64, scratch_operands = 0 : i64, tpu.core_type = #tpu.core_type<tc>, window_params = [{transform_indices = @transform_0, window_bounds = array<i64: 2, 1024, 128>}, {transform_indices = @transform_1, window_bounds = array<i64: 1024, 128>}, {transform_indices = @transform_2, window_bounds = array<i64: 1024, 1>}, {pipeline_mode = #tpu.pipeline_mode<synchronous>, transform_indices = @transform_3, window_bounds = array<i64: 1, 128>}, {pipeline_mode = #tpu.pipeline_mode<synchronous>, transform_indices = @transform_4, window_bounds = array<i64: 1, 128>}, {pipeline_mode = #tpu.pipeline_mode<synchronous>, transform_indices = @transform_5, window_bounds = array<i64: 128, 64>}, {transform_indices = @transform_6, window_bounds = array<i64: 1024, 2, 128>}, {transform_indices = @transform_7, window_bounds = array<i64: 1024, 64>}]} {
    %get3A = arith.constant 0 : index
    %get3A_0 = arith.constant 0 : index
    %get3A_1 = vector.load %arg3[%get3A, %get3A_0] : memref<1024x1xf32, #tpu.memory_space<vmem>>, vector<1024x1xf32>
    %get3A_2 = arith.constant 0 : index
    %get3A_3 = arith.constant 0 : index
    %get3A_4 = arith.constant 0 : index
    %get3A_5 = vector.load %arg1[%get3A_2, %get3A_3, %get3A_4] : memref<2x1024x128xf32, #tpu.memory_space<vmem>>, vector<1x1024x128xf32>
    %get3A_6 = vector.shape_cast %get3A_5 : vector<1x1024x128xf32> to vector<1024x128xf32>
    %get3A_7 = arith.constant 1 : index
    %get3A_8 = arith.constant 0 : index
    %get3A_9 = arith.constant 0 : index
    %get3A_10 = vector.load %arg1[%get3A_7, %get3A_8, %get3A_9] : memref<2x1024x128xf32, #tpu.memory_space<vmem>>, vector<1x1024x128xf32>
    %get3A_11 = vector.shape_cast %get3A_10 : vector<1x1024x128xf32> to vector<1024x128xf32>
    %add3A = arith.addf %get3A_6, %get3A_11 : vector<1024x128xf32>
    %get3A_12 = arith.constant 0 : index
    %get3A_13 = arith.constant 0 : index
    %get3A_14 = vector.load %arg2[%get3A_12, %get3A_13] : memref<1024x128xf32, #tpu.memory_space<vmem>>, vector<1024x128xf32>
    %add3A_15 = arith.addf %add3A, %get3A_14 : vector<1024x128xf32>
    %mul3A = vector.broadcast %get3A_1 : vector<1024x1xf32> to vector<1024x128xf32>
    %mul3A_16 = arith.mulf %mul3A, %add3A_15 : vector<1024x128xf32>
    %get3A_17 = arith.constant 0 : index
    %get3A_18 = arith.constant 0 : index
    %get3A_19 = vector.load %arg4[%get3A_17, %get3A_18] : memref<1x128xf32, #tpu.memory_space<vmem>>, vector<1x128xf32>
    %mul3A_20 = vector.broadcast %get3A_19 : vector<1x128xf32> to vector<1024x128xf32>
    %mul3A_21 = arith.mulf %mul3A_16, %mul3A_20 : vector<1024x128xf32>
    %get3A_22 = arith.constant 0 : index
    %get3A_23 = arith.constant 0 : index
    %get3A_24 = vector.load %arg5[%get3A_22, %get3A_23] : memref<1x128xf32, #tpu.memory_space<vmem>>, vector<1x128xf32>
    %add3A_25 = vector.broadcast %get3A_24 : vector<1x128xf32> to vector<1024x128xf32>
    %add3A_26 = arith.addf %mul3A_21, %add3A_25 : vector<1024x128xf32>
    %max3A = arith.constant 0.000000e+00 : f32
    %max3A_27 = vector.broadcast %max3A : f32 to vector<1024x128xf32>
    %max3A_28 = arith.maximumf %add3A_26, %max3A_27 : vector<1024x128xf32>
    %convert_element_type3A = arith.truncf %max3A_28 : vector<1024x128xf32> to vector<1024x128xbf16>
    %get3A_29 = arith.constant 0 : index
    %get3A_30 = arith.constant 0 : index
    %get3A_31 = vector.load %arg6[%get3A_29, %get3A_30] : memref<128x64xf32, #tpu.memory_space<vmem>>, vector<128x64xf32>
    %convert_element_type3A_32 = arith.truncf %get3A_31 : vector<128x64xf32> to vector<128x64xbf16>
    %dot_general3A = arith.constant dense<0.000000e+00> : vector<1024x64xf32>
    %dot_general3A_33 = tpu.matmul %convert_element_type3A, %convert_element_type3A_32, %dot_general3A {dimension_numbers = #tpu.dot_dimension_numbers<[1], [0], [0], [1], [0, 0, 1, 1], [], []>, transpose_lhs_hint = false} : vector<1024x128xbf16>, vector<128x64xbf16>, vector<1024x64xf32> -> vector<1024x64xf32>
    %mul3A_34 = vector.broadcast %get3A_1 : vector<1024x1xf32> to vector<1024x64xf32>
    %mul3A_35 = arith.mulf %dot_general3A_33, %mul3A_34 : vector<1024x64xf32>
    %broadcast_in_dim3A = arith.constant 0.000000e+00 : f32
    %broadcast_in_dim3A_36 = vector.broadcast %broadcast_in_dim3A : f32 to vector<1024x64xf32>
    %swap3A = arith.constant 0 : index
    %swap3A_37 = arith.constant 0 : index
    %swap3A_38 = vector.load %arg8[%swap3A, %swap3A_37] : memref<1024x64xf32, #tpu.memory_space<vmem>>, vector<1024x64xf32>
    tpu.vector_store %arg8[%swap3A, %swap3A_37], %mul3A_35 {strides = array<i32>} : memref<1024x64xf32, #tpu.memory_space<vmem>>, vector<1024x64xf32>,
    %swap3A_39 = arith.constant 0 : index
    %swap3A_40 = arith.constant 0 : index
    %swap3A_41 = arith.constant 0 : index
    %swap3A_42 = vector.load %arg7[%swap3A_39, %swap3A_40, %swap3A_41] : memref<1024x2x128xf32, #tpu.memory_space<vmem>>, vector<1024x1x64xf32>
    %swap3A_43 = vector.shape_cast %swap3A_42 : vector<1024x1x64xf32> to vector<1024x64xf32>
    %swap3A_44 = vector.shape_cast %mul3A_35 : vector<1024x64xf32> to vector<1024x1x64xf32>
    tpu.vector_store %arg7[%swap3A_39, %swap3A_40, %swap3A_41], %swap3A_44 {strides = array<i32>} : memref<1024x2x128xf32, #tpu.memory_space<vmem>>, vector<1024x1x64xf32>,
    %swap3A_45 = arith.constant 0 : index
    %swap3A_46 = arith.constant 0 : index
    %swap3A_47 = arith.constant 64 : index
    %swap3A_48 = vector.load %arg7[%swap3A_45, %swap3A_46, %swap3A_47] : memref<1024x2x128xf32, #tpu.memory_space<vmem>>, vector<1024x1x64xf32>
    %swap3A_49 = vector.shape_cast %swap3A_48 : vector<1024x1x64xf32> to vector<1024x64xf32>
    %swap3A_50 = vector.shape_cast %broadcast_in_dim3A_36 : vector<1024x64xf32> to vector<1024x1x64xf32>
    tpu.vector_store %arg7[%swap3A_45, %swap3A_46, %swap3A_47], %swap3A_50 {strides = array<i32>} : memref<1024x2x128xf32, #tpu.memory_space<vmem>>, vector<1024x1x64xf32>,
    %swap3A_51 = arith.constant 0 : index
    %swap3A_52 = arith.constant 1 : index
    %swap3A_53 = arith.constant 0 : index
    %swap3A_54 = vector.load %arg7[%swap3A_51, %swap3A_52, %swap3A_53] : memref<1024x2x128xf32, #tpu.memory_space<vmem>>, vector<1024x1x64xf32>
    %swap3A_55 = vector.shape_cast %swap3A_54 : vector<1024x1x64xf32> to vector<1024x64xf32>
    %swap3A_56 = vector.shape_cast %broadcast_in_dim3A_36 : vector<1024x64xf32> to vector<1024x1x64xf32>
    tpu.vector_store %arg7[%swap3A_51, %swap3A_52, %swap3A_53], %swap3A_56 {strides = array<i32>} : memref<1024x2x128xf32, #tpu.memory_space<vmem>>, vector<1024x1x64xf32>,
    %swap3A_57 = arith.constant 0 : index
    %swap3A_58 = arith.constant 1 : index
    %swap3A_59 = arith.constant 64 : index
    %swap3A_60 = vector.load %arg7[%swap3A_57, %swap3A_58, %swap3A_59] : memref<1024x2x128xf32, #tpu.memory_space<vmem>>, vector<1024x1x64xf32>
    %swap3A_61 = vector.shape_cast %swap3A_60 : vector<1024x1x64xf32> to vector<1024x64xf32>
    %swap3A_62 = vector.shape_cast %mul3A_35 : vector<1024x64xf32> to vector<1024x1x64xf32>
    tpu.vector_store %arg7[%swap3A_57, %swap3A_58, %swap3A_59], %swap3A_62 {strides = array<i32>} : memref<1024x2x128xf32, #tpu.memory_space<vmem>>, vector<1024x1x64xf32>,
    return
  }
  func.func @transform_0(%arg0: i32) -> (i32, i32, i32) {
    %c0_i32 = arith.constant 0 : i32
    %c0_i32_0 = arith.constant 0 : i32
    %c0_i32_1 = arith.constant 0 : i32
    return %c0_i32, %arg0, %c0_i32_0 : i32, i32, i32
  }
  func.func @transform_1(%arg0: i32) -> (i32, i32) {
    %c0_i32 = arith.constant 0 : i32
    %c0_i32_0 = arith.constant 0 : i32
    return %arg0, %c0_i32 : i32, i32
  }
  func.func @transform_2(%arg0: i32) -> (i32, i32) {
    %c0_i32 = arith.constant 0 : i32
    %c0_i32_0 = arith.constant 0 : i32
    return %arg0, %c0_i32 : i32, i32
  }
  func.func @transform_3(%arg0: i32) -> (i32, i32) {
    %c0_i32 = arith.constant 0 : i32
    %c0_i32_0 = arith.constant 0 : i32
    %c0_i32_1 = arith.constant 0 : i32
    return %c0_i32, %c0_i32_0 : i32, i32
  }
  func.func @transform_4(%arg0: i32) -> (i32, i32) {
    %c0_i32 = arith.constant 0 : i32
    %c0_i32_0 = arith.constant 0 : i32
    %c0_i32_1 = arith.constant 0 : i32
    return %c0_i32, %c0_i32_0 : i32, i32
  }
  func.func @transform_5(%arg0: i32) -> (i32, i32) {
    %c0_i32 = arith.constant 0 : i32
    %c0_i32_0 = arith.constant 0 : i32
    %c0_i32_1 = arith.constant 0 : i32
    return %c0_i32, %c0_i32_0 : i32, i32
  }
  func.func @transform_6(%arg0: i32) -> (i32, i32, i32) {
    %c0_i32 = arith.constant 0 : i32
    %c0_i32_0 = arith.constant 0 : i32
    %c0_i32_1 = arith.constant 0 : i32
    return %arg0, %c0_i32, %c0_i32_0 : i32, i32, i32
  }
  func.func @transform_7(%arg0: i32) -> (i32, i32) {
    %c0_i32 = arith.constant 0 : i32
    %c0_i32_0 = arith.constant 0 : i32
    return %arg0, %c0_i32 : i32, i32
  }
}

module attributes {stable_mosaic.version = 14 : i64} {
  func.func @_k6_body(%arg0: i32, %arg1: memref<2x1024x64xf32, #tpu.memory_space<vmem>>, %arg2: memref<1024x64xf32, #tpu.memory_space<vmem>>, %arg3: memref<1024x1xf32, #tpu.memory_space<vmem>>, %arg4: memref<1x64xf32, #tpu.memory_space<vmem>>, %arg5: memref<1x64xf32, #tpu.memory_space<vmem>>, %arg6: memref<1x64xf32, #tpu.memory_space<vmem>>, %arg7: memref<1x1xf32, #tpu.memory_space<vmem>>, %arg8: memref<1024x1xf32, #tpu.memory_space<vmem>>) attributes {dimension_semantics = [#tpu.dimension_semantics<arbitrary>], iteration_bounds = array<i64: 10>, scalar_prefetch = 0 : i64, scratch_operands = 0 : i64, tpu.core_type = #tpu.core_type<tc>, window_params = [{transform_indices = @transform_0, window_bounds = array<i64: 2, 1024, 64>}, {transform_indices = @transform_1, window_bounds = array<i64: 1024, 64>}, {transform_indices = @transform_2, window_bounds = array<i64: 1024, 1>}, {pipeline_mode = #tpu.pipeline_mode<synchronous>, transform_indices = @transform_3, window_bounds = array<i64: 1, 64>}, {pipeline_mode = #tpu.pipeline_mode<synchronous>, transform_indices = @transform_4, window_bounds = array<i64: 1, 64>}, {pipeline_mode = #tpu.pipeline_mode<synchronous>, transform_indices = @transform_5, window_bounds = array<i64: 1, 64>}, {pipeline_mode = #tpu.pipeline_mode<synchronous>, transform_indices = @transform_6, window_bounds = array<i64: 1, 1>}, {transform_indices = @transform_7, window_bounds = array<i64: 1024, 1>}]} {
    %get3A = arith.constant 0 : index
    %get3A_0 = arith.constant 0 : index
    %get3A_1 = vector.load %arg3[%get3A, %get3A_0] : memref<1024x1xf32, #tpu.memory_space<vmem>>, vector<1024x1xf32>
    %get3A_2 = arith.constant 0 : index
    %get3A_3 = arith.constant 0 : index
    %get3A_4 = arith.constant 0 : index
    %get3A_5 = vector.load %arg1[%get3A_2, %get3A_3, %get3A_4] : memref<2x1024x64xf32, #tpu.memory_space<vmem>>, vector<1x1024x64xf32>
    %get3A_6 = vector.shape_cast %get3A_5 : vector<1x1024x64xf32> to vector<1024x64xf32>
    %get3A_7 = arith.constant 1 : index
    %get3A_8 = arith.constant 0 : index
    %get3A_9 = arith.constant 0 : index
    %get3A_10 = vector.load %arg1[%get3A_7, %get3A_8, %get3A_9] : memref<2x1024x64xf32, #tpu.memory_space<vmem>>, vector<1x1024x64xf32>
    %get3A_11 = vector.shape_cast %get3A_10 : vector<1x1024x64xf32> to vector<1024x64xf32>
    %add3A = arith.addf %get3A_6, %get3A_11 : vector<1024x64xf32>
    %get3A_12 = arith.constant 0 : index
    %get3A_13 = arith.constant 0 : index
    %get3A_14 = vector.load %arg2[%get3A_12, %get3A_13] : memref<1024x64xf32, #tpu.memory_space<vmem>>, vector<1024x64xf32>
    %add3A_15 = arith.addf %add3A, %get3A_14 : vector<1024x64xf32>
    %mul3A = vector.broadcast %get3A_1 : vector<1024x1xf32> to vector<1024x64xf32>
    %mul3A_16 = arith.mulf %mul3A, %add3A_15 : vector<1024x64xf32>
    %get3A_17 = arith.constant 0 : index
    %get3A_18 = arith.constant 0 : index
    %get3A_19 = vector.load %arg4[%get3A_17, %get3A_18] : memref<1x64xf32, #tpu.memory_space<vmem>>, vector<1x64xf32>
    %mul3A_20 = vector.broadcast %get3A_19 : vector<1x64xf32> to vector<1024x64xf32>
    %mul3A_21 = arith.mulf %mul3A_16, %mul3A_20 : vector<1024x64xf32>
    %get3A_22 = arith.constant 0 : index
    %get3A_23 = arith.constant 0 : index
    %get3A_24 = vector.load %arg5[%get3A_22, %get3A_23] : memref<1x64xf32, #tpu.memory_space<vmem>>, vector<1x64xf32>
    %add3A_25 = vector.broadcast %get3A_24 : vector<1x64xf32> to vector<1024x64xf32>
    %add3A_26 = arith.addf %mul3A_21, %add3A_25 : vector<1024x64xf32>
    %max3A = arith.constant 0.000000e+00 : f32
    %max3A_27 = vector.broadcast %max3A : f32 to vector<1024x64xf32>
    %max3A_28 = arith.maximumf %add3A_26, %max3A_27 : vector<1024x64xf32>
    %convert_element_type3A = arith.truncf %max3A_28 : vector<1024x64xf32> to vector<1024x64xbf16>
    %convert_element_type3A_29 = arith.extf %convert_element_type3A : vector<1024x64xbf16> to vector<1024x64xf32>
    %get3A_30 = arith.constant 0 : index
    %get3A_31 = arith.constant 0 : index
    %get3A_32 = vector.load %arg6[%get3A_30, %get3A_31] : memref<1x64xf32, #tpu.memory_space<vmem>>, vector<1x64xf32>
    %convert_element_type3A_33 = arith.truncf %get3A_32 : vector<1x64xf32> to vector<1x64xbf16>
    %convert_element_type3A_34 = arith.extf %convert_element_type3A_33 : vector<1x64xbf16> to vector<1x64xf32>
    %mul3A_35 = vector.broadcast %convert_element_type3A_34 : vector<1x64xf32> to vector<1024x64xf32>
    %mul3A_36 = arith.mulf %convert_element_type3A_29, %mul3A_35 : vector<1024x64xf32>
    %reduce_sum3A = arith.constant dense<0.000000e+00> : vector<1024xf32>
    %reduce_sum3A_37 = vector.multi_reduction <add>, %mul3A_36, %reduce_sum3A [1] : vector<1024x64xf32> to vector<1024xf32>
    %broadcast_in_dim3A = vector.shape_cast %reduce_sum3A_37 : vector<1024xf32> to vector<1024x1xf32>
    %get3A_38 = arith.constant 0 : index
    %get3A_39 = arith.constant 0 : index
    %get3A_40 = vector.load %arg7[%get3A_38, %get3A_39] : memref<1x1xf32, #tpu.memory_space<vmem>>, vector<1x1xf32>
    %add3A_41 = vector.broadcast %get3A_40 : vector<1x1xf32> to vector<1024x1xf32>
    %add3A_42 = arith.addf %broadcast_in_dim3A, %add3A_41 : vector<1024x1xf32>
    %swap3A = arith.constant 0 : index
    %swap3A_43 = arith.constant 0 : index
    %swap3A_44 = vector.load %arg8[%swap3A, %swap3A_43] : memref<1024x1xf32, #tpu.memory_space<vmem>>, vector<1024x1xf32>
    tpu.vector_store %arg8[%swap3A, %swap3A_43], %add3A_42 {strides = array<i32>} : memref<1024x1xf32, #tpu.memory_space<vmem>>, vector<1024x1xf32>,
    return
  }
  func.func @transform_0(%arg0: i32) -> (i32, i32, i32) {
    %c0_i32 = arith.constant 0 : i32
    %c0_i32_0 = arith.constant 0 : i32
    %c0_i32_1 = arith.constant 0 : i32
    return %c0_i32, %arg0, %c0_i32_0 : i32, i32, i32
  }
  func.func @transform_1(%arg0: i32) -> (i32, i32) {
    %c0_i32 = arith.constant 0 : i32
    %c0_i32_0 = arith.constant 0 : i32
    return %arg0, %c0_i32 : i32, i32
  }
  func.func @transform_2(%arg0: i32) -> (i32, i32) {
    %c0_i32 = arith.constant 0 : i32
    %c0_i32_0 = arith.constant 0 : i32
    return %arg0, %c0_i32 : i32, i32
  }
  func.func @transform_3(%arg0: i32) -> (i32, i32) {
    %c0_i32 = arith.constant 0 : i32
    %c0_i32_0 = arith.constant 0 : i32
    %c0_i32_1 = arith.constant 0 : i32
    return %c0_i32, %c0_i32_0 : i32, i32
  }
  func.func @transform_4(%arg0: i32) -> (i32, i32) {
    %c0_i32 = arith.constant 0 : i32
    %c0_i32_0 = arith.constant 0 : i32
    %c0_i32_1 = arith.constant 0 : i32
    return %c0_i32, %c0_i32_0 : i32, i32
  }
  func.func @transform_5(%arg0: i32) -> (i32, i32) {
    %c0_i32 = arith.constant 0 : i32
    %c0_i32_0 = arith.constant 0 : i32
    %c0_i32_1 = arith.constant 0 : i32
    return %c0_i32, %c0_i32_0 : i32, i32
  }
  func.func @transform_6(%arg0: i32) -> (i32, i32) {
    %c0_i32 = arith.constant 0 : i32
    %c0_i32_0 = arith.constant 0 : i32
    %c0_i32_1 = arith.constant 0 : i32
    return %c0_i32, %c0_i32_0 : i32, i32
  }
  func.func @transform_7(%arg0: i32) -> (i32, i32) {
    %c0_i32 = arith.constant 0 : i32
    %c0_i32_0 = arith.constant 0 : i32
    return %arg0, %c0_i32 : i32, i32
  }
}

</mosaic_0001>

<sc_bundles>
// kernel: kernel.11.cloned.1.call-start
scs
__scs_entry_jumppad:
0x0: {  	(pc) =	sbr.rel $0x88, $3  }
0x1: {  	(tag) =	ssettag $0x0;
	lr =	simm.s32 $0x1  }
0x2: {  	[smem:$0x3F91] =	sst lr;
	_ =	strace $0xD0000000  }
0x3: {  	_ = 	snop  }
0x4: {  	_ = 	snop  }
0x5: {  	_ = 	snop  }
0x6: {  	_ = 	snop  }
0x7: {  	_ = 	snop  }
__scs_overlays_trampoline_lowered:
0x8: {  	[smem:$0x3FA0] =	sst s0  }
0x9: {  	[smem:$0x3FA1] =	sst s1  }
0xa: {  	[smem:$0x3FA2] =	sst s2  }
0xb: {  	[smem:$0x3FA3] =	sst s3  }
0xc: {  	[smem:$0x3FA4] =	sst s4  }
0xd: {  	[smem:$0x3FA5] =	sst s5  }
0xe: {  	[smem:$0x3FA6] =	sst s6  }
0xf: {  	[smem:$0x3FA7] =	sst s7  }
0x10: {  	[smem:$0x3FA8] =	sst s8  }
0x11: {  	[smem:$0x3FA9] =	sst s9;
	s0 =	simm.s32 @!p0 $0x0  }
0x12: {  	s1 =	sld [smem:$0x3F8F];
	s0 =	simm.s32 @p0 $0x1  }
0x13: {  	[smem:$0x3FAA] =	sst s0;
	s0 =	simm.s32 @!p1 $0x0  }
0x14: {  	s2 =	sld [smem:$0x3F8E];
	s0 =	simm.s32 @p1 $0x1  }
0x15: {  	[smem:$0x3FAB] =	sst s0;
	s0 =	simm.s32 @!p2 $0x0  }
0x16: {  	s3 =	sld [smem:$0x3FDB];
	s0 =	simm.s32 @p2 $0x1  }
0x17: {  	s4 =	simm.s32 $0x1BF5;
	[smem:$0x3FAD] =	sst s0  }
0x18: {  	s0 =	sld [smem:$0x3F90];
	_ =	swait.ge [sflag:s4], $0x0  }
0x19: {  	s7 =	sld [smem:$0x3F91]  }
0x1a: {  	s8 =	sadd.s32 $0xFFFFE003, lr  }
0x1b: {  	s9 =	sadd.s32 $0xFFFFFEF7, lr;
	s5 =	simm.s32 $0xFFFFFFFF;
	p2 =	slt.u32 s8, $0xFFFFF086  }
0x1c: {  	p1 =	slt.u32 s9, $0xF7A;
	s5 =	simm.s32 @!p2 $0x0  }
0x1d: {  	s5 =	simm.s32 @p1 $0x1;
	p0 =	seq.s32 s7, s2  }
0x1e: {  	s7 =	smul.u32 @!p0 $0xF7A, s2;
	p2 =	seq.s32 @!p0 s5, $0x0  }
0x1f: {  	s9 =	smul.u32 $0xF7A, s1;
	s8 =	simm.s32 @!p0 $0x1BF5;
	p2 =	por !p2, p0  }
0x20: {  	[sflag:s8] =	ssyncset.s32 @!p0 $0xFFFFF086;
	s6 =	sadd.s32 @!p0 s3, s7;
	s7 =	simm.s32 @!p0 $0x108  }
0x21: {  	s3 =	sadd.s32 s3, s9;
	s6 =	sadd.s32 @!p0 $0x88, s6;
	s7 =	simm.s32 @p2 $0x1082  }
0x22: {  	[simem:s7], [sflag:s8] =	dma.local @!p0 [hbm:s6], $0xF7A  }
0x23: {  	s9 =	sor.u32 $0xD0000000, s2;
	s6 =	simm.s32 $0x108;
	_ =	swait.ge @!p0 [sflag:s8], $0x0  }
0x24: {  	s3 =	sadd.s32 $0x88, s3;
	s6 =	simm.s32 @!p1 $0x1082;
	[sflag:s4] =	ssyncset.s32 $0xFFFFF086  }
0x25: {  	[simem:s6], [sflag:s4] =	dma.local [hbm:s3], $0xF7A  }
0x26: {  	[smem:$0x3F91] =	sst s1;
	(tag) =	ssettag s2;
	_ =	strace s9  }
0x27: {  	s1 =	sld [smem:$0x3FA1]  }
0x28: {  	s2 =	sld [smem:$0x3FA2]  }
0x29: {  	s4 =	sld [smem:$0x3FA4]  }
0x2a: {  	p0 =	seq.s32 s5, $0x0;
	s5 =	sld [smem:$0x3FA5]  }
0x2b: {  	s6 =	sld [smem:$0x3FA6]  }
0x2c: {  	s7 =	sld [smem:$0x3FA7]  }
0x2d: {  	s3 =	simm.s32 $0x108;
	s8 =	sld [smem:$0x3FA8]  }
0x2e: {  	s3 =	simm.s32 @!p0 $0x1082;
	s9 =	sld [smem:$0x3FA9]  }
0x2f: {  	lr =	sadd.s32 s0, s3;
	s0 =	sld [smem:$0x3FA0]  }
0x30: {  	s3 =	sld [smem:$0x3FA3]  }
0x31: {  	[smem:$0x3FAC] =	sst s10  }
0x32: {  	s10 =	sld [smem:$0x3FAA];
	_ =	sdelay $0x3  }
0x33: {  	p0 =	seq.s32 s10, $0x1;
	s10 =	sld [smem:$0x3FAC];
	_ =	sdelay $0x3  }
0x34: {  	[smem:$0x3FAC] =	sst s10  }
0x35: {  	s10 =	sld [smem:$0x3FAB];
	_ =	sdelay $0x3  }
0x36: {  	p1 =	seq.s32 s10, $0x1;
	s10 =	sld [smem:$0x3FAC];
	_ =	sdelay $0x3  }
0x37: {  	[smem:$0x3FAC] =	sst s10  }
0x38: {  	s10 =	sld [smem:$0x3FAD]  }
0x39: {  	_ = 	snop;
	(pc) =	sbr.ind lr, $3  }
0x3a: {  	_ = 	snop  }
0x3b: {  	_ = 	snop  }
0x3c: {  	p2 =	seq.s32 s10, $0x1;
	s10 =	sld [smem:$0x3FAC]  }
0x3d: {  	_ =	shalt  }
0x3e: {  	_ =	shalt  }
0x3f: {  	_ =	shalt  }
0x40: {  	_ =	shalt  }
0x41: {  	_ =	shalt  }
0x42: {  	_ =	shalt  }
0x43: {  	_ =	shalt  }
0x44: {  	_ =	shalt  }
0x45: {  	_ =	shalt  }
0x46: {  	_ =	shalt  }
0x47: {  	_ =	shalt  }
0x48: {  	_ =	shalt  }
0x49: {  	_ =	shalt  }
0x4a: {  	_ =	shalt  }
0x4b: {  	_ =	shalt  }
0x4c: {  	_ =	shalt  }
0x4d: {  	_ =	shalt  }
0x4e: {  	_ =	shalt  }
0x4f: {  	_ =	shalt  }
0x50: {  	_ =	shalt  }
0x51: {  	_ =	shalt  }
0x52: {  	_ =	shalt  }
0x53: {  	_ =	shalt  }
0x54: {  	_ =	shalt  }
0x55: {  	_ =	shalt  }
0x56: {  	_ =	shalt  }
0x57: {  	_ =	shalt  }
0x58: {  	_ =	shalt  }
0x59: {  	_ =	shalt  }
0x5a: {  	_ =	shalt  }
0x5b: {  	_ =	shalt  }
0x5c: {  	_ =	shalt  }
0x5d: {  	_ =	shalt  }
0x5e: {  	_ =	shalt  }
0x5f: {  	_ =	shalt  }
0x60: {  	_ =	shalt  }
0x61: {  	_ =	shalt  }
0x62: {  	_ =	shalt  }
0x63: {  	_ =	shalt  }
0x64: {  	_ =	shalt  }
0x65: {  	_ =	shalt  }
0x66: {  	_ =	shalt  }
0x67: {  	_ =	shalt  }
0x68: {  	_ =	shalt  }
0x69: {  	_ =	shalt  }
0x6a: {  	_ =	shalt  }
0x6b: {  	_ =	shalt  }
0x6c: {  	_ =	shalt  }
0x6d: {  	_ =	shalt  }
0x6e: {  	_ =	shalt  }
0x6f: {  	_ =	shalt  }
0x70: {  	_ =	shalt  }
0x71: {  	_ =	shalt  }
0x72: {  	_ =	shalt  }
0x73: {  	_ =	shalt  }
0x74: {  	_ =	shalt  }
0x75: {  	_ =	shalt  }
0x76: {  	_ =	shalt  }
0x77: {  	_ =	shalt  }
0x78: {  	_ =	shalt  }
0x79: {  	_ =	shalt  }
0x7a: {  	_ =	shalt  }
0x7b: {  	_ =	shalt  }
0x7c: {  	_ =	shalt  }
0x7d: {  	_ =	shalt  }
0x7e: {  	_ =	shalt  }
0x7f: {  	_ =	shalt  }
0x80: {  	_ =	shalt  }
0x81: {  	_ =	shalt  }
0x82: {  	_ =	shalt  }
0x83: {  	_ =	shalt  }
0x84: {  	_ =	shalt  }
0x85: {  	_ =	shalt  }
0x86: {  	_ =	shalt  }
0x87: {  	_ =	shalt  }
.Lfunc_end0:
.L_simem_size_0:
called_computation.1_lowered:
.L_overlay_start_0:
0x88: {  	s2 =	sld [smem:$0x3FD9]  }
0x89: {  	s3 =	sld [smem:$0x3FFE];
	_ =	sdelay $0x1  }
0x8a: {  	s1 =	srdreg.scid  }
0x8b: {  	s0 =	sand.u32 $0x1, s1  }
0x8c: {  	s16 =	sshll.u32 s0, $0xA;
	s2 =	sadd.s32 s3, s2  }
0x8d: {  	s2 =	sadd.s32 s2, s16  }
0x8e: {  	[smem:$0x3FB8] =	sst s2  }
0x8f: {  	_ = 	snop  }
0x90: {  	(tm) =	ssettm $0x1  }
0x91: {  	s17 =	sld [smem:$0x3FFB];
	_ =	sdelay $0x3  }
0x92: {  	_ =	strace s17  }
0x93: {  	s2 =	sld [smem:$0x3FFC];
	_ =	sdelay $0x3  }
0x94: {  	_ =	strace s2  }
0x95: {  	s2 =	sld [smem:$0x3FFD];
	_ =	sdelay $0x3  }
0x96: {  	_ =	strace s2  }
0x97: {  	_ =	strace $0x8FFFFFFF  }
0x98: {  	s18 =	sld [smem:$0x3FDB];
	_ =	sdelay $0x1  }
0x99: {  	s19 =	simm.s32 $_scs_section_size  }
0x9a: {  	s4 =	simm.s32 $_size__tile_overlayer_lowered;
	s5 =	simm.s32 $_tile_overlayer_lowered  }
0x9b: {  	s22 =	simm.s32 $0x1BFF;
	s21 =	sshll.u32 s5, $0x1;
	s2 =	sadd.s32 s19, s18  }
0x9c: {  	s6 =	simm.s32 $0x0;
	s20 =	sshll.u32 s4, $0x1;
	s4 =	sadd.s32 s21, s2  }
0x9d: {  	[timem:s6], [sflag:s22] =	dma.local [hbm:s4], s20  }
0x9e: {  	_ =	swait.ge [sflag:s22], s20  }
0x9f: {  	s3 =	ssub.s32 $0x0, s20;
	[sflag:s22] =	ssyncset.done $0x0  }
0xa0: {  	[sflag:s22] =	ssyncadd.s32 s3;
	_ =	sdelay $0x1  }
0xa1: {  	s23 =	simm.s32 $0x1B8B  }
0xa2: {  	_ =	swait.ge [sflag:s23], $0x1  }
0xa3: {  	[sflag:s23] =	ssyncset.done $0x0  }
0xa4: {  	s25 =	simm.s32 $0x1B8E;
	s24 =	sld [smem:$0x3FFE];
	[sflag:s23] =	ssyncadd.s32 $0xFFFFFFFF  }
0xa5: {  	s26 =	simm.s32 $execute0_lowered;
	[smem:$0x3FD2] =	sst s25  }
0xa6: {  	s4 =	sshll.u32 s26, $0x1;
	_ =	strace $0x80000049;
	[dreg:$0x1] =	wrdreg $0xFFFFFFFF  }
0xa7: {  	s28 =	simm.s32 $_size_execute0_lowered;
	s2 =	sadd.s32 s2, s4;
	[dreg:$0x0] =	wrdreg $0x0  }
0xa8: {  	s4 =	sshll.u32 s28, $0x1;
	[dreg:$0x2] =	wrdreg s2  }
0xa9: {  	[dreg:$0x3] =	wrdreg s4  }
0xaa: {  	[dreg:$0x4] =	wrdreg $0xC0  }
0xab: {  	_ =	task [dreg:s6], $0x5FFFF  }
0xac: {  	[dreg:$0x1] =	wrdreg $0xFFFFFFFF  }
0xad: {  	[dreg:$0x0] =	wrdreg $0x60  }
0xae: {  	[dreg:$0x2] =	wrdreg s24  }
0xaf: {  	[dreg:$0x3] =	wrdreg $0x128000  }
0xb0: {  	[dreg:$0x4] =	wrdreg $0x9  }
0xb1: {  	_ =	task.clear_ibuf [dreg:s6], $0x5FFFF;
	_ =	strace $0x90000049  }
0xb2: {  	s29 =	simm.s32 $0x9;
	_ =	strace $0x8000004B  }
0xb3: {  	_ =	swait.ge [sflag:s29], $0x1  }
0xb4: {  	[sflag:s29] =	ssyncadd.s32 $0xFFFFFFFF  }
0xb5: {  	_ =	strace $0x9000004B  }
0xb6: {  	_ =	sfence  }
0xb7: {  	s30 =	sld [smem:$0x0];
	_ =	sdelay $0x2  }
0xb8: {  	s31 =	sshll.u32 s1, $0xD;
	s1 =	sshrl.u32 s1, $0x2  }
0xb9: {  	s3 =	sand.u32 $0x4000, s31;
	s1 =	sadd.s32 s1, s30  }
0xba: {  	s0 =	sor.u32 s3, s0;
	s1 =	sshll.u32 s1, $0x11  }
0xbb: {  	s0 =	sor.u32 s1, s0  }
0xbc: {  	s0 =	sadd.s32 $0x8F2B, s0  }
0xbd: {  	[sflag:s0] =	ssyncadd.remote.s32 $0x1  }
0xbe: {  	_ =	sfence.sel $0xFFFF  }
0xbf: {  	[dreg:$0x0] =	wrdreg $0xFFFFFFFF;
	(pc) =	sbr.abs _section_cstart, $3  }
0xc0: {  	[dreg:$0x1] =	wrdreg $0xFFFFFFFF  }
0xc1: {  	_ =	task.clear_ibuf [dreg:s6], $0x2FFFF;
	_ =	strace $0x9FFFFFFF  }
0xc2: {  	(tm) =	ssettm $0x7FFFFFFF  }
0xc3: {  	_ =	shalt  }
tec
execute0_lowered:
.L_overlay_start_1:
0x0: {  	(tag) =	ssettag $0x1  }
0x1: {  	s0 =	srdreg.scid;
	s13 =	rddreg [dreg:$0x0]  }
0x2: {  	s2 =	rddreg [dreg:$0x1];
	s3 =	simm.s32 $0x0;
	s20 =	simm.s32 $0x7D  }
0x3: {  	s21 =	simm.s32 $0x5000;
	s22 =	simm.s32 $0x1;
	s23 =	simm.s32 $0x4F80  }
0x4: {  	s24 =	simm.s32 $0x9000;
	s25 =	simm.s32 $0x0;
	s6 =	sand.u32 $0x1, s0  }
0x5: {  	s0 =	stileid.u32;
	[smem:$0x7FF] =	sst s3;
	s4 =	sadd.s32 $0x18200, s13  }
0x6: {  	s14 =	sadd.s32 $0x2E00, s13;
	s5 =	sadd.s32 $0x17600, s13;
	s8 =	smul.u32 $0x2C000, s0  }
0x7: {  	s15 =	sadd.s32 $0x72200, s13;
	s19 =	sadd.s32 $0x72C00, s13;
	s12 =	smul.u32 $0x140, s0  }
0x8: {  	s1 =	sshll.u32 s6, $0x4;
	s11 =	ssub.s32 $0x2, s6;
	s17 =	smul.u32 $0x2800, s6  }
0x9: {  	s29 =	smul.u32 $0x28000, s0;
	s9 =	sor.u32 s0, s1;
	s1 =	rddreg [dreg:$0x2]  }
0xa: {  	_ =	strace $0x8000004A;
	s16 =	sshrl.u32 s11, $0x1;
	s10 =	smul.u32 $0x500, s9  }
0xb: {  	s8 =	sshrl.u32 s8, $0x2;
	s18 =	ssub.s32 s11, s16;
	s12 =	sadd.s32 s12, s17  }
0xc: {  	s11 =	sshrl.u32 s29, $0x2;
	s31 =	smul.u32 $0x2800, s9;
	s6 =	sadd.s32 s8, s2  }
0xd: {  	s30 =	sshll.u32 s12, $0x4;
	s7 =	sadd.s32 s10, s13;
	s8 =	sadd.s32 $0x5800, s6  }
0xe: {  	s9 =	sadd.s32 s14, s10;
	s10 =	sadd.s32 s11, s2;
	s11 =	sadd.s32 s15, s30  }
0xf: {  	s17 =	sshrl.u32 s31, $0x3;
	s13 =	sadd.s32 s30, s19;
	s16 =	sadd.s32 $0x14000, s30  }
0x10: {  	s7 =	sadd.s32 $0x68200, s7;
	s12 =	sadd.s32 $0x5000, s10;
	s14 =	sadd.s32 s14, s17  }
0x11: {  	s15 =	sadd.s32 s15, s16;
	s16 =	sadd.s32 s16, s19;
	s17 =	smax.u32 s18, $0x1  }
0x12: {  	s18 =	simm.s32 $0x2;
	s19 =	simm.s32 $0xD000;
	s14 =	sadd.s32 $0xA000, s14  }
.LBB2_1:
0x13: {  	[tilespmem:s3], [sflag:$0x2] =	stream.linear.gather [hbm4b:s7+s3], $0x2800, $0x38;
	[tilespmem:$0x1D800] =	vst v63  }
0x14: {  	_ =	swait.ge [sflag:s18], $0x2800  }
0x15: {  	[sflag:s18] =	ssyncset.done $0x0  }
0x16: {  	[sflag:s18] =	ssyncadd.s32 $0xFFFFD800  }
0x17: {  	[tilespmem:s19], [sflag:$0x2] =	stream.linear.gather [hbm4b:s5+s3], $0x5800, $0x38;
	[tilespmem:$0x1D800] =	vst v63  }
0x18: {  	_ =	swait.ge [sflag:s18], $0x5800  }
0x19: {  	[sflag:s18] =	ssyncset.done $0x0  }
0x1a: {  	[sflag:s18] =	ssyncadd.s32 $0xFFFFA800  }
0x1b: {  	[spmem:s6] =	stream.linear.scatter [tilespmem:s19], [sflag:$0x2], $0x5800, $0x38;
	[tilespmem:$0x1D800] =	vst v63  }
0x1c: {  	_ =	swait.ge [sflag:s18], $0x5800  }
0x1d: {  	[sflag:s18] =	ssyncset.done $0x0  }
0x1e: {  	[sflag:s18] =	ssyncadd.s32 $0xFFFFA800  }
0x1f: {  	[spmem:s8] =	stream.linear.scatter [tilespmem:s19], [sflag:$0x2], $0x5800, $0x38;
	[tilespmem:$0x1D800] =	vst v63  }
0x20: {  	_ =	swait.ge [sflag:s18], $0x5800  }
0x21: {  	[sflag:s18] =	ssyncset.done $0x0  }
0x22: {  	s26 =	simm.s32 $0x2800;
	[sflag:s18] =	ssyncadd.s32 $0xFFFFA800  }
0x23: {  	[tilespmem:s26], [sflag:$0x2] =	stream.linear.gather [hbm4b:s9+s3], $0x2800, $0x38;
	[tilespmem:$0x1D800] =	vst v63  }
0x24: {  	_ =	swait.ge [sflag:s18], $0x2800  }
0x25: {  	[sflag:s18] =	ssyncset.done $0x0  }
0x26: {  	[sflag:s18] =	ssyncadd.s32 $0xFFFFD800  }
0x27: {  	[bflag:$0x0] =	sbarrier.arrive $0xFFFF  }
0x28: {  	[tilespmem:s21], [sflag:$0x1] =	stream.indirect.gather [hbm4b:s4+s20], $0x80, s3, s20, $0xb8;
	[tilespmem:$0x1D800] =	vst v63  }
0x29: {  	s28 =	simm.s32 $0x0;
	_ =	swait.ge [sflag:s22], $0x3E80  }
0x2a: {  	s29 =	sand.u32 $0x4000, s28;
	[sflag:s22] =	ssyncset.done $0x0  }
0x2b: {  	s28 =	simm.s32 $0x80;
	s30 =	ssub.s32 $0x9000, s29;
	[sflag:s22] =	ssyncadd.s32 $0xFFFFC180  }
0x2c: {  	[tilespmem:s30], [sflag:$0x1] =	stream.indirect.gather [hbm4b:s4+s20], $0x80, s28, s20, $0xb8;
	[tilespmem:$0x1D800] =	vst v63  }
0x2d: {  	s29 =	sadd.s32 $0x5000, s29  }
0x2e: {  	[spmem:s2] =	stream.indirect.scatter.add.f32 [tilespmem:s29], [sflag:$0x2], $0x80, s26, s20, $0xb8;
	[tilespmem:$0x1D800] =	vst v63  }
0x2f: {  	_ =	swait.ge [sflag:s18], $0x3E80  }
0x30: {  	s29 =	simm.s32 $0x1;
	[sflag:s18] =	ssyncset.done $0x0  }
.LBB2_2:
0x31: {  	[sflag:s18] =	ssyncadd.s32 $0xFFFFC180;
	s26 =	sadd.s32 $0x80, s26;
	s28 =	sadd.s32 $0x80, s28  }
0x32: {  	p0 =	sne.s32 s29, $0x4E;
	s30 =	smov.u32 s29;
	s29 =	sadd.s32 $0x1, s29  }
0x33: {  	s30 =	sshll.u32 s30, $0xE;
	_ =	swait.ge [sflag:s22], $0x3E80  }
0x34: {  	s30 =	sand.u32 $0x4000, s30;
	[sflag:s22] =	ssyncset.done $0x0  }
0x35: {  	s31 =	ssub.s32 $0x9000, s30;
	[sflag:s22] =	ssyncadd.s32 $0xFFFFC180  }
0x36: {  	[tilespmem:s31], [sflag:$0x1] =	stream.indirect.gather [hbm4b:s4+s20], $0x80, s28, s20, $0xb8;
	[tilespmem:$0x1D800] =	vst v63  }
.Ltmp0:
0x37: {  	_ = 	snop;
	(pc) =	sbr.rel @p0 .LBB2_2-.Ltmp0, $4  }
0x38: {  	s30 =	sadd.s32 $0x5000, s30  }
0x39: {  	[spmem:s2] =	stream.indirect.scatter.add.f32 [tilespmem:s30], [sflag:$0x2], $0x80, s26, s20, $0xb8;
	[tilespmem:$0x1D800] =	vst v63  }
0x3a: {  	_ =	swait.ge [sflag:s18], $0x3E80  }
0x3b: {  	[sflag:s18] =	ssyncset.done $0x0  }
0x3c: {  	[sflag:s18] =	ssyncadd.s32 $0xFFFFC180  }
0x3d: {  	_ =	swait.ge [sflag:s22], $0x3E80  }
0x3e: {  	[sflag:s22] =	ssyncset.done $0x0  }
0x3f: {  	[sflag:s22] =	ssyncadd.s32 $0xFFFFC180  }
0x40: {  	[spmem:s2] =	stream.indirect.scatter.add.f32 [tilespmem:s24], [sflag:$0x2], $0x80, s23, s20, $0xb8;
	[tilespmem:$0x1D800] =	vst v63  }
0x41: {  	_ =	swait.ge [sflag:s18], $0x3E80  }
0x42: {  	[sflag:s18] =	ssyncset.done $0x0  }
0x43: {  	[sflag:s18] =	ssyncadd.s32 $0xFFFFC180  }
0x44: {  	[bflag:$0x0] =	sbarrier.arrive $0xFFFF  }
0x45: {  	[tilespmem:s19], [sflag:$0x2] =	stream.linear.gather [spmem:s10], $0x5000, $0x38;
	[tilespmem:$0x1D800] =	vst v63  }
0x46: {  	_ =	swait.ge [sflag:s18], $0x5000  }
0x47: {  	[sflag:s18] =	ssyncset.done $0x0  }
0x48: {  	s28 =	simm.s32 $0x0;
	[sflag:s18] =	ssyncadd.s32 $0xFFFFB000  }
0x49: {  	[hbm4b:s11+s28] =	stream.linear.scatter [tilespmem:s19], [sflag:$0x2], $0x5000, $0x38;
	[tilespmem:$0x1D800] =	vst v63  }
0x4a: {  	_ =	swait.ge [sflag:s18], $0x5000  }
0x4b: {  	[sflag:s18] =	ssyncset.done $0x0  }
0x4c: {  	[sflag:s18] =	ssyncadd.s32 $0xFFFFB000  }
0x4d: {  	[tilespmem:s19], [sflag:$0x2] =	stream.linear.gather [spmem:s12], $0x5000, $0x38;
	[tilespmem:$0x1D800] =	vst v63  }
0x4e: {  	_ =	swait.ge [sflag:s18], $0x5000  }
0x4f: {  	[sflag:s18] =	ssyncset.done $0x0  }
0x50: {  	[sflag:s18] =	ssyncadd.s32 $0xFFFFB000  }
0x51: {  	[hbm4b:s13+s28] =	stream.linear.scatter [tilespmem:s19], [sflag:$0x2], $0x5000, $0x38;
	[tilespmem:$0x1D800] =	vst v63  }
0x52: {  	_ =	swait.ge [sflag:s18], $0x5000  }
0x53: {  	[sflag:s18] =	ssyncset.done $0x0  }
0x54: {  	[sflag:s18] =	ssyncadd.s32 $0xFFFFB000  }
0x55: {  	[bflag:$0x0] =	sbarrier.arrive $0xFFFF  }
0x56: {  	[tilespmem:s19], [sflag:$0x2] =	stream.linear.gather [hbm4b:s5+s28], $0x5800, $0x38;
	[tilespmem:$0x1D800] =	vst v63  }
0x57: {  	_ =	swait.ge [sflag:s18], $0x5800  }
0x58: {  	[sflag:s18] =	ssyncset.done $0x0  }
0x59: {  	[sflag:s18] =	ssyncadd.s32 $0xFFFFA800  }
0x5a: {  	[spmem:s6] =	stream.linear.scatter [tilespmem:s19], [sflag:$0x2], $0x5800, $0x38;
	[tilespmem:$0x1D800] =	vst v63  }
0x5b: {  	_ =	swait.ge [sflag:s18], $0x5800  }
0x5c: {  	[sflag:s18] =	ssyncset.done $0x0  }
0x5d: {  	[sflag:s18] =	ssyncadd.s32 $0xFFFFA800  }
0x5e: {  	[spmem:s8] =	stream.linear.scatter [tilespmem:s19], [sflag:$0x2], $0x5800, $0x38;
	[tilespmem:$0x1D800] =	vst v63  }
0x5f: {  	_ =	swait.ge [sflag:s18], $0x5800  }
0x60: {  	[sflag:s18] =	ssyncset.done $0x0  }
0x61: {  	s26 =	simm.s32 $0x2800;
	[sflag:s18] =	ssyncadd.s32 $0xFFFFA800  }
0x62: {  	[tilespmem:s26], [sflag:$0x2] =	stream.linear.gather [hbm4b:s14+s28], $0x2800, $0x38;
	[tilespmem:$0x1D800] =	vst v63  }
0x63: {  	_ =	swait.ge [sflag:s18], $0x2800  }
0x64: {  	[sflag:s18] =	ssyncset.done $0x0  }
0x65: {  	[sflag:s18] =	ssyncadd.s32 $0xFFFFD800  }
0x66: {  	[bflag:$0x0] =	sbarrier.arrive $0xFFFF  }
0x67: {  	[tilespmem:s21], [sflag:$0x1] =	stream.indirect.gather [hbm4b:s4+s20], $0x80, s28, s20, $0xb8;
	[tilespmem:$0x1D800] =	vst v63  }
0x68: {  	s28 =	simm.s32 $0x0;
	_ =	swait.ge [sflag:s22], $0x3E80  }
0x69: {  	s29 =	sand.u32 $0x4000, s28;
	[sflag:s22] =	ssyncset.done $0x0  }
0x6a: {  	s28 =	simm.s32 $0x80;
	s30 =	ssub.s32 $0x9000, s29;
	[sflag:s22] =	ssyncadd.s32 $0xFFFFC180  }
0x6b: {  	[tilespmem:s30], [sflag:$0x1] =	stream.indirect.gather [hbm4b:s4+s20], $0x80, s28, s20, $0xb8;
	[tilespmem:$0x1D800] =	vst v63  }
0x6c: {  	s29 =	sadd.s32 $0x5000, s29  }
0x6d: {  	[spmem:s2] =	stream.indirect.scatter.add.f32 [tilespmem:s29], [sflag:$0x2], $0x80, s26, s20, $0xb8;
	[tilespmem:$0x1D800] =	vst v63  }
0x6e: {  	_ =	swait.ge [sflag:s18], $0x3E80  }
0x6f: {  	s29 =	simm.s32 $0x1;
	[sflag:s18] =	ssyncset.done $0x0  }
.LBB2_4:
0x70: {  	[sflag:s18] =	ssyncadd.s32 $0xFFFFC180;
	s26 =	sadd.s32 $0x80, s26;
	s28 =	sadd.s32 $0x80, s28  }
0x71: {  	p0 =	sne.s32 s29, $0x4E;
	s30 =	smov.u32 s29;
	s29 =	sadd.s32 $0x1, s29  }
0x72: {  	s30 =	sshll.u32 s30, $0xE;
	_ =	swait.ge [sflag:s22], $0x3E80  }
0x73: {  	s30 =	sand.u32 $0x4000, s30;
	[sflag:s22] =	ssyncset.done $0x0  }
0x74: {  	s31 =	ssub.s32 $0x9000, s30;
	[sflag:s22] =	ssyncadd.s32 $0xFFFFC180  }
0x75: {  	[tilespmem:s31], [sflag:$0x1] =	stream.indirect.gather [hbm4b:s4+s20], $0x80, s28, s20, $0xb8;
	[tilespmem:$0x1D800] =	vst v63  }
.Ltmp1:
0x76: {  	_ = 	snop;
	(pc) =	sbr.rel @p0 .LBB2_4-.Ltmp1, $4  }
0x77: {  	s30 =	sadd.s32 $0x5000, s30  }
0x78: {  	[spmem:s2] =	stream.indirect.scatter.add.f32 [tilespmem:s30], [sflag:$0x2], $0x80, s26, s20, $0xb8;
	[tilespmem:$0x1D800] =	vst v63  }
0x79: {  	_ =	swait.ge [sflag:s18], $0x3E80  }
0x7a: {  	[sflag:s18] =	ssyncset.done $0x0  }
0x7b: {  	[sflag:s18] =	ssyncadd.s32 $0xFFFFC180  }
0x7c: {  	_ =	swait.ge [sflag:s22], $0x3E80  }
0x7d: {  	[sflag:s22] =	ssyncset.done $0x0  }
0x7e: {  	[sflag:s22] =	ssyncadd.s32 $0xFFFFC180  }
0x7f: {  	[spmem:s2] =	stream.indirect.scatter.add.f32 [tilespmem:s24], [sflag:$0x2], $0x80, s23, s20, $0xb8;
	[tilespmem:$0x1D800] =	vst v63  }
0x80: {  	_ =	swait.ge [sflag:s18], $0x3E80  }
0x81: {  	[sflag:s18] =	ssyncset.done $0x0  }
0x82: {  	[sflag:s18] =	ssyncadd.s32 $0xFFFFC180  }
0x83: {  	[bflag:$0x0] =	sbarrier.arrive $0xFFFF  }
0x84: {  	[tilespmem:s19], [sflag:$0x2] =	stream.linear.gather [spmem:s10], $0x5000, $0x38;
	[tilespmem:$0x1D800] =	vst v63  }
0x85: {  	_ =	swait.ge [sflag:s18], $0x5000  }
0x86: {  	[sflag:s18] =	ssyncset.done $0x0  }
0x87: {  	[sflag:s18] =	ssyncadd.s32 $0xFFFFB000  }
0x88: {  	[hbm4b:s15+s3] =	stream.linear.scatter [tilespmem:s19], [sflag:$0x2], $0x5000, $0x38;
	[tilespmem:$0x1D800] =	vst v63  }
0x89: {  	_ =	swait.ge [sflag:s18], $0x5000  }
0x8a: {  	[sflag:s18] =	ssyncset.done $0x0  }
0x8b: {  	[sflag:s18] =	ssyncadd.s32 $0xFFFFB000  }
0x8c: {  	[tilespmem:s19], [sflag:$0x2] =	stream.linear.gather [spmem:s12], $0x5000, $0x38;
	[tilespmem:$0x1D800] =	vst v63  }
0x8d: {  	s25 =	sadd.s32 $0x1, s25;
	_ =	swait.ge [sflag:s18], $0x5000  }
0x8e: {  	p0 =	sne.s32 s25, s17;
	[sflag:s18] =	ssyncset.done $0x0  }
.Ltmp2:
0x8f: {  	[sflag:s18] =	ssyncadd.s32 $0xFFFFB000;
	(pc) =	sbr.rel @p0 .LBB2_1-.Ltmp2, $4  }
0x90: {  	[hbm4b:s16+s3] =	stream.linear.scatter [tilespmem:s19], [sflag:$0x2], $0x5000, $0x38;
	[tilespmem:$0x1D800] =	vst v63  }
0x91: {  	_ =	swait.ge [sflag:s18], $0x5000  }
0x92: {  	[sflag:s18] =	ssyncset.done $0x0  }
0x93: {  	[sflag:s18] =	ssyncadd.s32 $0xFFFFB000  }
0x94: {  	_ =	sfence.sel $0x180000  }
0x95: {  	[bflag:$0x0] =	sbarrier.arrive $0xFFFF  }
0x96: {  	p0 =	sne.s32 s0, $0x0;
	_ =	strace $0x9000004A  }
0x97: {  	s0 =	sadd.s32 @!p0 $0x100000, s1;
	[bflag:$0x2] =	sbarrier.arrive $0xFFFF  }
0x98: {  	[sflag:s0] =	ssyncadd.tile.s32 @!p0 $0x1;
	_ =	shalt  }
.Lfunc_end2:
_tile_overlayer_lowered:
.L_overlay_start_2:
0x99: {  	(tag) =	ssettag $0x2  }
0x9a: {  	s0 =	rddreg [dreg:$0x0];
	s2 =	stileid.u32  }
0x9b: {  	s1 =	rddreg [dreg:$0x1];
	p0 =	sne.s32 s2, $0x0  }
0x9c: {  	s3 =	rddreg [dreg:$0x2];
	[bflag:$0x3] =	sbarrier.arrive $0xFFFF;
	s2 =	simm.s32 @!p0 $0x1C02  }
0x9d: {  	[timem:s3], [sflag:s2] =	dma.local @!p0 [hbm:s0], s1  }
0x9e: {  	s0 =	simm.s32 @!p0 $0x2  }
0x9f: {  	_ =	swait.ge @!p0 [sflag:s0], s1  }
0xa0: {  	s1 =	ssub.s32 @!p0 $0x0, s1;
	[sflag:s0] =	ssyncset.done @!p0 $0x0  }
0xa1: {  	[sflag:s0] =	ssyncadd.s32 @!p0 s1  }
0xa2: {  	[bflag:$0x3] =	sbarrier.arrive $0xFFFF  }
0xa3: {  	_ =	shalt  }

// kernel: kernel.14.cloned.1.call-start
scs
__scs_entry_jumppad:
0x0: {  	(pc) =	sbr.rel $0x88, $3  }
0x1: {  	(tag) =	ssettag $0x0;
	lr =	simm.s32 $0x1  }
0x2: {  	[smem:$0x3F91] =	sst lr;
	_ =	strace $0xD0000000  }
0x3: {  	_ = 	snop  }
0x4: {  	_ = 	snop  }
0x5: {  	_ = 	snop  }
0x6: {  	_ = 	snop  }
0x7: {  	_ = 	snop  }
__scs_overlays_trampoline_lowered:
0x8: {  	[smem:$0x3FA0] =	sst s0  }
0x9: {  	[smem:$0x3FA1] =	sst s1  }
0xa: {  	[smem:$0x3FA2] =	sst s2  }
0xb: {  	[smem:$0x3FA3] =	sst s3  }
0xc: {  	[smem:$0x3FA4] =	sst s4  }
0xd: {  	[smem:$0x3FA5] =	sst s5  }
0xe: {  	[smem:$0x3FA6] =	sst s6  }
0xf: {  	[smem:$0x3FA7] =	sst s7  }
0x10: {  	[smem:$0x3FA8] =	sst s8  }
0x11: {  	[smem:$0x3FA9] =	sst s9;
	s0 =	simm.s32 @!p0 $0x0  }
0x12: {  	s1 =	sld [smem:$0x3F8F];
	s0 =	simm.s32 @p0 $0x1  }
0x13: {  	[smem:$0x3FAA] =	sst s0;
	s0 =	simm.s32 @!p1 $0x0  }
0x14: {  	s2 =	sld [smem:$0x3F8E];
	s0 =	simm.s32 @p1 $0x1  }
0x15: {  	[smem:$0x3FAB] =	sst s0;
	s0 =	simm.s32 @!p2 $0x0  }
0x16: {  	s3 =	sld [smem:$0x3FDB];
	s0 =	simm.s32 @p2 $0x1  }
0x17: {  	s4 =	simm.s32 $0x1BF5;
	[smem:$0x3FAD] =	sst s0  }
0x18: {  	s0 =	sld [smem:$0x3F90];
	_ =	swait.ge [sflag:s4], $0x0  }
0x19: {  	s7 =	sld [smem:$0x3F91]  }
0x1a: {  	s8 =	sadd.s32 $0xFFFFE003, lr  }
0x1b: {  	s9 =	sadd.s32 $0xFFFFFEF7, lr;
	s5 =	simm.s32 $0xFFFFFFFF;
	p2 =	slt.u32 s8, $0xFFFFF086  }
0x1c: {  	p1 =	slt.u32 s9, $0xF7A;
	s5 =	simm.s32 @!p2 $0x0  }
0x1d: {  	s5 =	simm.s32 @p1 $0x1;
	p0 =	seq.s32 s7, s2  }
0x1e: {  	s7 =	smul.u32 @!p0 $0xF7A, s2;
	p2 =	seq.s32 @!p0 s5, $0x0  }
0x1f: {  	s9 =	smul.u32 $0xF7A, s1;
	s8 =	simm.s32 @!p0 $0x1BF5;
	p2 =	por !p2, p0  }
0x20: {  	[sflag:s8] =	ssyncset.s32 @!p0 $0xFFFFF086;
	s6 =	sadd.s32 @!p0 s3, s7;
	s7 =	simm.s32 @!p0 $0x108  }
0x21: {  	s3 =	sadd.s32 s3, s9;
	s6 =	sadd.s32 @!p0 $0x88, s6;
	s7 =	simm.s32 @p2 $0x1082  }
0x22: {  	[simem:s7], [sflag:s8] =	dma.local @!p0 [hbm:s6], $0xF7A  }
0x23: {  	s9 =	sor.u32 $0xD0000000, s2;
	s6 =	simm.s32 $0x108;
	_ =	swait.ge @!p0 [sflag:s8], $0x0  }
0x24: {  	s3 =	sadd.s32 $0x88, s3;
	s6 =	simm.s32 @!p1 $0x1082;
	[sflag:s4] =	ssyncset.s32 $0xFFFFF086  }
0x25: {  	[simem:s6], [sflag:s4] =	dma.local [hbm:s3], $0xF7A  }
0x26: {  	[smem:$0x3F91] =	sst s1;
	(tag) =	ssettag s2;
	_ =	strace s9  }
0x27: {  	s1 =	sld [smem:$0x3FA1]  }
0x28: {  	s2 =	sld [smem:$0x3FA2]  }
0x29: {  	s4 =	sld [smem:$0x3FA4]  }
0x2a: {  	p0 =	seq.s32 s5, $0x0;
	s5 =	sld [smem:$0x3FA5]  }
0x2b: {  	s6 =	sld [smem:$0x3FA6]  }
0x2c: {  	s7 =	sld [smem:$0x3FA7]  }
0x2d: {  	s3 =	simm.s32 $0x108;
	s8 =	sld [smem:$0x3FA8]  }
0x2e: {  	s3 =	simm.s32 @!p0 $0x1082;
	s9 =	sld [smem:$0x3FA9]  }
0x2f: {  	lr =	sadd.s32 s0, s3;
	s0 =	sld [smem:$0x3FA0]  }
0x30: {  	s3 =	sld [smem:$0x3FA3]  }
0x31: {  	[smem:$0x3FAC] =	sst s10  }
0x32: {  	s10 =	sld [smem:$0x3FAA];
	_ =	sdelay $0x3  }
0x33: {  	p0 =	seq.s32 s10, $0x1;
	s10 =	sld [smem:$0x3FAC];
	_ =	sdelay $0x3  }
0x34: {  	[smem:$0x3FAC] =	sst s10  }
0x35: {  	s10 =	sld [smem:$0x3FAB];
	_ =	sdelay $0x3  }
0x36: {  	p1 =	seq.s32 s10, $0x1;
	s10 =	sld [smem:$0x3FAC];
	_ =	sdelay $0x3  }
0x37: {  	[smem:$0x3FAC] =	sst s10  }
0x38: {  	s10 =	sld [smem:$0x3FAD]  }
0x39: {  	_ = 	snop;
	(pc) =	sbr.ind lr, $3  }
0x3a: {  	_ = 	snop  }
0x3b: {  	_ = 	snop  }
0x3c: {  	p2 =	seq.s32 s10, $0x1;
	s10 =	sld [smem:$0x3FAC]  }
0x3d: {  	_ =	shalt  }
0x3e: {  	_ =	shalt  }
0x3f: {  	_ =	shalt  }
0x40: {  	_ =	shalt  }
0x41: {  	_ =	shalt  }
0x42: {  	_ =	shalt  }
0x43: {  	_ =	shalt  }
0x44: {  	_ =	shalt  }
0x45: {  	_ =	shalt  }
0x46: {  	_ =	shalt  }
0x47: {  	_ =	shalt  }
0x48: {  	_ =	shalt  }
0x49: {  	_ =	shalt  }
0x4a: {  	_ =	shalt  }
0x4b: {  	_ =	shalt  }
0x4c: {  	_ =	shalt  }
0x4d: {  	_ =	shalt  }
0x4e: {  	_ =	shalt  }
0x4f: {  	_ =	shalt  }
0x50: {  	_ =	shalt  }
0x51: {  	_ =	shalt  }
0x52: {  	_ =	shalt  }
0x53: {  	_ =	shalt  }
0x54: {  	_ =	shalt  }
0x55: {  	_ =	shalt  }
0x56: {  	_ =	shalt  }
0x57: {  	_ =	shalt  }
0x58: {  	_ =	shalt  }
0x59: {  	_ =	shalt  }
0x5a: {  	_ =	shalt  }
0x5b: {  	_ =	shalt  }
0x5c: {  	_ =	shalt  }
0x5d: {  	_ =	shalt  }
0x5e: {  	_ =	shalt  }
0x5f: {  	_ =	shalt  }
0x60: {  	_ =	shalt  }
0x61: {  	_ =	shalt  }
0x62: {  	_ =	shalt  }
0x63: {  	_ =	shalt  }
0x64: {  	_ =	shalt  }
0x65: {  	_ =	shalt  }
0x66: {  	_ =	shalt  }
0x67: {  	_ =	shalt  }
0x68: {  	_ =	shalt  }
0x69: {  	_ =	shalt  }
0x6a: {  	_ =	shalt  }
0x6b: {  	_ =	shalt  }
0x6c: {  	_ =	shalt  }
0x6d: {  	_ =	shalt  }
0x6e: {  	_ =	shalt  }
0x6f: {  	_ =	shalt  }
0x70: {  	_ =	shalt  }
0x71: {  	_ =	shalt  }
0x72: {  	_ =	shalt  }
0x73: {  	_ =	shalt  }
0x74: {  	_ =	shalt  }
0x75: {  	_ =	shalt  }
0x76: {  	_ =	shalt  }
0x77: {  	_ =	shalt  }
0x78: {  	_ =	shalt  }
0x79: {  	_ =	shalt  }
0x7a: {  	_ =	shalt  }
0x7b: {  	_ =	shalt  }
0x7c: {  	_ =	shalt  }
0x7d: {  	_ =	shalt  }
0x7e: {  	_ =	shalt  }
0x7f: {  	_ =	shalt  }
0x80: {  	_ =	shalt  }
0x81: {  	_ =	shalt  }
0x82: {  	_ =	shalt  }
0x83: {  	_ =	shalt  }
0x84: {  	_ =	shalt  }
0x85: {  	_ =	shalt  }
0x86: {  	_ =	shalt  }
0x87: {  	_ =	shalt  }
.Lfunc_end0:
.L_simem_size_0:
called_computation.2_lowered:
.L_overlay_start_0:
0x88: {  	s2 =	sld [smem:$0x3FD9]  }
0x89: {  	s3 =	sld [smem:$0x3FFE];
	_ =	sdelay $0x1  }
0x8a: {  	s1 =	srdreg.scid  }
0x8b: {  	s0 =	sand.u32 $0x1, s1  }
0x8c: {  	s16 =	sshll.u32 s0, $0xA;
	s2 =	sadd.s32 s3, s2  }
0x8d: {  	s2 =	sadd.s32 s2, s16  }
0x8e: {  	[smem:$0x3FB8] =	sst s2  }
0x8f: {  	_ = 	snop  }
0x90: {  	(tm) =	ssettm $0x1  }
0x91: {  	s17 =	sld [smem:$0x3FFB];
	_ =	sdelay $0x3  }
0x92: {  	_ =	strace s17  }
0x93: {  	s2 =	sld [smem:$0x3FFC];
	_ =	sdelay $0x3  }
0x94: {  	_ =	strace s2  }
0x95: {  	s2 =	sld [smem:$0x3FFD];
	_ =	sdelay $0x3  }
0x96: {  	_ =	strace s2  }
0x97: {  	_ =	strace $0x8FFFFFFF  }
0x98: {  	s18 =	sld [smem:$0x3FDB];
	_ =	sdelay $0x1  }
0x99: {  	s19 =	simm.s32 $_scs_section_size  }
0x9a: {  	s4 =	simm.s32 $_size__tile_overlayer_lowered;
	s5 =	simm.s32 $_tile_overlayer_lowered  }
0x9b: {  	s22 =	simm.s32 $0x1BFF;
	s21 =	sshll.u32 s5, $0x1;
	s2 =	sadd.s32 s19, s18  }
0x9c: {  	s6 =	simm.s32 $0x0;
	s20 =	sshll.u32 s4, $0x1;
	s4 =	sadd.s32 s21, s2  }
0x9d: {  	[timem:s6], [sflag:s22] =	dma.local [hbm:s4], s20  }
0x9e: {  	_ =	swait.ge [sflag:s22], s20  }
0x9f: {  	s3 =	ssub.s32 $0x0, s20;
	[sflag:s22] =	ssyncset.done $0x0  }
0xa0: {  	[sflag:s22] =	ssyncadd.s32 s3;
	_ =	sdelay $0x1  }
0xa1: {  	s23 =	simm.s32 $0x1B8B  }
0xa2: {  	_ =	swait.ge [sflag:s23], $0x1  }
0xa3: {  	[sflag:s23] =	ssyncset.done $0x0  }
0xa4: {  	s25 =	simm.s32 $0x1B8E;
	s24 =	sld [smem:$0x3FFE];
	[sflag:s23] =	ssyncadd.s32 $0xFFFFFFFF  }
0xa5: {  	s26 =	simm.s32 $execute0_lowered;
	[smem:$0x3FD2] =	sst s25  }
0xa6: {  	s4 =	sshll.u32 s26, $0x1;
	_ =	strace $0x8000004C;
	[dreg:$0x1] =	wrdreg $0xFFFFFFFF  }
0xa7: {  	s28 =	simm.s32 $_size_execute0_lowered;
	s2 =	sadd.s32 s2, s4;
	[dreg:$0x0] =	wrdreg $0x0  }
0xa8: {  	s4 =	sshll.u32 s28, $0x1;
	[dreg:$0x2] =	wrdreg s2  }
0xa9: {  	[dreg:$0x3] =	wrdreg s4  }
0xaa: {  	[dreg:$0x4] =	wrdreg $0xC0  }
0xab: {  	_ =	task [dreg:s6], $0x5FFFF  }
0xac: {  	[dreg:$0x1] =	wrdreg $0xFFFFFFFF  }
0xad: {  	[dreg:$0x0] =	wrdreg $0x60  }
0xae: {  	[dreg:$0x2] =	wrdreg s24  }
0xaf: {  	[dreg:$0x3] =	wrdreg $0x128000  }
0xb0: {  	[dreg:$0x4] =	wrdreg $0x9  }
0xb1: {  	_ =	task.clear_ibuf [dreg:s6], $0x5FFFF;
	_ =	strace $0x9000004C  }
0xb2: {  	s29 =	simm.s32 $0x9;
	_ =	strace $0x8000004E  }
0xb3: {  	_ =	swait.ge [sflag:s29], $0x1  }
0xb4: {  	[sflag:s29] =	ssyncadd.s32 $0xFFFFFFFF  }
0xb5: {  	_ =	strace $0x9000004E  }
0xb6: {  	_ =	sfence  }
0xb7: {  	s30 =	sld [smem:$0x0];
	_ =	sdelay $0x2  }
0xb8: {  	s31 =	sshll.u32 s1, $0xD;
	s1 =	sshrl.u32 s1, $0x2  }
0xb9: {  	s3 =	sand.u32 $0x4000, s31;
	s1 =	sadd.s32 s1, s30  }
0xba: {  	s0 =	sor.u32 s3, s0;
	s1 =	sshll.u32 s1, $0x11  }
0xbb: {  	s0 =	sor.u32 s1, s0  }
0xbc: {  	s0 =	sadd.s32 $0x8F2B, s0  }
0xbd: {  	[sflag:s0] =	ssyncadd.remote.s32 $0x1  }
0xbe: {  	_ =	sfence.sel $0xFFFF  }
0xbf: {  	[dreg:$0x0] =	wrdreg $0xFFFFFFFF;
	(pc) =	sbr.abs _section_cstart, $3  }
0xc0: {  	[dreg:$0x1] =	wrdreg $0xFFFFFFFF  }
0xc1: {  	_ =	task.clear_ibuf [dreg:s6], $0x2FFFF;
	_ =	strace $0x9FFFFFFF  }
0xc2: {  	(tm) =	ssettm $0x7FFFFFFF  }
0xc3: {  	_ =	shalt  }
tec
execute0_lowered:
.L_overlay_start_1:
0x0: {  	(tag) =	ssettag $0x1  }
0x1: {  	s6 =	rddreg [dreg:$0x0]  }
0x2: {  	s0 =	srdreg.scid;
	s2 =	rddreg [dreg:$0x1];
	s3 =	simm.s32 $0x0  }
0x3: {  	s14 =	simm.s32 $0xD000;
	s15 =	simm.s32 $0x7D;
	s16 =	simm.s32 $0x5000  }
0x4: {  	s17 =	simm.s32 $0x1;
	s18 =	simm.s32 $0x4F80;
	s19 =	simm.s32 $0x9000  }
0x5: {  	s20 =	simm.s32 $0x0;
	s5 =	sand.u32 $0x1, s0;
	s0 =	stileid.u32  }
0x6: {  	[smem:$0x7FF] =	sst s3;
	s4 =	sadd.s32 $0x53400, s6;
	s8 =	smul.u32 $0x140, s0  }
0x7: {  	s1 =	sshll.u32 s5, $0x4;
	s9 =	smul.u32 $0x1400, s5;
	s30 =	ssub.s32 $0x2, s5  }
0x8: {  	s10 =	smul.u32 $0x28000, s0;
	s5 =	sadd.s32 $0x17600, s6;
	s1 =	sor.u32 s0, s1  }
0x9: {  	s11 =	sshrl.u32 s30, $0x1;
	s7 =	smul.u32 $0x500, s1;
	s1 =	rddreg [dreg:$0x2]  }
0xa: {  	_ =	strace $0x8000004D;
	s8 =	sadd.s32 s8, s9;
	s13 =	ssub.s32 s30, s11  }
0xb: {  	s31 =	sshrl.u32 s10, $0x2;
	s8 =	sshll.u32 s8, $0x4;
	s7 =	sadd.s32 s7, s6  }
0xc: {  	s12 =	sadd.s32 s8, s6;
	s8 =	sadd.s32 s31, s2;
	s6 =	sadd.s32 $0x49400, s7  }
0xd: {  	s7 =	sadd.s32 $0x3F400, s7;
	s9 =	sadd.s32 $0x5000, s8;
	s10 =	sadd.s32 $0xA1600, s12  }
0xe: {  	s11 =	sadd.s32 $0xA2000, s12;
	s12 =	smax.u32 s13, $0x1;
	s13 =	simm.s32 $0x2  }
.LBB2_1:
0xf: {  	[tilespmem:s3], [sflag:$0x2] =	stream.linear.gather [hbm4b:s6+s3], $0x2800, $0x38;
	[tilespmem:$0x1C800] =	vst v63  }
0x10: {  	_ =	swait.ge [sflag:s13], $0x2800  }
0x11: {  	[sflag:s13] =	ssyncset.done $0x0  }
0x12: {  	s21 =	simm.s32 $0x2800;
	[sflag:s13] =	ssyncadd.s32 $0xFFFFD800  }
0x13: {  	[tilespmem:s21], [sflag:$0x2] =	stream.linear.gather [hbm4b:s7+s3], $0x2800, $0x38;
	[tilespmem:$0x1C800] =	vst v63  }
0x14: {  	_ =	swait.ge [sflag:s13], $0x2800  }
0x15: {  	[sflag:s13] =	ssyncset.done $0x0  }
0x16: {  	[sflag:s13] =	ssyncadd.s32 $0xFFFFD800  }
0x17: {  	[tilespmem:s14], [sflag:$0x2] =	stream.linear.gather [hbm4b:s5+s3], $0x5800, $0x38;
	[tilespmem:$0x1C800] =	vst v63  }
0x18: {  	_ =	swait.ge [sflag:s13], $0x5800  }
0x19: {  	[sflag:s13] =	ssyncset.done $0x0  }
0x1a: {  	[sflag:s13] =	ssyncadd.s32 $0xFFFFA800  }
0x1b: {  	[spmem:s8] =	stream.linear.scatter [tilespmem:s14], [sflag:$0x2], $0x5000, $0x38;
	[tilespmem:$0x1C800] =	vst v63  }
0x1c: {  	_ =	swait.ge [sflag:s13], $0x5000  }
0x1d: {  	[sflag:s13] =	ssyncset.done $0x0  }
0x1e: {  	[sflag:s13] =	ssyncadd.s32 $0xFFFFB000  }
0x1f: {  	[spmem:s9] =	stream.linear.scatter [tilespmem:s14], [sflag:$0x2], $0x5000, $0x38;
	[tilespmem:$0x1C800] =	vst v63  }
0x20: {  	_ =	swait.ge [sflag:s13], $0x5000  }
0x21: {  	[sflag:s13] =	ssyncset.done $0x0  }
0x22: {  	[sflag:s13] =	ssyncadd.s32 $0xFFFFB000  }
0x23: {  	[bflag:$0x0] =	sbarrier.arrive $0xFFFF  }
0x24: {  	[tilespmem:s16], [sflag:$0x1] =	stream.indirect.gather [hbm4b:s4+s15], $0x80, s3, s15, $0xb8;
	[tilespmem:$0x1C800] =	vst v63  }
0x25: {  	s22 =	simm.s32 $0x0;
	_ =	swait.ge [sflag:s17], $0x3E80  }
0x26: {  	s23 =	sand.u32 $0x4000, s22;
	[sflag:s17] =	ssyncset.done $0x0  }
0x27: {  	s22 =	simm.s32 $0x80;
	s24 =	ssub.s32 $0x9000, s23;
	[sflag:s17] =	ssyncadd.s32 $0xFFFFC180  }
0x28: {  	[tilespmem:s24], [sflag:$0x1] =	stream.indirect.gather [hbm4b:s4+s15], $0x80, s22, s15, $0xb8;
	[tilespmem:$0x1C800] =	vst v63  }
0x29: {  	s23 =	sadd.s32 $0x5000, s23  }
0x2a: {  	[spmem:s2] =	stream.indirect.scatter.add.f32 [tilespmem:s23], [sflag:$0x2], $0x80, s21, s15, $0xb8;
	[tilespmem:$0x1C800] =	vst v63  }
0x2b: {  	_ =	swait.ge [sflag:s13], $0x3E80  }
0x2c: {  	s23 =	simm.s32 $0x1;
	[sflag:s13] =	ssyncset.done $0x0  }
.LBB2_2:
0x2d: {  	[sflag:s13] =	ssyncadd.s32 $0xFFFFC180;
	s21 =	sadd.s32 $0x80, s21;
	s22 =	sadd.s32 $0x80, s22  }
0x2e: {  	p0 =	sne.s32 s23, $0x4E;
	s24 =	smov.u32 s23;
	s23 =	sadd.s32 $0x1, s23  }
0x2f: {  	s24 =	sshll.u32 s24, $0xE;
	_ =	swait.ge [sflag:s17], $0x3E80  }
0x30: {  	s24 =	sand.u32 $0x4000, s24;
	[sflag:s17] =	ssyncset.done $0x0  }
0x31: {  	s25 =	ssub.s32 $0x9000, s24;
	[sflag:s17] =	ssyncadd.s32 $0xFFFFC180  }
0x32: {  	[tilespmem:s25], [sflag:$0x1] =	stream.indirect.gather [hbm4b:s4+s15], $0x80, s22, s15, $0xb8;
	[tilespmem:$0x1C800] =	vst v63  }
.Ltmp0:
0x33: {  	_ = 	snop;
	(pc) =	sbr.rel @p0 .LBB2_2-.Ltmp0, $4  }
0x34: {  	s24 =	sadd.s32 $0x5000, s24  }
0x35: {  	[spmem:s2] =	stream.indirect.scatter.add.f32 [tilespmem:s24], [sflag:$0x2], $0x80, s21, s15, $0xb8;
	[tilespmem:$0x1C800] =	vst v63  }
0x36: {  	_ =	swait.ge [sflag:s13], $0x3E80  }
0x37: {  	[sflag:s13] =	ssyncset.done $0x0  }
0x38: {  	[sflag:s13] =	ssyncadd.s32 $0xFFFFC180  }
0x39: {  	_ =	swait.ge [sflag:s17], $0x3E80  }
0x3a: {  	[sflag:s17] =	ssyncset.done $0x0  }
0x3b: {  	[sflag:s17] =	ssyncadd.s32 $0xFFFFC180  }
0x3c: {  	[spmem:s2] =	stream.indirect.scatter.add.f32 [tilespmem:s19], [sflag:$0x2], $0x80, s18, s15, $0xb8;
	[tilespmem:$0x1C800] =	vst v63  }
0x3d: {  	_ =	swait.ge [sflag:s13], $0x3E80  }
0x3e: {  	[sflag:s13] =	ssyncset.done $0x0  }
0x3f: {  	[sflag:s13] =	ssyncadd.s32 $0xFFFFC180  }
0x40: {  	[bflag:$0x0] =	sbarrier.arrive $0xFFFF  }
0x41: {  	[tilespmem:s14], [sflag:$0x2] =	stream.linear.gather [spmem:s8], $0x5000, $0x38;
	[tilespmem:$0x1C800] =	vst v63  }
0x42: {  	_ =	swait.ge [sflag:s13], $0x5000  }
0x43: {  	[sflag:s13] =	ssyncset.done $0x0  }
0x44: {  	[sflag:s13] =	ssyncadd.s32 $0xFFFFB000  }
0x45: {  	[hbm4b:s10+s3] =	stream.linear.scatter [tilespmem:s14], [sflag:$0x2], $0x5000, $0x38;
	[tilespmem:$0x1C800] =	vst v63  }
0x46: {  	_ =	swait.ge [sflag:s13], $0x5000  }
0x47: {  	[sflag:s13] =	ssyncset.done $0x0  }
0x48: {  	[sflag:s13] =	ssyncadd.s32 $0xFFFFB000  }
0x49: {  	[tilespmem:s14], [sflag:$0x2] =	stream.linear.gather [spmem:s9], $0x5000, $0x38;
	[tilespmem:$0x1C800] =	vst v63  }
0x4a: {  	s20 =	sadd.s32 $0x1, s20;
	_ =	swait.ge [sflag:s13], $0x5000  }
0x4b: {  	p0 =	sne.s32 s20, s12;
	[sflag:s13] =	ssyncset.done $0x0  }
.Ltmp1:
0x4c: {  	[sflag:s13] =	ssyncadd.s32 $0xFFFFB000;
	(pc) =	sbr.rel @p0 .LBB2_1-.Ltmp1, $4  }
0x4d: {  	[hbm4b:s11+s3] =	stream.linear.scatter [tilespmem:s14], [sflag:$0x2], $0x5000, $0x38;
	[tilespmem:$0x1C800] =	vst v63  }
0x4e: {  	_ =	swait.ge [sflag:s13], $0x5000  }
0x4f: {  	[sflag:s13] =	ssyncset.done $0x0  }
0x50: {  	[sflag:s13] =	ssyncadd.s32 $0xFFFFB000  }
0x51: {  	_ =	sfence.sel $0x180000  }
0x52: {  	[bflag:$0x0] =	sbarrier.arrive $0xFFFF  }
0x53: {  	p0 =	sne.s32 s0, $0x0;
	_ =	strace $0x9000004D  }
0x54: {  	s0 =	sadd.s32 @!p0 $0x100000, s1;
	[bflag:$0x2] =	sbarrier.arrive $0xFFFF  }
0x55: {  	[sflag:s0] =	ssyncadd.tile.s32 @!p0 $0x1;
	_ =	shalt  }
.Lfunc_end2:
_tile_overlayer_lowered:
.L_overlay_start_2:
0x56: {  	(tag) =	ssettag $0x2  }
0x57: {  	s0 =	rddreg [dreg:$0x0];
	s2 =	stileid.u32  }
0x58: {  	s1 =	rddreg [dreg:$0x1];
	p0 =	sne.s32 s2, $0x0  }
0x59: {  	s3 =	rddreg [dreg:$0x2];
	[bflag:$0x3] =	sbarrier.arrive $0xFFFF;
	s2 =	simm.s32 @!p0 $0x1C02  }
0x5a: {  	[timem:s3], [sflag:s2] =	dma.local @!p0 [hbm:s0], s1  }
0x5b: {  	s0 =	simm.s32 @!p0 $0x2  }
0x5c: {  	_ =	swait.ge @!p0 [sflag:s0], s1  }
0x5d: {  	s1 =	ssub.s32 @!p0 $0x0, s1;
	[sflag:s0] =	ssyncset.done @!p0 $0x0  }
0x5e: {  	[sflag:s0] =	ssyncadd.s32 @!p0 s1  }
0x5f: {  	[bflag:$0x3] =	sbarrier.arrive $0xFFFF  }
0x60: {  	_ =	shalt  }

// kernel: kernel.8.cloned.1.call-start
scs
__scs_entry_jumppad:
0x0: {  	(pc) =	sbr.rel $0x88, $3  }
0x1: {  	(tag) =	ssettag $0x0;
	lr =	simm.s32 $0x1  }
0x2: {  	[smem:$0x3F91] =	sst lr;
	_ =	strace $0xD0000000  }
0x3: {  	_ = 	snop  }
0x4: {  	_ = 	snop  }
0x5: {  	_ = 	snop  }
0x6: {  	_ = 	snop  }
0x7: {  	_ = 	snop  }
__scs_overlays_trampoline_lowered:
0x8: {  	[smem:$0x3FA0] =	sst s0  }
0x9: {  	[smem:$0x3FA1] =	sst s1  }
0xa: {  	[smem:$0x3FA2] =	sst s2  }
0xb: {  	[smem:$0x3FA3] =	sst s3  }
0xc: {  	[smem:$0x3FA4] =	sst s4  }
0xd: {  	[smem:$0x3FA5] =	sst s5  }
0xe: {  	[smem:$0x3FA6] =	sst s6  }
0xf: {  	[smem:$0x3FA7] =	sst s7  }
0x10: {  	[smem:$0x3FA8] =	sst s8  }
0x11: {  	[smem:$0x3FA9] =	sst s9;
	s0 =	simm.s32 @!p0 $0x0  }
0x12: {  	s1 =	sld [smem:$0x3F8F];
	s0 =	simm.s32 @p0 $0x1  }
0x13: {  	[smem:$0x3FAA] =	sst s0;
	s0 =	simm.s32 @!p1 $0x0  }
0x14: {  	s2 =	sld [smem:$0x3F8E];
	s0 =	simm.s32 @p1 $0x1  }
0x15: {  	[smem:$0x3FAB] =	sst s0;
	s0 =	simm.s32 @!p2 $0x0  }
0x16: {  	s3 =	sld [smem:$0x3FDB];
	s0 =	simm.s32 @p2 $0x1  }
0x17: {  	s4 =	simm.s32 $0x1BF5;
	[smem:$0x3FAD] =	sst s0  }
0x18: {  	s0 =	sld [smem:$0x3F90];
	_ =	swait.ge [sflag:s4], $0x0  }
0x19: {  	s7 =	sld [smem:$0x3F91]  }
0x1a: {  	s8 =	sadd.s32 $0xFFFFE003, lr  }
0x1b: {  	s9 =	sadd.s32 $0xFFFFFEF7, lr;
	s5 =	simm.s32 $0xFFFFFFFF;
	p2 =	slt.u32 s8, $0xFFFFF086  }
0x1c: {  	p1 =	slt.u32 s9, $0xF7A;
	s5 =	simm.s32 @!p2 $0x0  }
0x1d: {  	s5 =	simm.s32 @p1 $0x1;
	p0 =	seq.s32 s7, s2  }
0x1e: {  	s7 =	smul.u32 @!p0 $0xF7A, s2;
	p2 =	seq.s32 @!p0 s5, $0x0  }
0x1f: {  	s9 =	smul.u32 $0xF7A, s1;
	s8 =	simm.s32 @!p0 $0x1BF5;
	p2 =	por !p2, p0  }
0x20: {  	[sflag:s8] =	ssyncset.s32 @!p0 $0xFFFFF086;
	s6 =	sadd.s32 @!p0 s3, s7;
	s7 =	simm.s32 @!p0 $0x108  }
0x21: {  	s3 =	sadd.s32 s3, s9;
	s6 =	sadd.s32 @!p0 $0x88, s6;
	s7 =	simm.s32 @p2 $0x1082  }
0x22: {  	[simem:s7], [sflag:s8] =	dma.local @!p0 [hbm:s6], $0xF7A  }
0x23: {  	s9 =	sor.u32 $0xD0000000, s2;
	s6 =	simm.s32 $0x108;
	_ =	swait.ge @!p0 [sflag:s8], $0x0  }
0x24: {  	s3 =	sadd.s32 $0x88, s3;
	s6 =	simm.s32 @!p1 $0x1082;
	[sflag:s4] =	ssyncset.s32 $0xFFFFF086  }
0x25: {  	[simem:s6], [sflag:s4] =	dma.local [hbm:s3], $0xF7A  }
0x26: {  	[smem:$0x3F91] =	sst s1;
	(tag) =	ssettag s2;
	_ =	strace s9  }
0x27: {  	s1 =	sld [smem:$0x3FA1]  }
0x28: {  	s2 =	sld [smem:$0x3FA2]  }
0x29: {  	s4 =	sld [smem:$0x3FA4]  }
0x2a: {  	p0 =	seq.s32 s5, $0x0;
	s5 =	sld [smem:$0x3FA5]  }
0x2b: {  	s6 =	sld [smem:$0x3FA6]  }
0x2c: {  	s7 =	sld [smem:$0x3FA7]  }
0x2d: {  	s3 =	simm.s32 $0x108;
	s8 =	sld [smem:$0x3FA8]  }
0x2e: {  	s3 =	simm.s32 @!p0 $0x1082;
	s9 =	sld [smem:$0x3FA9]  }
0x2f: {  	lr =	sadd.s32 s0, s3;
	s0 =	sld [smem:$0x3FA0]  }
0x30: {  	s3 =	sld [smem:$0x3FA3]  }
0x31: {  	[smem:$0x3FAC] =	sst s10  }
0x32: {  	s10 =	sld [smem:$0x3FAA];
	_ =	sdelay $0x3  }
0x33: {  	p0 =	seq.s32 s10, $0x1;
	s10 =	sld [smem:$0x3FAC];
	_ =	sdelay $0x3  }
0x34: {  	[smem:$0x3FAC] =	sst s10  }
0x35: {  	s10 =	sld [smem:$0x3FAB];
	_ =	sdelay $0x3  }
0x36: {  	p1 =	seq.s32 s10, $0x1;
	s10 =	sld [smem:$0x3FAC];
	_ =	sdelay $0x3  }
0x37: {  	[smem:$0x3FAC] =	sst s10  }
0x38: {  	s10 =	sld [smem:$0x3FAD]  }
0x39: {  	_ = 	snop;
	(pc) =	sbr.ind lr, $3  }
0x3a: {  	_ = 	snop  }
0x3b: {  	_ = 	snop  }
0x3c: {  	p2 =	seq.s32 s10, $0x1;
	s10 =	sld [smem:$0x3FAC]  }
0x3d: {  	_ =	shalt  }
0x3e: {  	_ =	shalt  }
0x3f: {  	_ =	shalt  }
0x40: {  	_ =	shalt  }
0x41: {  	_ =	shalt  }
0x42: {  	_ =	shalt  }
0x43: {  	_ =	shalt  }
0x44: {  	_ =	shalt  }
0x45: {  	_ =	shalt  }
0x46: {  	_ =	shalt  }
0x47: {  	_ =	shalt  }
0x48: {  	_ =	shalt  }
0x49: {  	_ =	shalt  }
0x4a: {  	_ =	shalt  }
0x4b: {  	_ =	shalt  }
0x4c: {  	_ =	shalt  }
0x4d: {  	_ =	shalt  }
0x4e: {  	_ =	shalt  }
0x4f: {  	_ =	shalt  }
0x50: {  	_ =	shalt  }
0x51: {  	_ =	shalt  }
0x52: {  	_ =	shalt  }
0x53: {  	_ =	shalt  }
0x54: {  	_ =	shalt  }
0x55: {  	_ =	shalt  }
0x56: {  	_ =	shalt  }
0x57: {  	_ =	shalt  }
0x58: {  	_ =	shalt  }
0x59: {  	_ =	shalt  }
0x5a: {  	_ =	shalt  }
0x5b: {  	_ =	shalt  }
0x5c: {  	_ =	shalt  }
0x5d: {  	_ =	shalt  }
0x5e: {  	_ =	shalt  }
0x5f: {  	_ =	shalt  }
0x60: {  	_ =	shalt  }
0x61: {  	_ =	shalt  }
0x62: {  	_ =	shalt  }
0x63: {  	_ =	shalt  }
0x64: {  	_ =	shalt  }
0x65: {  	_ =	shalt  }
0x66: {  	_ =	shalt  }
0x67: {  	_ =	shalt  }
0x68: {  	_ =	shalt  }
0x69: {  	_ =	shalt  }
0x6a: {  	_ =	shalt  }
0x6b: {  	_ =	shalt  }
0x6c: {  	_ =	shalt  }
0x6d: {  	_ =	shalt  }
0x6e: {  	_ =	shalt  }
0x6f: {  	_ =	shalt  }
0x70: {  	_ =	shalt  }
0x71: {  	_ =	shalt  }
0x72: {  	_ =	shalt  }
0x73: {  	_ =	shalt  }
0x74: {  	_ =	shalt  }
0x75: {  	_ =	shalt  }
0x76: {  	_ =	shalt  }
0x77: {  	_ =	shalt  }
0x78: {  	_ =	shalt  }
0x79: {  	_ =	shalt  }
0x7a: {  	_ =	shalt  }
0x7b: {  	_ =	shalt  }
0x7c: {  	_ =	shalt  }
0x7d: {  	_ =	shalt  }
0x7e: {  	_ =	shalt  }
0x7f: {  	_ =	shalt  }
0x80: {  	_ =	shalt  }
0x81: {  	_ =	shalt  }
0x82: {  	_ =	shalt  }
0x83: {  	_ =	shalt  }
0x84: {  	_ =	shalt  }
0x85: {  	_ =	shalt  }
0x86: {  	_ =	shalt  }
0x87: {  	_ =	shalt  }
.Lfunc_end0:
.L_simem_size_0:
called_computation_lowered:
.L_overlay_start_0:
0x88: {  	s2 =	sld [smem:$0x3FD9]  }
0x89: {  	s3 =	sld [smem:$0x3FFE];
	_ =	sdelay $0x1  }
0x8a: {  	s1 =	srdreg.scid  }
0x8b: {  	s0 =	sand.u32 $0x1, s1  }
0x8c: {  	s16 =	sshll.u32 s0, $0xA;
	s2 =	sadd.s32 s3, s2  }
0x8d: {  	s2 =	sadd.s32 s2, s16  }
0x8e: {  	[smem:$0x3FB8] =	sst s2  }
0x8f: {  	_ = 	snop  }
0x90: {  	(tm) =	ssettm $0x1  }
0x91: {  	s17 =	sld [smem:$0x3FFB];
	_ =	sdelay $0x3  }
0x92: {  	_ =	strace s17  }
0x93: {  	s2 =	sld [smem:$0x3FFC];
	_ =	sdelay $0x3  }
0x94: {  	_ =	strace s2  }
0x95: {  	s2 =	sld [smem:$0x3FFD];
	_ =	sdelay $0x3  }
0x96: {  	_ =	strace s2  }
0x97: {  	_ =	strace $0x8FFFFFFF  }
0x98: {  	s18 =	sld [smem:$0x3FDB];
	_ =	sdelay $0x1  }
0x99: {  	s19 =	simm.s32 $_scs_section_size  }
0x9a: {  	s4 =	simm.s32 $_size__tile_overlayer_lowered;
	s5 =	simm.s32 $_tile_overlayer_lowered  }
0x9b: {  	s22 =	simm.s32 $0x1BFF;
	s21 =	sshll.u32 s5, $0x1;
	s2 =	sadd.s32 s19, s18  }
0x9c: {  	s6 =	simm.s32 $0x0;
	s20 =	sshll.u32 s4, $0x1;
	s4 =	sadd.s32 s21, s2  }
0x9d: {  	[timem:s6], [sflag:s22] =	dma.local [hbm:s4], s20  }
0x9e: {  	_ =	swait.ge [sflag:s22], s20  }
0x9f: {  	s3 =	ssub.s32 $0x0, s20;
	[sflag:s22] =	ssyncset.done $0x0  }
0xa0: {  	[sflag:s22] =	ssyncadd.s32 s3;
	_ =	sdelay $0x1  }
0xa1: {  	s23 =	simm.s32 $0x1B8B  }
0xa2: {  	_ =	swait.ge [sflag:s23], $0x1  }
0xa3: {  	[sflag:s23] =	ssyncset.done $0x0  }
0xa4: {  	s25 =	simm.s32 $0x1B8E;
	s24 =	sld [smem:$0x3FFE];
	[sflag:s23] =	ssyncadd.s32 $0xFFFFFFFF  }
0xa5: {  	s26 =	simm.s32 $execute0_lowered;
	[smem:$0x3FD2] =	sst s25  }
0xa6: {  	s4 =	sshll.u32 s26, $0x1;
	_ =	strace $0x80000046;
	[dreg:$0x1] =	wrdreg $0xFFFFFFFF  }
0xa7: {  	s28 =	simm.s32 $_size_execute0_lowered;
	s2 =	sadd.s32 s2, s4;
	[dreg:$0x0] =	wrdreg $0x0  }
0xa8: {  	s4 =	sshll.u32 s28, $0x1;
	[dreg:$0x2] =	wrdreg s2  }
0xa9: {  	[dreg:$0x3] =	wrdreg s4  }
0xaa: {  	[dreg:$0x4] =	wrdreg $0xC0  }
0xab: {  	_ =	task [dreg:s6], $0x5FFFF  }
0xac: {  	[dreg:$0x1] =	wrdreg $0xFFFFFFFF  }
0xad: {  	[dreg:$0x0] =	wrdreg $0x60  }
0xae: {  	[dreg:$0x2] =	wrdreg s24  }
0xaf: {  	[dreg:$0x3] =	wrdreg $0xC0000  }
0xb0: {  	[dreg:$0x4] =	wrdreg $0x9  }
0xb1: {  	_ =	task.clear_ibuf [dreg:s6], $0x5FFFF;
	_ =	strace $0x90000046  }
0xb2: {  	s29 =	simm.s32 $0x9;
	_ =	strace $0x80000048  }
0xb3: {  	_ =	swait.ge [sflag:s29], $0x1  }
0xb4: {  	[sflag:s29] =	ssyncadd.s32 $0xFFFFFFFF  }
0xb5: {  	_ =	strace $0x90000048  }
0xb6: {  	_ =	sfence  }
0xb7: {  	s30 =	sld [smem:$0x0];
	_ =	sdelay $0x2  }
0xb8: {  	s31 =	sshll.u32 s1, $0xD;
	s1 =	sshrl.u32 s1, $0x2  }
0xb9: {  	s3 =	sand.u32 $0x4000, s31;
	s1 =	sadd.s32 s1, s30  }
0xba: {  	s0 =	sor.u32 s3, s0;
	s1 =	sshll.u32 s1, $0x11  }
0xbb: {  	s0 =	sor.u32 s1, s0  }
0xbc: {  	s0 =	sadd.s32 $0x8F2B, s0  }
0xbd: {  	[sflag:s0] =	ssyncadd.remote.s32 $0x1  }
0xbe: {  	_ =	sfence.sel $0xFFFF  }
0xbf: {  	[dreg:$0x0] =	wrdreg $0xFFFFFFFF;
	(pc) =	sbr.abs _section_cstart, $3  }
0xc0: {  	[dreg:$0x1] =	wrdreg $0xFFFFFFFF  }
0xc1: {  	_ =	task.clear_ibuf [dreg:s6], $0x2FFFF;
	_ =	strace $0x9FFFFFFF  }
0xc2: {  	(tm) =	ssettm $0x7FFFFFFF  }
0xc3: {  	_ =	shalt  }
tec
execute0_lowered:
.L_overlay_start_1:
0x0: {  	(tag) =	ssettag $0x1  }
0x1: {  	s12 =	rddreg [dreg:$0x0]  }
0x2: {  	s1 =	rddreg [dreg:$0x1]  }
0x3: {  	s0 =	rddreg [dreg:$0x2]  }
0x4: {  	s2 =	simm.s32 $0x0;
	s3 =	srdreg.scid;
	s19 =	simm.s32 $0x6800  }
0x5: {  	s20 =	simm.s32 $0x7D;
	s21 =	simm.s32 $0x0;
	[smem:$0x7FF] =	sst s2  }
0x6: {  	s4 =	sadd.s32 $0x16E00, s12;
	s6 =	sand.u32 $0x1, s3;
	s3 =	stileid.u32  }
0x7: {  	s13 =	sadd.s32 $0x2E00, s12;
	s5 =	sadd.s32 $0x17600, s12;
	s9 =	smul.u32 $0x2C000, s3  }
0x8: {  	s14 =	sadd.s32 $0x18200, s12;
	s31 =	sadd.s32 $0x18C00, s12;
	s28 =	smul.u32 $0x140, s3  }
0x9: {  	s7 =	ssub.s32 $0x2, s6;
	s29 =	sshll.u32 s6, $0x4;
	s10 =	smul.u32 $0x2800, s6  }
0xa: {  	s30 =	smul.u32 $0x28000, s3;
	s8 =	sshrl.u32 s7, $0x1;
	s11 =	sor.u32 s3, s29  }
0xb: {  	_ =	strace $0x80000047;
	s16 =	ssub.s32 s7, s8;
	s15 =	smul.u32 $0x500, s11  }
0xc: {  	s9 =	sshrl.u32 s9, $0x2;
	s8 =	sadd.s32 s28, s10;
	s18 =	smul.u32 $0x2800, s11  }
0xd: {  	s6 =	sadd.s32 s9, s1;
	s9 =	sshrl.u32 s30, $0x2;
	s17 =	sshll.u32 s8, $0x4  }
0xe: {  	s16 =	smax.u32 s16, $0x1;
	s7 =	sadd.s32 $0x5800, s6;
	s8 =	sadd.s32 s13, s15  }
0xf: {  	s9 =	sadd.s32 s9, s1;
	s10 =	sadd.s32 s14, s17;
	s18 =	sshrl.u32 s18, $0x3  }
0x10: {  	s12 =	sadd.s32 s17, s31;
	s17 =	sadd.s32 $0x14000, s17;
	s11 =	sadd.s32 $0x5000, s9  }
0x11: {  	s13 =	sadd.s32 s13, s18;
	s14 =	sadd.s32 s14, s17;
	s15 =	sadd.s32 s17, s31  }
0x12: {  	s17 =	simm.s32 $0x2800;
	s18 =	simm.s32 $0x1;
	s13 =	sadd.s32 $0xA000, s13  }
.LBB2_1:
0x13: {  	[tilespmem:s17], [sflag:$0x1] =	stream.linear.gather [hbm4b:s4+s2], $0x3E80, $0x38;
	[tilespmem:$0x17000] =	vst v63  }
0x14: {  	_ =	swait.ge [sflag:s18], $0x3E80  }
0x15: {  	[sflag:s18] =	ssyncset.done $0x0  }
0x16: {  	[sflag:s18] =	ssyncadd.s32 $0xFFFFC180  }
0x17: {  	[tilespmem:s19], [sflag:$0x1] =	stream.linear.gather [hbm4b:s5+s2], $0x5800, $0x38;
	[tilespmem:$0x17000] =	vst v63  }
0x18: {  	_ =	swait.ge [sflag:s18], $0x5800  }
0x19: {  	[sflag:s18] =	ssyncset.done $0x0  }
0x1a: {  	[sflag:s18] =	ssyncadd.s32 $0xFFFFA800  }
0x1b: {  	[spmem:s6] =	stream.linear.scatter [tilespmem:s19], [sflag:$0x1], $0x5800, $0x38;
	[tilespmem:$0x17000] =	vst v63  }
0x1c: {  	_ =	swait.ge [sflag:s18], $0x5800  }
0x1d: {  	[sflag:s18] =	ssyncset.done $0x0  }
0x1e: {  	[sflag:s18] =	ssyncadd.s32 $0xFFFFA800  }
0x1f: {  	[spmem:s7] =	stream.linear.scatter [tilespmem:s19], [sflag:$0x1], $0x5800, $0x38;
	[tilespmem:$0x17000] =	vst v63  }
0x20: {  	_ =	swait.ge [sflag:s18], $0x5800  }
0x21: {  	[sflag:s18] =	ssyncset.done $0x0  }
0x22: {  	[sflag:s18] =	ssyncadd.s32 $0xFFFFA800  }
0x23: {  	[tilespmem:s2], [sflag:$0x1] =	stream.linear.gather [hbm4b:s8+s2], $0x2800, $0x38;
	[tilespmem:$0x17000] =	vst v63  }
0x24: {  	_ =	swait.ge [sflag:s18], $0x2800  }
0x25: {  	[sflag:s18] =	ssyncset.done $0x0  }
0x26: {  	[sflag:s18] =	ssyncadd.s32 $0xFFFFD800  }
0x27: {  	s22 =	simm.s32 $0x0;
	[bflag:$0x0] =	sbarrier.arrive $0xFFFF  }
0x28: {  	[spmem:s1] =	stream.indirect.scatter.add.f32 [tilespmem:s17], [sflag:$0x1], $0x80, s22, s20, $0xb8;
	[tilespmem:$0x17000] =	vst v63  }
0x29: {  	_ =	swait.ge [sflag:s18], $0x3E80  }
0x2a: {  	s22 =	simm.s32 $0x200;
	[sflag:s18] =	ssyncset.done $0x0  }
.LBB2_2:
0x2b: {  	s23 =	sshra.s32 s22, $0x2;
	[sflag:s18] =	ssyncadd.s32 $0xFFFFC180;
	p0 =	sne.s32 s22, $0x9E00  }
0x2c: {  	[spmem:s1] =	stream.indirect.scatter.add.f32 [tilespmem:s17], [sflag:$0x1], $0x80, s23, s20, $0xb8;
	[tilespmem:$0x17000] =	vst v63  }
.Ltmp0:
0x2d: {  	_ = 	snop;
	(pc) =	sbr.rel @p0 .LBB2_2-.Ltmp0, $4  }
0x2e: {  	_ = 	snop  }
0x2f: {  	s22 =	sadd.s32 $0x200, s22  }
0x30: {  	_ =	swait.ge [sflag:s18], $0x3E80  }
0x31: {  	[sflag:s18] =	ssyncset.done $0x0  }
0x32: {  	[sflag:s18] =	ssyncadd.s32 $0xFFFFC180  }
0x33: {  	[bflag:$0x0] =	sbarrier.arrive $0xFFFF  }
0x34: {  	[tilespmem:s19], [sflag:$0x1] =	stream.linear.gather [spmem:s9], $0x5000, $0x38;
	[tilespmem:$0x17000] =	vst v63  }
0x35: {  	_ =	swait.ge [sflag:s18], $0x5000  }
0x36: {  	[sflag:s18] =	ssyncset.done $0x0  }
0x37: {  	s22 =	simm.s32 $0x0;
	[sflag:s18] =	ssyncadd.s32 $0xFFFFB000  }
0x38: {  	[hbm4b:s10+s22] =	stream.linear.scatter [tilespmem:s19], [sflag:$0x1], $0x5000, $0x38;
	[tilespmem:$0x17000] =	vst v63  }
0x39: {  	_ =	swait.ge [sflag:s18], $0x5000  }
0x3a: {  	[sflag:s18] =	ssyncset.done $0x0  }
0x3b: {  	[sflag:s18] =	ssyncadd.s32 $0xFFFFB000  }
0x3c: {  	[tilespmem:s19], [sflag:$0x1] =	stream.linear.gather [spmem:s11], $0x5000, $0x38;
	[tilespmem:$0x17000] =	vst v63  }
0x3d: {  	_ =	swait.ge [sflag:s18], $0x5000  }
0x3e: {  	[sflag:s18] =	ssyncset.done $0x0  }
0x3f: {  	[sflag:s18] =	ssyncadd.s32 $0xFFFFB000  }
0x40: {  	[hbm4b:s12+s22] =	stream.linear.scatter [tilespmem:s19], [sflag:$0x1], $0x5000, $0x38;
	[tilespmem:$0x17000] =	vst v63  }
0x41: {  	_ =	swait.ge [sflag:s18], $0x5000  }
0x42: {  	[sflag:s18] =	ssyncset.done $0x0  }
0x43: {  	[sflag:s18] =	ssyncadd.s32 $0xFFFFB000  }
0x44: {  	[bflag:$0x0] =	sbarrier.arrive $0xFFFF  }
0x45: {  	[tilespmem:s19], [sflag:$0x1] =	stream.linear.gather [hbm4b:s5+s22], $0x5800, $0x38;
	[tilespmem:$0x17000] =	vst v63  }
0x46: {  	_ =	swait.ge [sflag:s18], $0x5800  }
0x47: {  	[sflag:s18] =	ssyncset.done $0x0  }
0x48: {  	[sflag:s18] =	ssyncadd.s32 $0xFFFFA800  }
0x49: {  	[spmem:s6] =	stream.linear.scatter [tilespmem:s19], [sflag:$0x1], $0x5800, $0x38;
	[tilespmem:$0x17000] =	vst v63  }
0x4a: {  	_ =	swait.ge [sflag:s18], $0x5800  }
0x4b: {  	[sflag:s18] =	ssyncset.done $0x0  }
0x4c: {  	[sflag:s18] =	ssyncadd.s32 $0xFFFFA800  }
0x4d: {  	[spmem:s7] =	stream.linear.scatter [tilespmem:s19], [sflag:$0x1], $0x5800, $0x38;
	[tilespmem:$0x17000] =	vst v63  }
0x4e: {  	_ =	swait.ge [sflag:s18], $0x5800  }
0x4f: {  	[sflag:s18] =	ssyncset.done $0x0  }
0x50: {  	[sflag:s18] =	ssyncadd.s32 $0xFFFFA800  }
0x51: {  	[tilespmem:s22], [sflag:$0x1] =	stream.linear.gather [hbm4b:s13+s22], $0x2800, $0x38;
	[tilespmem:$0x17000] =	vst v63  }
0x52: {  	_ =	swait.ge [sflag:s18], $0x2800  }
0x53: {  	[sflag:s18] =	ssyncset.done $0x0  }
0x54: {  	[sflag:s18] =	ssyncadd.s32 $0xFFFFD800  }
0x55: {  	s31 =	simm.s32 $0x0;
	[bflag:$0x0] =	sbarrier.arrive $0xFFFF  }
0x56: {  	[spmem:s1] =	stream.indirect.scatter.add.f32 [tilespmem:s17], [sflag:$0x1], $0x80, s31, s20, $0xb8;
	[tilespmem:$0x17000] =	vst v63  }
0x57: {  	_ =	swait.ge [sflag:s18], $0x3E80  }
0x58: {  	s22 =	simm.s32 $0x200;
	[sflag:s18] =	ssyncset.done $0x0  }
.LBB2_4:
0x59: {  	s23 =	sshra.s32 s22, $0x2;
	[sflag:s18] =	ssyncadd.s32 $0xFFFFC180;
	p0 =	sne.s32 s22, $0x9E00  }
0x5a: {  	[spmem:s1] =	stream.indirect.scatter.add.f32 [tilespmem:s17], [sflag:$0x1], $0x80, s23, s20, $0xb8;
	[tilespmem:$0x17000] =	vst v63  }
.Ltmp1:
0x5b: {  	_ = 	snop;
	(pc) =	sbr.rel @p0 .LBB2_4-.Ltmp1, $4  }
0x5c: {  	_ = 	snop  }
0x5d: {  	s22 =	sadd.s32 $0x200, s22  }
0x5e: {  	_ =	swait.ge [sflag:s18], $0x3E80  }
0x5f: {  	[sflag:s18] =	ssyncset.done $0x0  }
0x60: {  	[sflag:s18] =	ssyncadd.s32 $0xFFFFC180  }
0x61: {  	[bflag:$0x0] =	sbarrier.arrive $0xFFFF  }
0x62: {  	[tilespmem:s19], [sflag:$0x1] =	stream.linear.gather [spmem:s9], $0x5000, $0x38;
	[tilespmem:$0x17000] =	vst v63  }
0x63: {  	_ =	swait.ge [sflag:s18], $0x5000  }
0x64: {  	[sflag:s18] =	ssyncset.done $0x0  }
0x65: {  	[sflag:s18] =	ssyncadd.s32 $0xFFFFB000  }
0x66: {  	[hbm4b:s14+s2] =	stream.linear.scatter [tilespmem:s19], [sflag:$0x1], $0x5000, $0x38;
	[tilespmem:$0x17000] =	vst v63  }
0x67: {  	_ =	swait.ge [sflag:s18], $0x5000  }
0x68: {  	[sflag:s18] =	ssyncset.done $0x0  }
0x69: {  	[sflag:s18] =	ssyncadd.s32 $0xFFFFB000  }
0x6a: {  	[tilespmem:s19], [sflag:$0x1] =	stream.linear.gather [spmem:s11], $0x5000, $0x38;
	[tilespmem:$0x17000] =	vst v63  }
0x6b: {  	s21 =	sadd.s32 $0x1, s21;
	_ =	swait.ge [sflag:s18], $0x5000  }
0x6c: {  	p0 =	sne.s32 s21, s16;
	[sflag:s18] =	ssyncset.done $0x0  }
.Ltmp2:
0x6d: {  	[sflag:s18] =	ssyncadd.s32 $0xFFFFB000;
	(pc) =	sbr.rel @p0 .LBB2_1-.Ltmp2, $4  }
0x6e: {  	[hbm4b:s15+s2] =	stream.linear.scatter [tilespmem:s19], [sflag:$0x1], $0x5000, $0x38;
	[tilespmem:$0x17000] =	vst v63  }
0x6f: {  	_ =	swait.ge [sflag:s18], $0x5000  }
0x70: {  	[sflag:s18] =	ssyncset.done $0x0  }
0x71: {  	[sflag:s18] =	ssyncadd.s32 $0xFFFFB000  }
0x72: {  	_ =	sfence.sel $0x180000  }
0x73: {  	[bflag:$0x0] =	sbarrier.arrive $0xFFFF  }
0x74: {  	p0 =	sne.s32 s3, $0x0;
	_ =	strace $0x90000047  }
0x75: {  	s0 =	sadd.s32 @!p0 $0x100000, s0;
	[bflag:$0x2] =	sbarrier.arrive $0xFFFF  }
0x76: {  	[sflag:s0] =	ssyncadd.tile.s32 @!p0 $0x1;
	_ =	shalt  }
.Lfunc_end2:
_tile_overlayer_lowered:
.L_overlay_start_2:
0x77: {  	(tag) =	ssettag $0x2  }
0x78: {  	s0 =	rddreg [dreg:$0x0];
	s2 =	stileid.u32  }
0x79: {  	s1 =	rddreg [dreg:$0x1];
	p0 =	sne.s32 s2, $0x0  }
0x7a: {  	s3 =	rddreg [dreg:$0x2];
	[bflag:$0x3] =	sbarrier.arrive $0xFFFF;
	s2 =	simm.s32 @!p0 $0x1C01  }
0x7b: {  	[timem:s3], [sflag:s2] =	dma.local @!p0 [hbm:s0], s1  }
0x7c: {  	s0 =	simm.s32 @!p0 $0x1  }
0x7d: {  	_ =	swait.ge @!p0 [sflag:s0], s1  }
0x7e: {  	s1 =	ssub.s32 @!p0 $0x0, s1;
	[sflag:s0] =	ssyncset.done @!p0 $0x0  }
0x7f: {  	[sflag:s0] =	ssyncadd.s32 @!p0 s1  }
0x80: {  	[bflag:$0x3] =	sbarrier.arrive $0xFFFF  }
0x81: {  	_ =	shalt  }

</sc_bundles>
